<compile_context>
chip_gen: v7x
topology: tpu7x:2x2x1
jax: 0.10.2.dev20260603
libtpu: 0.0.44.dev20260713+nightly
codegen_flags: <defaults>
</compile_context>

<pallas_src>
import functools

import jax
import jax.numpy as jnp
from jax import lax
from jax.experimental import pallas as pl
from jax.experimental.pallas import tpu as pltpu
from jax.experimental.pallas import tpu_sc as plsc

_NUM_CORES = 2
_NUM_SUBCORES = 16
_NUM_WORKERS = _NUM_CORES * _NUM_SUBCORES
_RING = 8


def kernel(labels, embedding):
    (B,) = labels.shape
    V, D = embedding.shape
    b_per_w = B // _NUM_WORKERS
    n_rounds = b_per_w // _RING
    assert n_rounds % 2 == 0

    mesh = plsc.VectorSubcoreMesh(core_axis_name="c", subcore_axis_name="s")

    @functools.partial(
        pl.kernel,
        mesh=mesh,
        out_type=jax.ShapeDtypeStruct((D, B), jnp.float32),
        scratch_types=[
            pltpu.VMEM((b_per_w,), jnp.int32),
            pltpu.VMEM((2 * _RING, D, 128), jnp.float32),
            pltpu.VMEM((D, b_per_w), jnp.float32),
            pltpu.SemaphoreType.DMA,
            pltpu.SemaphoreType.DMA,
        ],
        compiler_params=pltpu.CompilerParams(
            disable_bounds_checks=True, needs_layout_passes=False
        ),
    )
    def embed(labels_hbm, table_hbm, out_hbm, idx_v, ring_v, blk_v, sem0, sem1):
        w = lax.axis_index("s") * _NUM_CORES + lax.axis_index("c")
        base = w * b_per_w
        pltpu.sync_copy(labels_hbm.at[pl.ds(base, b_per_w)], idx_v)

        lanes_lo = lax.iota(jnp.int32, 16)
        lanes_hi = lanes_lo + 16
        sems = (sem0, sem1)

        def label_scalar(r, k):
            vb = idx_v[pl.ds((r // 2) * 16, 16)]
            lane = (r % 2) * _RING + k
            return jnp.sum(jnp.where(lanes_lo == lane, vb, 0))

        def issue_round(r, half):
            for k in range(_RING):
                c = label_scalar(r, k)
                col = pl.multiple_of((c >> 7) << 7, 128)
                pltpu.async_copy(
                    table_hbm.at[:, pl.ds(col, 128)],
                    ring_v.at[half * _RING + k],
                    sems[half],
                )

        def drain_round(half):
            for k in range(_RING):
                pltpu.make_async_copy(
                    table_hbm.at[:, pl.ds(0, 128)],
                    ring_v.at[half * _RING + k],
                    sems[half],
                ).wait()

        def extract_round(r, half):
            for k in range(_RING):
                j = r * _RING + k
                c = label_scalar(r, k)
                lane = jnp.full((16,), 1, jnp.int32) * (c & 127)
                jcol = jnp.full((16,), 1, jnp.int32) * j
                buf = ring_v.at[half * _RING + k]
                lo = plsc.load_gather(buf, [lanes_lo, lane])
                hi = plsc.load_gather(buf, [lanes_hi, lane])
                plsc.store_scatter(blk_v, [lanes_lo, jcol], lo)
                plsc.store_scatter(blk_v, [lanes_hi, jcol], hi)

        issue_round(0, 0)

        def body(i, carry):
            r0 = 2 * i
            r1 = r0 + 1
            issue_round(r1, 1)
            drain_round(0)
            extract_round(r0, 0)

            @pl.when(r1 + 1 < n_rounds)
            def _():
                issue_round(r1 + 1, 0)

            drain_round(1)
            extract_round(r1, 1)
            return carry

        lax.fori_loop(0, n_rounds // 2, body, 0, unroll=False)
        pltpu.sync_copy(blk_v, out_hbm.at[:, pl.ds(base, b_per_w)])

    out_t = embed(labels.astype(jnp.int32), embedding.T)
    return out_t.T

# --- scband reference (transcript-rebuilt; emitter-appended) ---
"""Pipeline reference for scband-class-embedder-69621419868922 (READ-ONLY COPY).

The authoritative reference and input builder live on the scoring server;
editing this copy changes nothing except your own understanding.
"""

import jax, jax.numpy as jnp
import numpy as np

NUM_CLASSES = 1000000
HIDDEN_SIZE = 32
BATCH = 16384

def setup_inputs(seed: int = 0) -> dict:
    key = jax.random.key(seed)
    k_lab, k_emb = jax.random.split(key)
    labels = jax.random.randint(k_lab, (BATCH,), 0, NUM_CLASSES, dtype=jnp.int64 if jax.config.jax_enable_x64 else jnp.int32)
    # Embedding table has num_classes + 1 rows (extra row for null class token)
    embedding = jax.random.normal(k_emb, (NUM_CLASSES + 1, HIDDEN_SIZE), dtype=jnp.float32)
    return {"labels": labels, "embedding": embedding}

def reference(labels, embedding):
    # train=False path: no token dropout, just an embedding lookup
    return jnp.take(embedding, labels, axis=0)

if __name__ == "__main__":
    import jax
    _d = setup_inputs()
    print(jax.jit(kernel)(*tuple(_d.values())))

</pallas_src>

<mosaic_0001>
#map = affine_map<(d0, d1) -> (0)>
#map1 = affine_map<(d0, d1) -> (0, 0)>
module attributes {stable_mosaic.version = 14 : i64} {
  func.func @embed(%arg0: i32, %arg1: i32, %arg2: memref<16384xi32, #tpu.memory_space<hbm>>, %arg3: memref<32x1000001xf32, #tpu.memory_space<hbm>>, %arg4: memref<32x16384xf32, #tpu.memory_space<hbm>>, %arg5: memref<512xi32, #tpu.memory_space<vmem>>, %arg6: memref<16x32x128xf32, #tpu.memory_space<vmem>>, %arg7: memref<32x512xf32, #tpu.memory_space<vmem>>, %arg8: memref<!tpu.dma_semaphore, #tpu.memory_space<semaphore_mem>>, %arg9: memref<!tpu.dma_semaphore, #tpu.memory_space<semaphore_mem>>) attributes {dimension_semantics = [#tpu.dimension_semantics<core_parallel>, #tpu.dimension_semantics<subcore_parallel>], iteration_bounds = array<i64: 2, 16>, scalar_prefetch = 0 : i64, scratch_operands = 5 : i64, tpu.core_type = #tpu.core_type<sc_vector_subcore>, window_params = [{transform_indices = #map}, {transform_indices = #map1}, {transform_indices = #map1}]} {
    %mul3A = arith.constant 2 : i32
    %mul3A_0 = arith.muli %arg1, %mul3A : i32
    %add3A = arith.addi %mul3A_0, %arg0 : i32
    %mul3A_1 = arith.constant 512 : i32
    %mul3A_2 = arith.muli %add3A, %mul3A_1 : i32
    "tpu.region"() ({
      %run_scoped3A = tpu.sem_alloc : memref<!tpu.dma_semaphore, #tpu.memory_space<semaphore_mem>>
      %dma_start3A_241 = tpu.memref_slice %arg2[%mul3A_2] : memref<16384xi32, #tpu.memory_space<hbm>> -> memref<512xi32, #tpu.memory_space<hbm>>
      %dma_start3A_242 = tpu.memref_slice %arg2[%mul3A_2] : memref<16384xi32, #tpu.memory_space<hbm>> -> memref<512xi32, #tpu.memory_space<hbm>>
      tpu.enqueue_dma source(%dma_start3A_242 : memref<512xi32, #tpu.memory_space<hbm>>) target(%arg5 : memref<512xi32, #tpu.memory_space<vmem>>) target_semaphore(%run_scoped3A : memref<!tpu.dma_semaphore, #tpu.memory_space<semaphore_mem>>)
      %dma_wait3A = tpu.memref_slice %arg2[%mul3A_2] : memref<16384xi32, #tpu.memory_space<hbm>> -> memref<512xi32, #tpu.memory_space<hbm>>
      %dma_wait3A_243 = tpu.memref_slice %arg2[%mul3A_2] : memref<16384xi32, #tpu.memory_space<hbm>> -> memref<512xi32, #tpu.memory_space<hbm>>
      tpu.wait_dma2 semaphore(%run_scoped3A : memref<!tpu.dma_semaphore, #tpu.memory_space<semaphore_mem>>) src(%dma_wait3A_243 : memref<512xi32, #tpu.memory_space<hbm>>) dst(%arg5 : memref<512xi32, #tpu.memory_space<vmem>>)
      tpu.yield
    }) : () -> ()
    %iota3A = tpu.iota {dimensions = array<i32: 0>} : vector<16xi32>
    %add3A_3 = arith.constant 16 : i32
    %add3A_4 = vector.broadcast %add3A_3 : i32 to vector<16xi32>
    %add3A_5 = arith.addi %iota3A, %add3A_4 : vector<16xi32>
    %get3A = arith.constant 0 : index
    %get3A_6 = tpu.vector_load %arg5[%get3A] {strides = array<i32>} : memref<512xi32, #tpu.memory_space<vmem>>, vector<16xi32>,
    %eq3A = arith.constant 0 : i32
    %eq3A_7 = vector.broadcast %eq3A : i32 to vector<16xi32>
    %eq3A_8 = arith.cmpi eq, %iota3A, %eq3A_7 : vector<16xi32>
    %jit3A = arith.constant 0 : i32
    %broadcast_in_dim3A = vector.broadcast %jit3A : i32 to vector<16xi32>
    %select_n3A = arith.select %eq3A_8, %get3A_6, %broadcast_in_dim3A : vector<16xi1>, vector<16xi32>
    %reduce_sum3A = arith.constant true
    %reduce_sum3A_9 = vector.broadcast %reduce_sum3A : i1 to vector<16xi1>
    %reduce_sum3A_10 = tpu.scan <sum>, %select_n3A masked %reduce_sum3A_9 : vector<16xi32>, vector<16xi1> -> vector<16xi32>
    %reduce_sum3A_11 = vector.extract %reduce_sum3A_10[15] : i32 from vector<16xi32>
    %shift_right_arithmetic3A = arith.constant 7 : i32
    %shift_right_arithmetic3A_12 = arith.shrsi %reduce_sum3A_11, %shift_right_arithmetic3A : i32
    %shift_left3A = arith.constant 7 : i32
    %shift_left3A_13 = arith.shli %shift_right_arithmetic3A_12, %shift_left3A : i32
    %multiple_of3A = tpu.assume_multiple %shift_left3A_13, 128 : i32
    %dma_start3A = arith.constant 0 : i32
    %dma_start3A_14 = arith.constant 0 : i32
    %dma_start3A_15 = arith.constant 0 : i32
    %dma_start3A_16 = tpu.memref_slice %arg6[%dma_start3A, %dma_start3A_14, %dma_start3A_15] : memref<16x32x128xf32, #tpu.memory_space<vmem>> -> memref<1x32x128xf32, #tpu.memory_space<vmem>>
    %dma_start3A_17 = tpu.memref_squeeze %dma_start3A_16 : memref<1x32x128xf32, #tpu.memory_space<vmem>> -> memref<32x128xf32, #tpu.memory_space<vmem>>
    %dma_start3A_18 = arith.constant 0 : i32
    %dma_start3A_19 = tpu.memref_slice %arg3[%dma_start3A_18, %multiple_of3A] : memref<32x1000001xf32, #tpu.memory_space<hbm>> -> memref<32x128xf32, #tpu.memory_space<hbm>>
    %dma_start3A_20 = arith.constant 0 : i32
    %dma_start3A_21 = arith.constant 0 : i32
    %dma_start3A_22 = tpu.memref_slice %arg6[%dma_start3A, %dma_start3A_20, %dma_start3A_21] : memref<16x32x128xf32, #tpu.memory_space<vmem>> -> memref<1x32x128xf32, #tpu.memory_space<vmem>>
    %dma_start3A_23 = tpu.memref_squeeze %dma_start3A_22 : memref<1x32x128xf32, #tpu.memory_space<vmem>> -> memref<32x128xf32, #tpu.memory_space<vmem>>
    %dma_start3A_24 = arith.constant 0 : i32
    %dma_start3A_25 = tpu.memref_slice %arg3[%dma_start3A_24, %multiple_of3A] : memref<32x1000001xf32, #tpu.memory_space<hbm>> -> memref<32x128xf32, #tpu.memory_space<hbm>>
    tpu.enqueue_dma source(%dma_start3A_25 : memref<32x128xf32, #tpu.memory_space<hbm>>) target(%dma_start3A_23 : memref<32x128xf32, #tpu.memory_space<vmem>>) target_semaphore(%arg8 : memref<!tpu.dma_semaphore, #tpu.memory_space<semaphore_mem>>)
    %get3A_26 = arith.constant 0 : index
    %get3A_27 = tpu.vector_load %arg5[%get3A_26] {strides = array<i32>} : memref<512xi32, #tpu.memory_space<vmem>>, vector<16xi32>,
    %eq3A_28 = arith.constant 1 : i32
    %eq3A_29 = vector.broadcast %eq3A_28 : i32 to vector<16xi32>
    %eq3A_30 = arith.cmpi eq, %iota3A, %eq3A_29 : vector<16xi32>
    %jit3A_31 = arith.constant 0 : i32
    %broadcast_in_dim3A_32 = vector.broadcast %jit3A_31 : i32 to vector<16xi32>
    %select_n3A_33 = arith.select %eq3A_30, %get3A_27, %broadcast_in_dim3A_32 : vector<16xi1>, vector<16xi32>
    %reduce_sum3A_34 = arith.constant true
    %reduce_sum3A_35 = vector.broadcast %reduce_sum3A_34 : i1 to vector<16xi1>
    %reduce_sum3A_36 = tpu.scan <sum>, %select_n3A_33 masked %reduce_sum3A_35 : vector<16xi32>, vector<16xi1> -> vector<16xi32>
    %reduce_sum3A_37 = vector.extract %reduce_sum3A_36[15] : i32 from vector<16xi32>
    %shift_right_arithmetic3A_38 = arith.constant 7 : i32
    %shift_right_arithmetic3A_39 = arith.shrsi %reduce_sum3A_37, %shift_right_arithmetic3A_38 : i32
    %shift_left3A_40 = arith.constant 7 : i32
    %shift_left3A_41 = arith.shli %shift_right_arithmetic3A_39, %shift_left3A_40 : i32
    %multiple_of3A_42 = tpu.assume_multiple %shift_left3A_41, 128 : i32
    %dma_start3A_43 = arith.constant 1 : i32
    %dma_start3A_44 = arith.constant 0 : i32
    %dma_start3A_45 = arith.constant 0 : i32
    %dma_start3A_46 = tpu.memref_slice %arg6[%dma_start3A_43, %dma_start3A_44, %dma_start3A_45] : memref<16x32x128xf32, #tpu.memory_space<vmem>> -> memref<1x32x128xf32, #tpu.memory_space<vmem>>
    %dma_start3A_47 = tpu.memref_squeeze %dma_start3A_46 : memref<1x32x128xf32, #tpu.memory_space<vmem>> -> memref<32x128xf32, #tpu.memory_space<vmem>>
    %dma_start3A_48 = arith.constant 0 : i32
    %dma_start3A_49 = tpu.memref_slice %arg3[%dma_start3A_48, %multiple_of3A_42] : memref<32x1000001xf32, #tpu.memory_space<hbm>> -> memref<32x128xf32, #tpu.memory_space<hbm>>
    %dma_start3A_50 = arith.constant 0 : i32
    %dma_start3A_51 = arith.constant 0 : i32
    %dma_start3A_52 = tpu.memref_slice %arg6[%dma_start3A_43, %dma_start3A_50, %dma_start3A_51] : memref<16x32x128xf32, #tpu.memory_space<vmem>> -> memref<1x32x128xf32, #tpu.memory_space<vmem>>
    %dma_start3A_53 = tpu.memref_squeeze %dma_start3A_52 : memref<1x32x128xf32, #tpu.memory_space<vmem>> -> memref<32x128xf32, #tpu.memory_space<vmem>>
    %dma_start3A_54 = arith.constant 0 : i32
    %dma_start3A_55 = tpu.memref_slice %arg3[%dma_start3A_54, %multiple_of3A_42] : memref<32x1000001xf32, #tpu.memory_space<hbm>> -> memref<32x128xf32, #tpu.memory_space<hbm>>
    tpu.enqueue_dma source(%dma_start3A_55 : memref<32x128xf32, #tpu.memory_space<hbm>>) target(%dma_start3A_53 : memref<32x128xf32, #tpu.memory_space<vmem>>) target_semaphore(%arg8 : memref<!tpu.dma_semaphore, #tpu.memory_space<semaphore_mem>>)
    %get3A_56 = arith.constant 0 : index
    %get3A_57 = tpu.vector_load %arg5[%get3A_56] {strides = array<i32>} : memref<512xi32, #tpu.memory_space<vmem>>, vector<16xi32>,
    %eq3A_58 = arith.constant 2 : i32
    %eq3A_59 = vector.broadcast %eq3A_58 : i32 to vector<16xi32>
    %eq3A_60 = arith.cmpi eq, %iota3A, %eq3A_59 : vector<16xi32>
    %jit3A_61 = arith.constant 0 : i32
    %broadcast_in_dim3A_62 = vector.broadcast %jit3A_61 : i32 to vector<16xi32>
    %select_n3A_63 = arith.select %eq3A_60, %get3A_57, %broadcast_in_dim3A_62 : vector<16xi1>, vector<16xi32>
    %reduce_sum3A_64 = arith.constant true
    %reduce_sum3A_65 = vector.broadcast %reduce_sum3A_64 : i1 to vector<16xi1>
    %reduce_sum3A_66 = tpu.scan <sum>, %select_n3A_63 masked %reduce_sum3A_65 : vector<16xi32>, vector<16xi1> -> vector<16xi32>
    %reduce_sum3A_67 = vector.extract %reduce_sum3A_66[15] : i32 from vector<16xi32>
    %shift_right_arithmetic3A_68 = arith.constant 7 : i32
    %shift_right_arithmetic3A_69 = arith.shrsi %reduce_sum3A_67, %shift_right_arithmetic3A_68 : i32
    %shift_left3A_70 = arith.constant 7 : i32
    %shift_left3A_71 = arith.shli %shift_right_arithmetic3A_69, %shift_left3A_70 : i32
    %multiple_of3A_72 = tpu.assume_multiple %shift_left3A_71, 128 : i32
    %dma_start3A_73 = arith.constant 2 : i32
    %dma_start3A_74 = arith.constant 0 : i32
    %dma_start3A_75 = arith.constant 0 : i32
    %dma_start3A_76 = tpu.memref_slice %arg6[%dma_start3A_73, %dma_start3A_74, %dma_start3A_75] : memref<16x32x128xf32, #tpu.memory_space<vmem>> -> memref<1x32x128xf32, #tpu.memory_space<vmem>>
    %dma_start3A_77 = tpu.memref_squeeze %dma_start3A_76 : memref<1x32x128xf32, #tpu.memory_space<vmem>> -> memref<32x128xf32, #tpu.memory_space<vmem>>
    %dma_start3A_78 = arith.constant 0 : i32
    %dma_start3A_79 = tpu.memref_slice %arg3[%dma_start3A_78, %multiple_of3A_72] : memref<32x1000001xf32, #tpu.memory_space<hbm>> -> memref<32x128xf32, #tpu.memory_space<hbm>>
    %dma_start3A_80 = arith.constant 0 : i32
    %dma_start3A_81 = arith.constant 0 : i32
    %dma_start3A_82 = tpu.memref_slice %arg6[%dma_start3A_73, %dma_start3A_80, %dma_start3A_81] : memref<16x32x128xf32, #tpu.memory_space<vmem>> -> memref<1x32x128xf32, #tpu.memory_space<vmem>>
    %dma_start3A_83 = tpu.memref_squeeze %dma_start3A_82 : memref<1x32x128xf32, #tpu.memory_space<vmem>> -> memref<32x128xf32, #tpu.memory_space<vmem>>
    %dma_start3A_84 = arith.constant 0 : i32
    %dma_start3A_85 = tpu.memref_slice %arg3[%dma_start3A_84, %multiple_of3A_72] : memref<32x1000001xf32, #tpu.memory_space<hbm>> -> memref<32x128xf32, #tpu.memory_space<hbm>>
    tpu.enqueue_dma source(%dma_start3A_85 : memref<32x128xf32, #tpu.memory_space<hbm>>) target(%dma_start3A_83 : memref<32x128xf32, #tpu.memory_space<vmem>>) target_semaphore(%arg8 : memref<!tpu.dma_semaphore, #tpu.memory_space<semaphore_mem>>)
    %get3A_86 = arith.constant 0 : index
    %get3A_87 = tpu.vector_load %arg5[%get3A_86] {strides = array<i32>} : memref<512xi32, #tpu.memory_space<vmem>>, vector<16xi32>,
    %eq3A_88 = arith.constant 3 : i32
    %eq3A_89 = vector.broadcast %eq3A_88 : i32 to vector<16xi32>
    %eq3A_90 = arith.cmpi eq, %iota3A, %eq3A_89 : vector<16xi32>
    %jit3A_91 = arith.constant 0 : i32
    %broadcast_in_dim3A_92 = vector.broadcast %jit3A_91 : i32 to vector<16xi32>
    %select_n3A_93 = arith.select %eq3A_90, %get3A_87, %broadcast_in_dim3A_92 : vector<16xi1>, vector<16xi32>
    %reduce_sum3A_94 = arith.constant true
    %reduce_sum3A_95 = vector.broadcast %reduce_sum3A_94 : i1 to vector<16xi1>
    %reduce_sum3A_96 = tpu.scan <sum>, %select_n3A_93 masked %reduce_sum3A_95 : vector<16xi32>, vector<16xi1> -> vector<16xi32>
    %reduce_sum3A_97 = vector.extract %reduce_sum3A_96[15] : i32 from vector<16xi32>
    %shift_right_arithmetic3A_98 = arith.constant 7 : i32
    %shift_right_arithmetic3A_99 = arith.shrsi %reduce_sum3A_97, %shift_right_arithmetic3A_98 : i32
    %shift_left3A_100 = arith.constant 7 : i32
    %shift_left3A_101 = arith.shli %shift_right_arithmetic3A_99, %shift_left3A_100 : i32
    %multiple_of3A_102 = tpu.assume_multiple %shift_left3A_101, 128 : i32
    %dma_start3A_103 = arith.constant 3 : i32
    %dma_start3A_104 = arith.constant 0 : i32
    %dma_start3A_105 = arith.constant 0 : i32
    %dma_start3A_106 = tpu.memref_slice %arg6[%dma_start3A_103, %dma_start3A_104, %dma_start3A_105] : memref<16x32x128xf32, #tpu.memory_space<vmem>> -> memref<1x32x128xf32, #tpu.memory_space<vmem>>
    %dma_start3A_107 = tpu.memref_squeeze %dma_start3A_106 : memref<1x32x128xf32, #tpu.memory_space<vmem>> -> memref<32x128xf32, #tpu.memory_space<vmem>>
    %dma_start3A_108 = arith.constant 0 : i32
    %dma_start3A_109 = tpu.memref_slice %arg3[%dma_start3A_108, %multiple_of3A_102] : memref<32x1000001xf32, #tpu.memory_space<hbm>> -> memref<32x128xf32, #tpu.memory_space<hbm>>
    %dma_start3A_110 = arith.constant 0 : i32
    %dma_start3A_111 = arith.constant 0 : i32
    %dma_start3A_112 = tpu.memref_slice %arg6[%dma_start3A_103, %dma_start3A_110, %dma_start3A_111] : memref<16x32x128xf32, #tpu.memory_space<vmem>> -> memref<1x32x128xf32, #tpu.memory_space<vmem>>
    %dma_start3A_113 = tpu.memref_squeeze %dma_start3A_112 : memref<1x32x128xf32, #tpu.memory_space<vmem>> -> memref<32x128xf32, #tpu.memory_space<vmem>>
    %dma_start3A_114 = arith.constant 0 : i32
    %dma_start3A_115 = tpu.memref_slice %arg3[%dma_start3A_114, %multiple_of3A_102] : memref<32x1000001xf32, #tpu.memory_space<hbm>> -> memref<32x128xf32, #tpu.memory_space<hbm>>
    tpu.enqueue_dma source(%dma_start3A_115 : memref<32x128xf32, #tpu.memory_space<hbm>>) target(%dma_start3A_113 : memref<32x128xf32, #tpu.memory_space<vmem>>) target_semaphore(%arg8 : memref<!tpu.dma_semaphore, #tpu.memory_space<semaphore_mem>>)
    %get3A_116 = arith.constant 0 : index
    %get3A_117 = tpu.vector_load %arg5[%get3A_116] {strides = array<i32>} : memref<512xi32, #tpu.memory_space<vmem>>, vector<16xi32>,
    %eq3A_118 = arith.constant 4 : i32
    %eq3A_119 = vector.broadcast %eq3A_118 : i32 to vector<16xi32>
    %eq3A_120 = arith.cmpi eq, %iota3A, %eq3A_119 : vector<16xi32>
    %jit3A_121 = arith.constant 0 : i32
    %broadcast_in_dim3A_122 = vector.broadcast %jit3A_121 : i32 to vector<16xi32>
    %select_n3A_123 = arith.select %eq3A_120, %get3A_117, %broadcast_in_dim3A_122 : vector<16xi1>, vector<16xi32>
    %reduce_sum3A_124 = arith.constant true
    %reduce_sum3A_125 = vector.broadcast %reduce_sum3A_124 : i1 to vector<16xi1>
    %reduce_sum3A_126 = tpu.scan <sum>, %select_n3A_123 masked %reduce_sum3A_125 : vector<16xi32>, vector<16xi1> -> vector<16xi32>
    %reduce_sum3A_127 = vector.extract %reduce_sum3A_126[15] : i32 from vector<16xi32>
    %shift_right_arithmetic3A_128 = arith.constant 7 : i32
    %shift_right_arithmetic3A_129 = arith.shrsi %reduce_sum3A_127, %shift_right_arithmetic3A_128 : i32
    %shift_left3A_130 = arith.constant 7 : i32
    %shift_left3A_131 = arith.shli %shift_right_arithmetic3A_129, %shift_left3A_130 : i32
    %multiple_of3A_132 = tpu.assume_multiple %shift_left3A_131, 128 : i32
    %dma_start3A_133 = arith.constant 4 : i32
    %dma_start3A_134 = arith.constant 0 : i32
    %dma_start3A_135 = arith.constant 0 : i32
    %dma_start3A_136 = tpu.memref_slice %arg6[%dma_start3A_133, %dma_start3A_134, %dma_start3A_135] : memref<16x32x128xf32, #tpu.memory_space<vmem>> -> memref<1x32x128xf32, #tpu.memory_space<vmem>>
    %dma_start3A_137 = tpu.memref_squeeze %dma_start3A_136 : memref<1x32x128xf32, #tpu.memory_space<vmem>> -> memref<32x128xf32, #tpu.memory_space<vmem>>
    %dma_start3A_138 = arith.constant 0 : i32
    %dma_start3A_139 = tpu.memref_slice %arg3[%dma_start3A_138, %multiple_of3A_132] : memref<32x1000001xf32, #tpu.memory_space<hbm>> -> memref<32x128xf32, #tpu.memory_space<hbm>>
    %dma_start3A_140 = arith.constant 0 : i32
    %dma_start3A_141 = arith.constant 0 : i32
    %dma_start3A_142 = tpu.memref_slice %arg6[%dma_start3A_133, %dma_start3A_140, %dma_start3A_141] : memref<16x32x128xf32, #tpu.memory_space<vmem>> -> memref<1x32x128xf32, #tpu.memory_space<vmem>>
    %dma_start3A_143 = tpu.memref_squeeze %dma_start3A_142 : memref<1x32x128xf32, #tpu.memory_space<vmem>> -> memref<32x128xf32, #tpu.memory_space<vmem>>
    %dma_start3A_144 = arith.constant 0 : i32
    %dma_start3A_145 = tpu.memref_slice %arg3[%dma_start3A_144, %multiple_of3A_132] : memref<32x1000001xf32, #tpu.memory_space<hbm>> -> memref<32x128xf32, #tpu.memory_space<hbm>>
    tpu.enqueue_dma source(%dma_start3A_145 : memref<32x128xf32, #tpu.memory_space<hbm>>) target(%dma_start3A_143 : memref<32x128xf32, #tpu.memory_space<vmem>>) target_semaphore(%arg8 : memref<!tpu.dma_semaphore, #tpu.memory_space<semaphore_mem>>)
    %get3A_146 = arith.constant 0 : index
    %get3A_147 = tpu.vector_load %arg5[%get3A_146] {strides = array<i32>} : memref<512xi32, #tpu.memory_space<vmem>>, vector<16xi32>,
    %eq3A_148 = arith.constant 5 : i32
    %eq3A_149 = vector.broadcast %eq3A_148 : i32 to vector<16xi32>
    %eq3A_150 = arith.cmpi eq, %iota3A, %eq3A_149 : vector<16xi32>
    %jit3A_151 = arith.constant 0 : i32
    %broadcast_in_dim3A_152 = vector.broadcast %jit3A_151 : i32 to vector<16xi32>
    %select_n3A_153 = arith.select %eq3A_150, %get3A_147, %broadcast_in_dim3A_152 : vector<16xi1>, vector<16xi32>
    %reduce_sum3A_154 = arith.constant true
    %reduce_sum3A_155 = vector.broadcast %reduce_sum3A_154 : i1 to vector<16xi1>
    %reduce_sum3A_156 = tpu.scan <sum>, %select_n3A_153 masked %reduce_sum3A_155 : vector<16xi32>, vector<16xi1> -> vector<16xi32>
    %reduce_sum3A_157 = vector.extract %reduce_sum3A_156[15] : i32 from vector<16xi32>
    %shift_right_arithmetic3A_158 = arith.constant 7 : i32
    %shift_right_arithmetic3A_159 = arith.shrsi %reduce_sum3A_157, %shift_right_arithmetic3A_158 : i32
    %shift_left3A_160 = arith.constant 7 : i32
    %shift_left3A_161 = arith.shli %shift_right_arithmetic3A_159, %shift_left3A_160 : i32
    %multiple_of3A_162 = tpu.assume_multiple %shift_left3A_161, 128 : i32
    %dma_start3A_163 = arith.constant 5 : i32
    %dma_start3A_164 = arith.constant 0 : i32
    %dma_start3A_165 = arith.constant 0 : i32
    %dma_start3A_166 = tpu.memref_slice %arg6[%dma_start3A_163, %dma_start3A_164, %dma_start3A_165] : memref<16x32x128xf32, #tpu.memory_space<vmem>> -> memref<1x32x128xf32, #tpu.memory_space<vmem>>
    %dma_start3A_167 = tpu.memref_squeeze %dma_start3A_166 : memref<1x32x128xf32, #tpu.memory_space<vmem>> -> memref<32x128xf32, #tpu.memory_space<vmem>>
    %dma_start3A_168 = arith.constant 0 : i32
    %dma_start3A_169 = tpu.memref_slice %arg3[%dma_start3A_168, %multiple_of3A_162] : memref<32x1000001xf32, #tpu.memory_space<hbm>> -> memref<32x128xf32, #tpu.memory_space<hbm>>
    %dma_start3A_170 = arith.constant 0 : i32
    %dma_start3A_171 = arith.constant 0 : i32
    %dma_start3A_172 = tpu.memref_slice %arg6[%dma_start3A_163, %dma_start3A_170, %dma_start3A_171] : memref<16x32x128xf32, #tpu.memory_space<vmem>> -> memref<1x32x128xf32, #tpu.memory_space<vmem>>
    %dma_start3A_173 = tpu.memref_squeeze %dma_start3A_172 : memref<1x32x128xf32, #tpu.memory_space<vmem>> -> memref<32x128xf32, #tpu.memory_space<vmem>>
    %dma_start3A_174 = arith.constant 0 : i32
    %dma_start3A_175 = tpu.memref_slice %arg3[%dma_start3A_174, %multiple_of3A_162] : memref<32x1000001xf32, #tpu.memory_space<hbm>> -> memref<32x128xf32, #tpu.memory_space<hbm>>
    tpu.enqueue_dma source(%dma_start3A_175 : memref<32x128xf32, #tpu.memory_space<hbm>>) target(%dma_start3A_173 : memref<32x128xf32, #tpu.memory_space<vmem>>) target_semaphore(%arg8 : memref<!tpu.dma_semaphore, #tpu.memory_space<semaphore_mem>>)
    %get3A_176 = arith.constant 0 : index
    %get3A_177 = tpu.vector_load %arg5[%get3A_176] {strides = array<i32>} : memref<512xi32, #tpu.memory_space<vmem>>, vector<16xi32>,
    %eq3A_178 = arith.constant 6 : i32
    %eq3A_179 = vector.broadcast %eq3A_178 : i32 to vector<16xi32>
    %eq3A_180 = arith.cmpi eq, %iota3A, %eq3A_179 : vector<16xi32>
    %jit3A_181 = arith.constant 0 : i32
    %broadcast_in_dim3A_182 = vector.broadcast %jit3A_181 : i32 to vector<16xi32>
    %select_n3A_183 = arith.select %eq3A_180, %get3A_177, %broadcast_in_dim3A_182 : vector<16xi1>, vector<16xi32>
    %reduce_sum3A_184 = arith.constant true
    %reduce_sum3A_185 = vector.broadcast %reduce_sum3A_184 : i1 to vector<16xi1>
    %reduce_sum3A_186 = tpu.scan <sum>, %select_n3A_183 masked %reduce_sum3A_185 : vector<16xi32>, vector<16xi1> -> vector<16xi32>
    %reduce_sum3A_187 = vector.extract %reduce_sum3A_186[15] : i32 from vector<16xi32>
    %shift_right_arithmetic3A_188 = arith.constant 7 : i32
    %shift_right_arithmetic3A_189 = arith.shrsi %reduce_sum3A_187, %shift_right_arithmetic3A_188 : i32
    %shift_left3A_190 = arith.constant 7 : i32
    %shift_left3A_191 = arith.shli %shift_right_arithmetic3A_189, %shift_left3A_190 : i32
    %multiple_of3A_192 = tpu.assume_multiple %shift_left3A_191, 128 : i32
    %dma_start3A_193 = arith.constant 6 : i32
    %dma_start3A_194 = arith.constant 0 : i32
    %dma_start3A_195 = arith.constant 0 : i32
    %dma_start3A_196 = tpu.memref_slice %arg6[%dma_start3A_193, %dma_start3A_194, %dma_start3A_195] : memref<16x32x128xf32, #tpu.memory_space<vmem>> -> memref<1x32x128xf32, #tpu.memory_space<vmem>>
    %dma_start3A_197 = tpu.memref_squeeze %dma_start3A_196 : memref<1x32x128xf32, #tpu.memory_space<vmem>> -> memref<32x128xf32, #tpu.memory_space<vmem>>
    %dma_start3A_198 = arith.constant 0 : i32
    %dma_start3A_199 = tpu.memref_slice %arg3[%dma_start3A_198, %multiple_of3A_192] : memref<32x1000001xf32, #tpu.memory_space<hbm>> -> memref<32x128xf32, #tpu.memory_space<hbm>>
    %dma_start3A_200 = arith.constant 0 : i32
    %dma_start3A_201 = arith.constant 0 : i32
    %dma_start3A_202 = tpu.memref_slice %arg6[%dma_start3A_193, %dma_start3A_200, %dma_start3A_201] : memref<16x32x128xf32, #tpu.memory_space<vmem>> -> memref<1x32x128xf32, #tpu.memory_space<vmem>>
    %dma_start3A_203 = tpu.memref_squeeze %dma_start3A_202 : memref<1x32x128xf32, #tpu.memory_space<vmem>> -> memref<32x128xf32, #tpu.memory_space<vmem>>
    %dma_start3A_204 = arith.constant 0 : i32
    %dma_start3A_205 = tpu.memref_slice %arg3[%dma_start3A_204, %multiple_of3A_192] : memref<32x1000001xf32, #tpu.memory_space<hbm>> -> memref<32x128xf32, #tpu.memory_space<hbm>>
    tpu.enqueue_dma source(%dma_start3A_205 : memref<32x128xf32, #tpu.memory_space<hbm>>) target(%dma_start3A_203 : memref<32x128xf32, #tpu.memory_space<vmem>>) target_semaphore(%arg8 : memref<!tpu.dma_semaphore, #tpu.memory_space<semaphore_mem>>)
    %get3A_206 = arith.constant 0 : index
    %get3A_207 = tpu.vector_load %arg5[%get3A_206] {strides = array<i32>} : memref<512xi32, #tpu.memory_space<vmem>>, vector<16xi32>,
    %eq3A_208 = arith.constant 7 : i32
    %eq3A_209 = vector.broadcast %eq3A_208 : i32 to vector<16xi32>
    %eq3A_210 = arith.cmpi eq, %iota3A, %eq3A_209 : vector<16xi32>
    %jit3A_211 = arith.constant 0 : i32
    %broadcast_in_dim3A_212 = vector.broadcast %jit3A_211 : i32 to vector<16xi32>
    %select_n3A_213 = arith.select %eq3A_210, %get3A_207, %broadcast_in_dim3A_212 : vector<16xi1>, vector<16xi32>
    %reduce_sum3A_214 = arith.constant true
    %reduce_sum3A_215 = vector.broadcast %reduce_sum3A_214 : i1 to vector<16xi1>
    %reduce_sum3A_216 = tpu.scan <sum>, %select_n3A_213 masked %reduce_sum3A_215 : vector<16xi32>, vector<16xi1> -> vector<16xi32>
    %reduce_sum3A_217 = vector.extract %reduce_sum3A_216[15] : i32 from vector<16xi32>
    %shift_right_arithmetic3A_218 = arith.constant 7 : i32
    %shift_right_arithmetic3A_219 = arith.shrsi %reduce_sum3A_217, %shift_right_arithmetic3A_218 : i32
    %shift_left3A_220 = arith.constant 7 : i32
    %shift_left3A_221 = arith.shli %shift_right_arithmetic3A_219, %shift_left3A_220 : i32
    %multiple_of3A_222 = tpu.assume_multiple %shift_left3A_221, 128 : i32
    %dma_start3A_223 = arith.constant 7 : i32
    %dma_start3A_224 = arith.constant 0 : i32
    %dma_start3A_225 = arith.constant 0 : i32
    %dma_start3A_226 = tpu.memref_slice %arg6[%dma_start3A_223, %dma_start3A_224, %dma_start3A_225] : memref<16x32x128xf32, #tpu.memory_space<vmem>> -> memref<1x32x128xf32, #tpu.memory_space<vmem>>
    %dma_start3A_227 = tpu.memref_squeeze %dma_start3A_226 : memref<1x32x128xf32, #tpu.memory_space<vmem>> -> memref<32x128xf32, #tpu.memory_space<vmem>>
    %dma_start3A_228 = arith.constant 0 : i32
    %dma_start3A_229 = tpu.memref_slice %arg3[%dma_start3A_228, %multiple_of3A_222] : memref<32x1000001xf32, #tpu.memory_space<hbm>> -> memref<32x128xf32, #tpu.memory_space<hbm>>
    %dma_start3A_230 = arith.constant 0 : i32
    %dma_start3A_231 = arith.constant 0 : i32
    %dma_start3A_232 = tpu.memref_slice %arg6[%dma_start3A_223, %dma_start3A_230, %dma_start3A_231] : memref<16x32x128xf32, #tpu.memory_space<vmem>> -> memref<1x32x128xf32, #tpu.memory_space<vmem>>
    %dma_start3A_233 = tpu.memref_squeeze %dma_start3A_232 : memref<1x32x128xf32, #tpu.memory_space<vmem>> -> memref<32x128xf32, #tpu.memory_space<vmem>>
    %dma_start3A_234 = arith.constant 0 : i32
    %dma_start3A_235 = tpu.memref_slice %arg3[%dma_start3A_234, %multiple_of3A_222] : memref<32x1000001xf32, #tpu.memory_space<hbm>> -> memref<32x128xf32, #tpu.memory_space<hbm>>
    tpu.enqueue_dma source(%dma_start3A_235 : memref<32x128xf32, #tpu.memory_space<hbm>>) target(%dma_start3A_233 : memref<32x128xf32, #tpu.memory_space<vmem>>) target_semaphore(%arg8 : memref<!tpu.dma_semaphore, #tpu.memory_space<semaphore_mem>>)
    %scan3A = arith.constant 0 : i32
    %scan3A_236 = arith.constant 0 : i32
    %scan3A_237 = arith.constant 32 : i32
    %scan3A_238 = arith.addi %scan3A_236, %scan3A_237 : i32
    %scan3A_239 = arith.constant 1 : i32
    scf.for %scan3A_241 = %scan3A_236 to %scan3A_238 step %scan3A_239  : i32 {
      %mul3A_242 = arith.constant 2 : i32
      %mul3A_243 = arith.muli %mul3A_242, %scan3A_241 : i32
      %add3A_244 = arith.constant 1 : i32
      %add3A_245 = arith.addi %mul3A_243, %add3A_244 : i32
      %jit3A_246 = arith.constant 2 : i32
      %div3A = arith.divsi %add3A_245, %jit3A_246 : i32
      %sign3A = arith.constant 0 : i32
      %sign3A_247 = arith.cmpi sgt, %add3A_245, %sign3A : i32
      %sign3A_248 = arith.extui %sign3A_247 : i1 to i32
      %sign3A_249 = arith.constant 0 : i32
      %sign3A_250 = arith.cmpi slt, %add3A_245, %sign3A_249 : i32
      %sign3A_251 = arith.extui %sign3A_250 : i1 to i32
      %sign3A_252 = arith.subi %sign3A_248, %sign3A_251 : i32
      %sign3A_253 = arith.constant 0 : i32
      %sign3A_254 = arith.cmpi sgt, %jit3A_246, %sign3A_253 : i32
      %sign3A_255 = arith.extui %sign3A_254 : i1 to i32
      %sign3A_256 = arith.constant 0 : i32
      %sign3A_257 = arith.cmpi slt, %jit3A_246, %sign3A_256 : i32
      %sign3A_258 = arith.extui %sign3A_257 : i1 to i32
      %sign3A_259 = arith.subi %sign3A_255, %sign3A_258 : i32
      %ne3A = arith.cmpi ne, %sign3A_252, %sign3A_259 : i32
      %rem3A = arith.remsi %add3A_245, %jit3A_246 : i32
      %ne3A_260 = arith.constant 0 : i32
      %ne3A_261 = arith.cmpi ne, %rem3A, %ne3A_260 : i32
      %and3A = arith.andi %ne3A, %ne3A_261 : i1
      %sub3A = arith.constant 1 : i32
      %sub3A_262 = arith.subi %div3A, %sub3A : i32
      %select_n3A_263 = arith.select %and3A, %sub3A_262, %div3A : i32
      %mul3A_264 = arith.constant 16 : i32
      %mul3A_265 = arith.muli %select_n3A_263, %mul3A_264 : i32
      %get3A_266 = arith.index_cast %mul3A_265 : i32 to index
      %get3A_267 = tpu.vector_load %arg5[%get3A_266] {strides = array<i32>} : memref<512xi32, #tpu.memory_space<vmem>>, vector<16xi32>,
      %jit3A_268 = arith.constant 2 : i32
      %eq3A_269 = arith.constant 0 : i32
      %eq3A_270 = arith.cmpi eq, %jit3A_268, %eq3A_269 : i32
      %jit3A_271 = arith.constant 1 : i32
      %select_n3A_272 = arith.select %eq3A_270, %jit3A_271, %jit3A_268 : i32
      %rem3A_273 = arith.remsi %add3A_245, %select_n3A_272 : i32
      %ne3A_274 = arith.constant 0 : i32
      %ne3A_275 = arith.cmpi ne, %rem3A_273, %ne3A_274 : i32
      %lt3A = arith.constant 0 : i32
      %lt3A_276 = arith.cmpi slt, %rem3A_273, %lt3A : i32
      %lt3A_277 = arith.constant 0 : i32
      %lt3A_278 = arith.cmpi slt, %select_n3A_272, %lt3A_277 : i32
      %ne3A_279 = arith.xori %lt3A_276, %lt3A_278 : i1
      %and3A_280 = arith.andi %ne3A_279, %ne3A_275 : i1
      %add3A_281 = arith.addi %rem3A_273, %select_n3A_272 : i32
      %select_n3A_282 = arith.select %and3A_280, %add3A_281, %rem3A_273 : i32
      %mul3A_283 = arith.constant 8 : i32
      %mul3A_284 = arith.muli %select_n3A_282, %mul3A_283 : i32
      %add3A_285 = arith.constant 0 : i32
      %add3A_286 = arith.addi %mul3A_284, %add3A_285 : i32
      %eq3A_287 = vector.broadcast %add3A_286 : i32 to vector<16xi32>
      %eq3A_288 = arith.cmpi eq, %iota3A, %eq3A_287 : vector<16xi32>
      %jit3A_289 = arith.constant 0 : i32
      %broadcast_in_dim3A_290 = vector.broadcast %jit3A_289 : i32 to vector<16xi32>
      %select_n3A_291 = arith.select %eq3A_288, %get3A_267, %broadcast_in_dim3A_290 : vector<16xi1>, vector<16xi32>
      %reduce_sum3A_292 = arith.constant true
      %reduce_sum3A_293 = vector.broadcast %reduce_sum3A_292 : i1 to vector<16xi1>
      %reduce_sum3A_294 = tpu.scan <sum>, %select_n3A_291 masked %reduce_sum3A_293 : vector<16xi32>, vector<16xi1> -> vector<16xi32>
      %reduce_sum3A_295 = vector.extract %reduce_sum3A_294[15] : i32 from vector<16xi32>
      %shift_right_arithmetic3A_296 = arith.constant 7 : i32
      %shift_right_arithmetic3A_297 = arith.shrsi %reduce_sum3A_295, %shift_right_arithmetic3A_296 : i32
      %shift_left3A_298 = arith.constant 7 : i32
      %shift_left3A_299 = arith.shli %shift_right_arithmetic3A_297, %shift_left3A_298 : i32
      %multiple_of3A_300 = tpu.assume_multiple %shift_left3A_299, 128 : i32
      %dma_start3A_301 = arith.constant 8 : i32
      %dma_start3A_302 = arith.constant 0 : i32
      %dma_start3A_303 = arith.constant 0 : i32
      %dma_start3A_304 = tpu.memref_slice %arg6[%dma_start3A_301, %dma_start3A_302, %dma_start3A_303] : memref<16x32x128xf32, #tpu.memory_space<vmem>> -> memref<1x32x128xf32, #tpu.memory_space<vmem>>
      %dma_start3A_305 = tpu.memref_squeeze %dma_start3A_304 : memref<1x32x128xf32, #tpu.memory_space<vmem>> -> memref<32x128xf32, #tpu.memory_space<vmem>>
      %dma_start3A_306 = arith.constant 0 : i32
      %dma_start3A_307 = tpu.memref_slice %arg3[%dma_start3A_306, %multiple_of3A_300] : memref<32x1000001xf32, #tpu.memory_space<hbm>> -> memref<32x128xf32, #tpu.memory_space<hbm>>
      %dma_start3A_308 = arith.constant 0 : i32
      %dma_start3A_309 = arith.constant 0 : i32
      %dma_start3A_310 = tpu.memref_slice %arg6[%dma_start3A_301, %dma_start3A_308, %dma_start3A_309] : memref<16x32x128xf32, #tpu.memory_space<vmem>> -> memref<1x32x128xf32, #tpu.memory_space<vmem>>
      %dma_start3A_311 = tpu.memref_squeeze %dma_start3A_310 : memref<1x32x128xf32, #tpu.memory_space<vmem>> -> memref<32x128xf32, #tpu.memory_space<vmem>>
      %dma_start3A_312 = arith.constant 0 : i32
      %dma_start3A_313 = tpu.memref_slice %arg3[%dma_start3A_312, %multiple_of3A_300] : memref<32x1000001xf32, #tpu.memory_space<hbm>> -> memref<32x128xf32, #tpu.memory_space<hbm>>
      tpu.enqueue_dma source(%dma_start3A_313 : memref<32x128xf32, #tpu.memory_space<hbm>>) target(%dma_start3A_311 : memref<32x128xf32, #tpu.memory_space<vmem>>) target_semaphore(%arg9 : memref<!tpu.dma_semaphore, #tpu.memory_space<semaphore_mem>>)
      %jit3A_314 = arith.constant 2 : i32
      %div3A_315 = arith.divsi %add3A_245, %jit3A_314 : i32
      %sign3A_316 = arith.constant 0 : i32
      %sign3A_317 = arith.cmpi sgt, %add3A_245, %sign3A_316 : i32
      %sign3A_318 = arith.extui %sign3A_317 : i1 to i32
      %sign3A_319 = arith.constant 0 : i32
      %sign3A_320 = arith.cmpi slt, %add3A_245, %sign3A_319 : i32
      %sign3A_321 = arith.extui %sign3A_320 : i1 to i32
      %sign3A_322 = arith.subi %sign3A_318, %sign3A_321 : i32
      %sign3A_323 = arith.constant 0 : i32
      %sign3A_324 = arith.cmpi sgt, %jit3A_314, %sign3A_323 : i32
      %sign3A_325 = arith.extui %sign3A_324 : i1 to i32
      %sign3A_326 = arith.constant 0 : i32
      %sign3A_327 = arith.cmpi slt, %jit3A_314, %sign3A_326 : i32
      %sign3A_328 = arith.extui %sign3A_327 : i1 to i32
      %sign3A_329 = arith.subi %sign3A_325, %sign3A_328 : i32
      %ne3A_330 = arith.cmpi ne, %sign3A_322, %sign3A_329 : i32
      %rem3A_331 = arith.remsi %add3A_245, %jit3A_314 : i32
      %ne3A_332 = arith.constant 0 : i32
      %ne3A_333 = arith.cmpi ne, %rem3A_331, %ne3A_332 : i32
      %and3A_334 = arith.andi %ne3A_330, %ne3A_333 : i1
      %sub3A_335 = arith.constant 1 : i32
      %sub3A_336 = arith.subi %div3A_315, %sub3A_335 : i32
      %select_n3A_337 = arith.select %and3A_334, %sub3A_336, %div3A_315 : i32
      %mul3A_338 = arith.constant 16 : i32
      %mul3A_339 = arith.muli %select_n3A_337, %mul3A_338 : i32
      %get3A_340 = arith.index_cast %mul3A_339 : i32 to index
      %get3A_341 = tpu.vector_load %arg5[%get3A_340] {strides = array<i32>} : memref<512xi32, #tpu.memory_space<vmem>>, vector<16xi32>,
      %jit3A_342 = arith.constant 2 : i32
      %eq3A_343 = arith.constant 0 : i32
      %eq3A_344 = arith.cmpi eq, %jit3A_342, %eq3A_343 : i32
      %jit3A_345 = arith.constant 1 : i32
      %select_n3A_346 = arith.select %eq3A_344, %jit3A_345, %jit3A_342 : i32
      %rem3A_347 = arith.remsi %add3A_245, %select_n3A_346 : i32
      %ne3A_348 = arith.constant 0 : i32
      %ne3A_349 = arith.cmpi ne, %rem3A_347, %ne3A_348 : i32
      %lt3A_350 = arith.constant 0 : i32
      %lt3A_351 = arith.cmpi slt, %rem3A_347, %lt3A_350 : i32
      %lt3A_352 = arith.constant 0 : i32
      %lt3A_353 = arith.cmpi slt, %select_n3A_346, %lt3A_352 : i32
      %ne3A_354 = arith.xori %lt3A_351, %lt3A_353 : i1
      %and3A_355 = arith.andi %ne3A_354, %ne3A_349 : i1
      %add3A_356 = arith.addi %rem3A_347, %select_n3A_346 : i32
      %select_n3A_357 = arith.select %and3A_355, %add3A_356, %rem3A_347 : i32
      %mul3A_358 = arith.constant 8 : i32
      %mul3A_359 = arith.muli %select_n3A_357, %mul3A_358 : i32
      %add3A_360 = arith.constant 1 : i32
      %add3A_361 = arith.addi %mul3A_359, %add3A_360 : i32
      %eq3A_362 = vector.broadcast %add3A_361 : i32 to vector<16xi32>
      %eq3A_363 = arith.cmpi eq, %iota3A, %eq3A_362 : vector<16xi32>
      %jit3A_364 = arith.constant 0 : i32
      %broadcast_in_dim3A_365 = vector.broadcast %jit3A_364 : i32 to vector<16xi32>
      %select_n3A_366 = arith.select %eq3A_363, %get3A_341, %broadcast_in_dim3A_365 : vector<16xi1>, vector<16xi32>
      %reduce_sum3A_367 = arith.constant true
      %reduce_sum3A_368 = vector.broadcast %reduce_sum3A_367 : i1 to vector<16xi1>
      %reduce_sum3A_369 = tpu.scan <sum>, %select_n3A_366 masked %reduce_sum3A_368 : vector<16xi32>, vector<16xi1> -> vector<16xi32>
      %reduce_sum3A_370 = vector.extract %reduce_sum3A_369[15] : i32 from vector<16xi32>
      %shift_right_arithmetic3A_371 = arith.constant 7 : i32
      %shift_right_arithmetic3A_372 = arith.shrsi %reduce_sum3A_370, %shift_right_arithmetic3A_371 : i32
      %shift_left3A_373 = arith.constant 7 : i32
      %shift_left3A_374 = arith.shli %shift_right_arithmetic3A_372, %shift_left3A_373 : i32
      %multiple_of3A_375 = tpu.assume_multiple %shift_left3A_374, 128 : i32
      %dma_start3A_376 = arith.constant 9 : i32
      %dma_start3A_377 = arith.constant 0 : i32
      %dma_start3A_378 = arith.constant 0 : i32
      %dma_start3A_379 = tpu.memref_slice %arg6[%dma_start3A_376, %dma_start3A_377, %dma_start3A_378] : memref<16x32x128xf32, #tpu.memory_space<vmem>> -> memref<1x32x128xf32, #tpu.memory_space<vmem>>
      %dma_start3A_380 = tpu.memref_squeeze %dma_start3A_379 : memref<1x32x128xf32, #tpu.memory_space<vmem>> -> memref<32x128xf32, #tpu.memory_space<vmem>>
      %dma_start3A_381 = arith.constant 0 : i32
      %dma_start3A_382 = tpu.memref_slice %arg3[%dma_start3A_381, %multiple_of3A_375] : memref<32x1000001xf32, #tpu.memory_space<hbm>> -> memref<32x128xf32, #tpu.memory_space<hbm>>
      %dma_start3A_383 = arith.constant 0 : i32
      %dma_start3A_384 = arith.constant 0 : i32
      %dma_start3A_385 = tpu.memref_slice %arg6[%dma_start3A_376, %dma_start3A_383, %dma_start3A_384] : memref<16x32x128xf32, #tpu.memory_space<vmem>> -> memref<1x32x128xf32, #tpu.memory_space<vmem>>
      %dma_start3A_386 = tpu.memref_squeeze %dma_start3A_385 : memref<1x32x128xf32, #tpu.memory_space<vmem>> -> memref<32x128xf32, #tpu.memory_space<vmem>>
      %dma_start3A_387 = arith.constant 0 : i32
      %dma_start3A_388 = tpu.memref_slice %arg3[%dma_start3A_387, %multiple_of3A_375] : memref<32x1000001xf32, #tpu.memory_space<hbm>> -> memref<32x128xf32, #tpu.memory_space<hbm>>
      tpu.enqueue_dma source(%dma_start3A_388 : memref<32x128xf32, #tpu.memory_space<hbm>>) target(%dma_start3A_386 : memref<32x128xf32, #tpu.memory_space<vmem>>) target_semaphore(%arg9 : memref<!tpu.dma_semaphore, #tpu.memory_space<semaphore_mem>>)
      %jit3A_389 = arith.constant 2 : i32
      %div3A_390 = arith.divsi %add3A_245, %jit3A_389 : i32
      %sign3A_391 = arith.constant 0 : i32
      %sign3A_392 = arith.cmpi sgt, %add3A_245, %sign3A_391 : i32
      %sign3A_393 = arith.extui %sign3A_392 : i1 to i32
      %sign3A_394 = arith.constant 0 : i32
      %sign3A_395 = arith.cmpi slt, %add3A_245, %sign3A_394 : i32
      %sign3A_396 = arith.extui %sign3A_395 : i1 to i32
      %sign3A_397 = arith.subi %sign3A_393, %sign3A_396 : i32
      %sign3A_398 = arith.constant 0 : i32
      %sign3A_399 = arith.cmpi sgt, %jit3A_389, %sign3A_398 : i32
      %sign3A_400 = arith.extui %sign3A_399 : i1 to i32
      %sign3A_401 = arith.constant 0 : i32
      %sign3A_402 = arith.cmpi slt, %jit3A_389, %sign3A_401 : i32
      %sign3A_403 = arith.extui %sign3A_402 : i1 to i32
      %sign3A_404 = arith.subi %sign3A_400, %sign3A_403 : i32
      %ne3A_405 = arith.cmpi ne, %sign3A_397, %sign3A_404 : i32
      %rem3A_406 = arith.remsi %add3A_245, %jit3A_389 : i32
      %ne3A_407 = arith.constant 0 : i32
      %ne3A_408 = arith.cmpi ne, %rem3A_406, %ne3A_407 : i32
      %and3A_409 = arith.andi %ne3A_405, %ne3A_408 : i1
      %sub3A_410 = arith.constant 1 : i32
      %sub3A_411 = arith.subi %div3A_390, %sub3A_410 : i32
      %select_n3A_412 = arith.select %and3A_409, %sub3A_411, %div3A_390 : i32
      %mul3A_413 = arith.constant 16 : i32
      %mul3A_414 = arith.muli %select_n3A_412, %mul3A_413 : i32
      %get3A_415 = arith.index_cast %mul3A_414 : i32 to index
      %get3A_416 = tpu.vector_load %arg5[%get3A_415] {strides = array<i32>} : memref<512xi32, #tpu.memory_space<vmem>>, vector<16xi32>,
      %jit3A_417 = arith.constant 2 : i32
      %eq3A_418 = arith.constant 0 : i32
      %eq3A_419 = arith.cmpi eq, %jit3A_417, %eq3A_418 : i32
      %jit3A_420 = arith.constant 1 : i32
      %select_n3A_421 = arith.select %eq3A_419, %jit3A_420, %jit3A_417 : i32
      %rem3A_422 = arith.remsi %add3A_245, %select_n3A_421 : i32
      %ne3A_423 = arith.constant 0 : i32
      %ne3A_424 = arith.cmpi ne, %rem3A_422, %ne3A_423 : i32
      %lt3A_425 = arith.constant 0 : i32
      %lt3A_426 = arith.cmpi slt, %rem3A_422, %lt3A_425 : i32
      %lt3A_427 = arith.constant 0 : i32
      %lt3A_428 = arith.cmpi slt, %select_n3A_421, %lt3A_427 : i32
      %ne3A_429 = arith.xori %lt3A_426, %lt3A_428 : i1
      %and3A_430 = arith.andi %ne3A_429, %ne3A_424 : i1
      %add3A_431 = arith.addi %rem3A_422, %select_n3A_421 : i32
      %select_n3A_432 = arith.select %and3A_430, %add3A_431, %rem3A_422 : i32
      %mul3A_433 = arith.constant 8 : i32
      %mul3A_434 = arith.muli %select_n3A_432, %mul3A_433 : i32
      %add3A_435 = arith.constant 2 : i32
      %add3A_436 = arith.addi %mul3A_434, %add3A_435 : i32
      %eq3A_437 = vector.broadcast %add3A_436 : i32 to vector<16xi32>
      %eq3A_438 = arith.cmpi eq, %iota3A, %eq3A_437 : vector<16xi32>
      %jit3A_439 = arith.constant 0 : i32
      %broadcast_in_dim3A_440 = vector.broadcast %jit3A_439 : i32 to vector<16xi32>
      %select_n3A_441 = arith.select %eq3A_438, %get3A_416, %broadcast_in_dim3A_440 : vector<16xi1>, vector<16xi32>
      %reduce_sum3A_442 = arith.constant true
      %reduce_sum3A_443 = vector.broadcast %reduce_sum3A_442 : i1 to vector<16xi1>
      %reduce_sum3A_444 = tpu.scan <sum>, %select_n3A_441 masked %reduce_sum3A_443 : vector<16xi32>, vector<16xi1> -> vector<16xi32>
      %reduce_sum3A_445 = vector.extract %reduce_sum3A_444[15] : i32 from vector<16xi32>
      %shift_right_arithmetic3A_446 = arith.constant 7 : i32
      %shift_right_arithmetic3A_447 = arith.shrsi %reduce_sum3A_445, %shift_right_arithmetic3A_446 : i32
      %shift_left3A_448 = arith.constant 7 : i32
      %shift_left3A_449 = arith.shli %shift_right_arithmetic3A_447, %shift_left3A_448 : i32
      %multiple_of3A_450 = tpu.assume_multiple %shift_left3A_449, 128 : i32
      %dma_start3A_451 = arith.constant 10 : i32
      %dma_start3A_452 = arith.constant 0 : i32
      %dma_start3A_453 = arith.constant 0 : i32
      %dma_start3A_454 = tpu.memref_slice %arg6[%dma_start3A_451, %dma_start3A_452, %dma_start3A_453] : memref<16x32x128xf32, #tpu.memory_space<vmem>> -> memref<1x32x128xf32, #tpu.memory_space<vmem>>
      %dma_start3A_455 = tpu.memref_squeeze %dma_start3A_454 : memref<1x32x128xf32, #tpu.memory_space<vmem>> -> memref<32x128xf32, #tpu.memory_space<vmem>>
      %dma_start3A_456 = arith.constant 0 : i32
      %dma_start3A_457 = tpu.memref_slice %arg3[%dma_start3A_456, %multiple_of3A_450] : memref<32x1000001xf32, #tpu.memory_space<hbm>> -> memref<32x128xf32, #tpu.memory_space<hbm>>
      %dma_start3A_458 = arith.constant 0 : i32
      %dma_start3A_459 = arith.constant 0 : i32
      %dma_start3A_460 = tpu.memref_slice %arg6[%dma_start3A_451, %dma_start3A_458, %dma_start3A_459] : memref<16x32x128xf32, #tpu.memory_space<vmem>> -> memref<1x32x128xf32, #tpu.memory_space<vmem>>
      %dma_start3A_461 = tpu.memref_squeeze %dma_start3A_460 : memref<1x32x128xf32, #tpu.memory_space<vmem>> -> memref<32x128xf32, #tpu.memory_space<vmem>>
      %dma_start3A_462 = arith.constant 0 : i32
      %dma_start3A_463 = tpu.memref_slice %arg3[%dma_start3A_462, %multiple_of3A_450] : memref<32x1000001xf32, #tpu.memory_space<hbm>> -> memref<32x128xf32, #tpu.memory_space<hbm>>
      tpu.enqueue_dma source(%dma_start3A_463 : memref<32x128xf32, #tpu.memory_space<hbm>>) target(%dma_start3A_461 : memref<32x128xf32, #tpu.memory_space<vmem>>) target_semaphore(%arg9 : memref<!tpu.dma_semaphore, #tpu.memory_space<semaphore_mem>>)
      %jit3A_464 = arith.constant 2 : i32
      %div3A_465 = arith.divsi %add3A_245, %jit3A_464 : i32
      %sign3A_466 = arith.constant 0 : i32
      %sign3A_467 = arith.cmpi sgt, %add3A_245, %sign3A_466 : i32
      %sign3A_468 = arith.extui %sign3A_467 : i1 to i32
      %sign3A_469 = arith.constant 0 : i32
      %sign3A_470 = arith.cmpi slt, %add3A_245, %sign3A_469 : i32
      %sign3A_471 = arith.extui %sign3A_470 : i1 to i32
      %sign3A_472 = arith.subi %sign3A_468, %sign3A_471 : i32
      %sign3A_473 = arith.constant 0 : i32
      %sign3A_474 = arith.cmpi sgt, %jit3A_464, %sign3A_473 : i32
      %sign3A_475 = arith.extui %sign3A_474 : i1 to i32
      %sign3A_476 = arith.constant 0 : i32
      %sign3A_477 = arith.cmpi slt, %jit3A_464, %sign3A_476 : i32
      %sign3A_478 = arith.extui %sign3A_477 : i1 to i32
      %sign3A_479 = arith.subi %sign3A_475, %sign3A_478 : i32
      %ne3A_480 = arith.cmpi ne, %sign3A_472, %sign3A_479 : i32
      %rem3A_481 = arith.remsi %add3A_245, %jit3A_464 : i32
      %ne3A_482 = arith.constant 0 : i32
      %ne3A_483 = arith.cmpi ne, %rem3A_481, %ne3A_482 : i32
      %and3A_484 = arith.andi %ne3A_480, %ne3A_483 : i1
      %sub3A_485 = arith.constant 1 : i32
      %sub3A_486 = arith.subi %div3A_465, %sub3A_485 : i32
      %select_n3A_487 = arith.select %and3A_484, %sub3A_486, %div3A_465 : i32
      %mul3A_488 = arith.constant 16 : i32
      %mul3A_489 = arith.muli %select_n3A_487, %mul3A_488 : i32
      %get3A_490 = arith.index_cast %mul3A_489 : i32 to index
      %get3A_491 = tpu.vector_load %arg5[%get3A_490] {strides = array<i32>} : memref<512xi32, #tpu.memory_space<vmem>>, vector<16xi32>,
      %jit3A_492 = arith.constant 2 : i32
      %eq3A_493 = arith.constant 0 : i32
      %eq3A_494 = arith.cmpi eq, %jit3A_492, %eq3A_493 : i32
      %jit3A_495 = arith.constant 1 : i32
      %select_n3A_496 = arith.select %eq3A_494, %jit3A_495, %jit3A_492 : i32
      %rem3A_497 = arith.remsi %add3A_245, %select_n3A_496 : i32
      %ne3A_498 = arith.constant 0 : i32
      %ne3A_499 = arith.cmpi ne, %rem3A_497, %ne3A_498 : i32
      %lt3A_500 = arith.constant 0 : i32
      %lt3A_501 = arith.cmpi slt, %rem3A_497, %lt3A_500 : i32
      %lt3A_502 = arith.constant 0 : i32
      %lt3A_503 = arith.cmpi slt, %select_n3A_496, %lt3A_502 : i32
      %ne3A_504 = arith.xori %lt3A_501, %lt3A_503 : i1
      %and3A_505 = arith.andi %ne3A_504, %ne3A_499 : i1
      %add3A_506 = arith.addi %rem3A_497, %select_n3A_496 : i32
      %select_n3A_507 = arith.select %and3A_505, %add3A_506, %rem3A_497 : i32
      %mul3A_508 = arith.constant 8 : i32
      %mul3A_509 = arith.muli %select_n3A_507, %mul3A_508 : i32
      %add3A_510 = arith.constant 3 : i32
      %add3A_511 = arith.addi %mul3A_509, %add3A_510 : i32
      %eq3A_512 = vector.broadcast %add3A_511 : i32 to vector<16xi32>
      %eq3A_513 = arith.cmpi eq, %iota3A, %eq3A_512 : vector<16xi32>
      %jit3A_514 = arith.constant 0 : i32
      %broadcast_in_dim3A_515 = vector.broadcast %jit3A_514 : i32 to vector<16xi32>
      %select_n3A_516 = arith.select %eq3A_513, %get3A_491, %broadcast_in_dim3A_515 : vector<16xi1>, vector<16xi32>
      %reduce_sum3A_517 = arith.constant true
      %reduce_sum3A_518 = vector.broadcast %reduce_sum3A_517 : i1 to vector<16xi1>
      %reduce_sum3A_519 = tpu.scan <sum>, %select_n3A_516 masked %reduce_sum3A_518 : vector<16xi32>, vector<16xi1> -> vector<16xi32>
      %reduce_sum3A_520 = vector.extract %reduce_sum3A_519[15] : i32 from vector<16xi32>
      %shift_right_arithmetic3A_521 = arith.constant 7 : i32
      %shift_right_arithmetic3A_522 = arith.shrsi %reduce_sum3A_520, %shift_right_arithmetic3A_521 : i32
      %shift_left3A_523 = arith.constant 7 : i32
      %shift_left3A_524 = arith.shli %shift_right_arithmetic3A_522, %shift_left3A_523 : i32
      %multiple_of3A_525 = tpu.assume_multiple %shift_left3A_524, 128 : i32
      %dma_start3A_526 = arith.constant 11 : i32
      %dma_start3A_527 = arith.constant 0 : i32
      %dma_start3A_528 = arith.constant 0 : i32
      %dma_start3A_529 = tpu.memref_slice %arg6[%dma_start3A_526, %dma_start3A_527, %dma_start3A_528] : memref<16x32x128xf32, #tpu.memory_space<vmem>> -> memref<1x32x128xf32, #tpu.memory_space<vmem>>
      %dma_start3A_530 = tpu.memref_squeeze %dma_start3A_529 : memref<1x32x128xf32, #tpu.memory_space<vmem>> -> memref<32x128xf32, #tpu.memory_space<vmem>>
      %dma_start3A_531 = arith.constant 0 : i32
      %dma_start3A_532 = tpu.memref_slice %arg3[%dma_start3A_531, %multiple_of3A_525] : memref<32x1000001xf32, #tpu.memory_space<hbm>> -> memref<32x128xf32, #tpu.memory_space<hbm>>
      %dma_start3A_533 = arith.constant 0 : i32
      %dma_start3A_534 = arith.constant 0 : i32
      %dma_start3A_535 = tpu.memref_slice %arg6[%dma_start3A_526, %dma_start3A_533, %dma_start3A_534] : memref<16x32x128xf32, #tpu.memory_space<vmem>> -> memref<1x32x128xf32, #tpu.memory_space<vmem>>
      %dma_start3A_536 = tpu.memref_squeeze %dma_start3A_535 : memref<1x32x128xf32, #tpu.memory_space<vmem>> -> memref<32x128xf32, #tpu.memory_space<vmem>>
      %dma_start3A_537 = arith.constant 0 : i32
      %dma_start3A_538 = tpu.memref_slice %arg3[%dma_start3A_537, %multiple_of3A_525] : memref<32x1000001xf32, #tpu.memory_space<hbm>> -> memref<32x128xf32, #tpu.memory_space<hbm>>
      tpu.enqueue_dma source(%dma_start3A_538 : memref<32x128xf32, #tpu.memory_space<hbm>>) target(%dma_start3A_536 : memref<32x128xf32, #tpu.memory_space<vmem>>) target_semaphore(%arg9 : memref<!tpu.dma_semaphore, #tpu.memory_space<semaphore_mem>>)
      %jit3A_539 = arith.constant 2 : i32
      %div3A_540 = arith.divsi %add3A_245, %jit3A_539 : i32
      %sign3A_541 = arith.constant 0 : i32
      %sign3A_542 = arith.cmpi sgt, %add3A_245, %sign3A_541 : i32
      %sign3A_543 = arith.extui %sign3A_542 : i1 to i32
      %sign3A_544 = arith.constant 0 : i32
      %sign3A_545 = arith.cmpi slt, %add3A_245, %sign3A_544 : i32
      %sign3A_546 = arith.extui %sign3A_545 : i1 to i32
      %sign3A_547 = arith.subi %sign3A_543, %sign3A_546 : i32
      %sign3A_548 = arith.constant 0 : i32
      %sign3A_549 = arith.cmpi sgt, %jit3A_539, %sign3A_548 : i32
      %sign3A_550 = arith.extui %sign3A_549 : i1 to i32
      %sign3A_551 = arith.constant 0 : i32
      %sign3A_552 = arith.cmpi slt, %jit3A_539, %sign3A_551 : i32
      %sign3A_553 = arith.extui %sign3A_552 : i1 to i32
      %sign3A_554 = arith.subi %sign3A_550, %sign3A_553 : i32
      %ne3A_555 = arith.cmpi ne, %sign3A_547, %sign3A_554 : i32
      %rem3A_556 = arith.remsi %add3A_245, %jit3A_539 : i32
      %ne3A_557 = arith.constant 0 : i32
      %ne3A_558 = arith.cmpi ne, %rem3A_556, %ne3A_557 : i32
      %and3A_559 = arith.andi %ne3A_555, %ne3A_558 : i1
      %sub3A_560 = arith.constant 1 : i32
      %sub3A_561 = arith.subi %div3A_540, %sub3A_560 : i32
      %select_n3A_562 = arith.select %and3A_559, %sub3A_561, %div3A_540 : i32
      %mul3A_563 = arith.constant 16 : i32
      %mul3A_564 = arith.muli %select_n3A_562, %mul3A_563 : i32
      %get3A_565 = arith.index_cast %mul3A_564 : i32 to index
      %get3A_566 = tpu.vector_load %arg5[%get3A_565] {strides = array<i32>} : memref<512xi32, #tpu.memory_space<vmem>>, vector<16xi32>,
      %jit3A_567 = arith.constant 2 : i32
      %eq3A_568 = arith.constant 0 : i32
      %eq3A_569 = arith.cmpi eq, %jit3A_567, %eq3A_568 : i32
      %jit3A_570 = arith.constant 1 : i32
      %select_n3A_571 = arith.select %eq3A_569, %jit3A_570, %jit3A_567 : i32
      %rem3A_572 = arith.remsi %add3A_245, %select_n3A_571 : i32
      %ne3A_573 = arith.constant 0 : i32
      %ne3A_574 = arith.cmpi ne, %rem3A_572, %ne3A_573 : i32
      %lt3A_575 = arith.constant 0 : i32
      %lt3A_576 = arith.cmpi slt, %rem3A_572, %lt3A_575 : i32
      %lt3A_577 = arith.constant 0 : i32
      %lt3A_578 = arith.cmpi slt, %select_n3A_571, %lt3A_577 : i32
      %ne3A_579 = arith.xori %lt3A_576, %lt3A_578 : i1
      %and3A_580 = arith.andi %ne3A_579, %ne3A_574 : i1
      %add3A_581 = arith.addi %rem3A_572, %select_n3A_571 : i32
      %select_n3A_582 = arith.select %and3A_580, %add3A_581, %rem3A_572 : i32
      %mul3A_583 = arith.constant 8 : i32
      %mul3A_584 = arith.muli %select_n3A_582, %mul3A_583 : i32
      %add3A_585 = arith.constant 4 : i32
      %add3A_586 = arith.addi %mul3A_584, %add3A_585 : i32
      %eq3A_587 = vector.broadcast %add3A_586 : i32 to vector<16xi32>
      %eq3A_588 = arith.cmpi eq, %iota3A, %eq3A_587 : vector<16xi32>
      %jit3A_589 = arith.constant 0 : i32
      %broadcast_in_dim3A_590 = vector.broadcast %jit3A_589 : i32 to vector<16xi32>
      %select_n3A_591 = arith.select %eq3A_588, %get3A_566, %broadcast_in_dim3A_590 : vector<16xi1>, vector<16xi32>
      %reduce_sum3A_592 = arith.constant true
      %reduce_sum3A_593 = vector.broadcast %reduce_sum3A_592 : i1 to vector<16xi1>
      %reduce_sum3A_594 = tpu.scan <sum>, %select_n3A_591 masked %reduce_sum3A_593 : vector<16xi32>, vector<16xi1> -> vector<16xi32>
      %reduce_sum3A_595 = vector.extract %reduce_sum3A_594[15] : i32 from vector<16xi32>
      %shift_right_arithmetic3A_596 = arith.constant 7 : i32
      %shift_right_arithmetic3A_597 = arith.shrsi %reduce_sum3A_595, %shift_right_arithmetic3A_596 : i32
      %shift_left3A_598 = arith.constant 7 : i32
      %shift_left3A_599 = arith.shli %shift_right_arithmetic3A_597, %shift_left3A_598 : i32
      %multiple_of3A_600 = tpu.assume_multiple %shift_left3A_599, 128 : i32
      %dma_start3A_601 = arith.constant 12 : i32
      %dma_start3A_602 = arith.constant 0 : i32
      %dma_start3A_603 = arith.constant 0 : i32
      %dma_start3A_604 = tpu.memref_slice %arg6[%dma_start3A_601, %dma_start3A_602, %dma_start3A_603] : memref<16x32x128xf32, #tpu.memory_space<vmem>> -> memref<1x32x128xf32, #tpu.memory_space<vmem>>
      %dma_start3A_605 = tpu.memref_squeeze %dma_start3A_604 : memref<1x32x128xf32, #tpu.memory_space<vmem>> -> memref<32x128xf32, #tpu.memory_space<vmem>>
      %dma_start3A_606 = arith.constant 0 : i32
      %dma_start3A_607 = tpu.memref_slice %arg3[%dma_start3A_606, %multiple_of3A_600] : memref<32x1000001xf32, #tpu.memory_space<hbm>> -> memref<32x128xf32, #tpu.memory_space<hbm>>
      %dma_start3A_608 = arith.constant 0 : i32
      %dma_start3A_609 = arith.constant 0 : i32
      %dma_start3A_610 = tpu.memref_slice %arg6[%dma_start3A_601, %dma_start3A_608, %dma_start3A_609] : memref<16x32x128xf32, #tpu.memory_space<vmem>> -> memref<1x32x128xf32, #tpu.memory_space<vmem>>
      %dma_start3A_611 = tpu.memref_squeeze %dma_start3A_610 : memref<1x32x128xf32, #tpu.memory_space<vmem>> -> memref<32x128xf32, #tpu.memory_space<vmem>>
      %dma_start3A_612 = arith.constant 0 : i32
      %dma_start3A_613 = tpu.memref_slice %arg3[%dma_start3A_612, %multiple_of3A_600] : memref<32x1000001xf32, #tpu.memory_space<hbm>> -> memref<32x128xf32, #tpu.memory_space<hbm>>
      tpu.enqueue_dma source(%dma_start3A_613 : memref<32x128xf32, #tpu.memory_space<hbm>>) target(%dma_start3A_611 : memref<32x128xf32, #tpu.memory_space<vmem>>) target_semaphore(%arg9 : memref<!tpu.dma_semaphore, #tpu.memory_space<semaphore_mem>>)
      %jit3A_614 = arith.constant 2 : i32
      %div3A_615 = arith.divsi %add3A_245, %jit3A_614 : i32
      %sign3A_616 = arith.constant 0 : i32
      %sign3A_617 = arith.cmpi sgt, %add3A_245, %sign3A_616 : i32
      %sign3A_618 = arith.extui %sign3A_617 : i1 to i32
      %sign3A_619 = arith.constant 0 : i32
      %sign3A_620 = arith.cmpi slt, %add3A_245, %sign3A_619 : i32
      %sign3A_621 = arith.extui %sign3A_620 : i1 to i32
      %sign3A_622 = arith.subi %sign3A_618, %sign3A_621 : i32
      %sign3A_623 = arith.constant 0 : i32
      %sign3A_624 = arith.cmpi sgt, %jit3A_614, %sign3A_623 : i32
      %sign3A_625 = arith.extui %sign3A_624 : i1 to i32
      %sign3A_626 = arith.constant 0 : i32
      %sign3A_627 = arith.cmpi slt, %jit3A_614, %sign3A_626 : i32
      %sign3A_628 = arith.extui %sign3A_627 : i1 to i32
      %sign3A_629 = arith.subi %sign3A_625, %sign3A_628 : i32
      %ne3A_630 = arith.cmpi ne, %sign3A_622, %sign3A_629 : i32
      %rem3A_631 = arith.remsi %add3A_245, %jit3A_614 : i32
      %ne3A_632 = arith.constant 0 : i32
      %ne3A_633 = arith.cmpi ne, %rem3A_631, %ne3A_632 : i32
      %and3A_634 = arith.andi %ne3A_630, %ne3A_633 : i1
      %sub3A_635 = arith.constant 1 : i32
      %sub3A_636 = arith.subi %div3A_615, %sub3A_635 : i32
      %select_n3A_637 = arith.select %and3A_634, %sub3A_636, %div3A_615 : i32
      %mul3A_638 = arith.constant 16 : i32
      %mul3A_639 = arith.muli %select_n3A_637, %mul3A_638 : i32
      %get3A_640 = arith.index_cast %mul3A_639 : i32 to index
      %get3A_641 = tpu.vector_load %arg5[%get3A_640] {strides = array<i32>} : memref<512xi32, #tpu.memory_space<vmem>>, vector<16xi32>,
      %jit3A_642 = arith.constant 2 : i32
      %eq3A_643 = arith.constant 0 : i32
      %eq3A_644 = arith.cmpi eq, %jit3A_642, %eq3A_643 : i32
      %jit3A_645 = arith.constant 1 : i32
      %select_n3A_646 = arith.select %eq3A_644, %jit3A_645, %jit3A_642 : i32
      %rem3A_647 = arith.remsi %add3A_245, %select_n3A_646 : i32
      %ne3A_648 = arith.constant 0 : i32
      %ne3A_649 = arith.cmpi ne, %rem3A_647, %ne3A_648 : i32
      %lt3A_650 = arith.constant 0 : i32
      %lt3A_651 = arith.cmpi slt, %rem3A_647, %lt3A_650 : i32
      %lt3A_652 = arith.constant 0 : i32
      %lt3A_653 = arith.cmpi slt, %select_n3A_646, %lt3A_652 : i32
      %ne3A_654 = arith.xori %lt3A_651, %lt3A_653 : i1
      %and3A_655 = arith.andi %ne3A_654, %ne3A_649 : i1
      %add3A_656 = arith.addi %rem3A_647, %select_n3A_646 : i32
      %select_n3A_657 = arith.select %and3A_655, %add3A_656, %rem3A_647 : i32
      %mul3A_658 = arith.constant 8 : i32
      %mul3A_659 = arith.muli %select_n3A_657, %mul3A_658 : i32
      %add3A_660 = arith.constant 5 : i32
      %add3A_661 = arith.addi %mul3A_659, %add3A_660 : i32
      %eq3A_662 = vector.broadcast %add3A_661 : i32 to vector<16xi32>
      %eq3A_663 = arith.cmpi eq, %iota3A, %eq3A_662 : vector<16xi32>
      %jit3A_664 = arith.constant 0 : i32
      %broadcast_in_dim3A_665 = vector.broadcast %jit3A_664 : i32 to vector<16xi32>
      %select_n3A_666 = arith.select %eq3A_663, %get3A_641, %broadcast_in_dim3A_665 : vector<16xi1>, vector<16xi32>
      %reduce_sum3A_667 = arith.constant true
      %reduce_sum3A_668 = vector.broadcast %reduce_sum3A_667 : i1 to vector<16xi1>
      %reduce_sum3A_669 = tpu.scan <sum>, %select_n3A_666 masked %reduce_sum3A_668 : vector<16xi32>, vector<16xi1> -> vector<16xi32>
      %reduce_sum3A_670 = vector.extract %reduce_sum3A_669[15] : i32 from vector<16xi32>
      %shift_right_arithmetic3A_671 = arith.constant 7 : i32
      %shift_right_arithmetic3A_672 = arith.shrsi %reduce_sum3A_670, %shift_right_arithmetic3A_671 : i32
      %shift_left3A_673 = arith.constant 7 : i32
      %shift_left3A_674 = arith.shli %shift_right_arithmetic3A_672, %shift_left3A_673 : i32
      %multiple_of3A_675 = tpu.assume_multiple %shift_left3A_674, 128 : i32
      %dma_start3A_676 = arith.constant 13 : i32
      %dma_start3A_677 = arith.constant 0 : i32
      %dma_start3A_678 = arith.constant 0 : i32
      %dma_start3A_679 = tpu.memref_slice %arg6[%dma_start3A_676, %dma_start3A_677, %dma_start3A_678] : memref<16x32x128xf32, #tpu.memory_space<vmem>> -> memref<1x32x128xf32, #tpu.memory_space<vmem>>
      %dma_start3A_680 = tpu.memref_squeeze %dma_start3A_679 : memref<1x32x128xf32, #tpu.memory_space<vmem>> -> memref<32x128xf32, #tpu.memory_space<vmem>>
      %dma_start3A_681 = arith.constant 0 : i32
      %dma_start3A_682 = tpu.memref_slice %arg3[%dma_start3A_681, %multiple_of3A_675] : memref<32x1000001xf32, #tpu.memory_space<hbm>> -> memref<32x128xf32, #tpu.memory_space<hbm>>
      %dma_start3A_683 = arith.constant 0 : i32
      %dma_start3A_684 = arith.constant 0 : i32
      %dma_start3A_685 = tpu.memref_slice %arg6[%dma_start3A_676, %dma_start3A_683, %dma_start3A_684] : memref<16x32x128xf32, #tpu.memory_space<vmem>> -> memref<1x32x128xf32, #tpu.memory_space<vmem>>
      %dma_start3A_686 = tpu.memref_squeeze %dma_start3A_685 : memref<1x32x128xf32, #tpu.memory_space<vmem>> -> memref<32x128xf32, #tpu.memory_space<vmem>>
      %dma_start3A_687 = arith.constant 0 : i32
      %dma_start3A_688 = tpu.memref_slice %arg3[%dma_start3A_687, %multiple_of3A_675] : memref<32x1000001xf32, #tpu.memory_space<hbm>> -> memref<32x128xf32, #tpu.memory_space<hbm>>
      tpu.enqueue_dma source(%dma_start3A_688 : memref<32x128xf32, #tpu.memory_space<hbm>>) target(%dma_start3A_686 : memref<32x128xf32, #tpu.memory_space<vmem>>) target_semaphore(%arg9 : memref<!tpu.dma_semaphore, #tpu.memory_space<semaphore_mem>>)
      %jit3A_689 = arith.constant 2 : i32
      %div3A_690 = arith.divsi %add3A_245, %jit3A_689 : i32
      %sign3A_691 = arith.constant 0 : i32
      %sign3A_692 = arith.cmpi sgt, %add3A_245, %sign3A_691 : i32
      %sign3A_693 = arith.extui %sign3A_692 : i1 to i32
      %sign3A_694 = arith.constant 0 : i32
      %sign3A_695 = arith.cmpi slt, %add3A_245, %sign3A_694 : i32
      %sign3A_696 = arith.extui %sign3A_695 : i1 to i32
      %sign3A_697 = arith.subi %sign3A_693, %sign3A_696 : i32
      %sign3A_698 = arith.constant 0 : i32
      %sign3A_699 = arith.cmpi sgt, %jit3A_689, %sign3A_698 : i32
      %sign3A_700 = arith.extui %sign3A_699 : i1 to i32
      %sign3A_701 = arith.constant 0 : i32
      %sign3A_702 = arith.cmpi slt, %jit3A_689, %sign3A_701 : i32
      %sign3A_703 = arith.extui %sign3A_702 : i1 to i32
      %sign3A_704 = arith.subi %sign3A_700, %sign3A_703 : i32
      %ne3A_705 = arith.cmpi ne, %sign3A_697, %sign3A_704 : i32
      %rem3A_706 = arith.remsi %add3A_245, %jit3A_689 : i32
      %ne3A_707 = arith.constant 0 : i32
      %ne3A_708 = arith.cmpi ne, %rem3A_706, %ne3A_707 : i32
      %and3A_709 = arith.andi %ne3A_705, %ne3A_708 : i1
      %sub3A_710 = arith.constant 1 : i32
      %sub3A_711 = arith.subi %div3A_690, %sub3A_710 : i32
      %select_n3A_712 = arith.select %and3A_709, %sub3A_711, %div3A_690 : i32
      %mul3A_713 = arith.constant 16 : i32
      %mul3A_714 = arith.muli %select_n3A_712, %mul3A_713 : i32
      %get3A_715 = arith.index_cast %mul3A_714 : i32 to index
      %get3A_716 = tpu.vector_load %arg5[%get3A_715] {strides = array<i32>} : memref<512xi32, #tpu.memory_space<vmem>>, vector<16xi32>,
      %jit3A_717 = arith.constant 2 : i32
      %eq3A_718 = arith.constant 0 : i32
      %eq3A_719 = arith.cmpi eq, %jit3A_717, %eq3A_718 : i32
      %jit3A_720 = arith.constant 1 : i32
      %select_n3A_721 = arith.select %eq3A_719, %jit3A_720, %jit3A_717 : i32
      %rem3A_722 = arith.remsi %add3A_245, %select_n3A_721 : i32
      %ne3A_723 = arith.constant 0 : i32
      %ne3A_724 = arith.cmpi ne, %rem3A_722, %ne3A_723 : i32
      %lt3A_725 = arith.constant 0 : i32
      %lt3A_726 = arith.cmpi slt, %rem3A_722, %lt3A_725 : i32
      %lt3A_727 = arith.constant 0 : i32
      %lt3A_728 = arith.cmpi slt, %select_n3A_721, %lt3A_727 : i32
      %ne3A_729 = arith.xori %lt3A_726, %lt3A_728 : i1
      %and3A_730 = arith.andi %ne3A_729, %ne3A_724 : i1
      %add3A_731 = arith.addi %rem3A_722, %select_n3A_721 : i32
      %select_n3A_732 = arith.select %and3A_730, %add3A_731, %rem3A_722 : i32
      %mul3A_733 = arith.constant 8 : i32
      %mul3A_734 = arith.muli %select_n3A_732, %mul3A_733 : i32
      %add3A_735 = arith.constant 6 : i32
      %add3A_736 = arith.addi %mul3A_734, %add3A_735 : i32
      %eq3A_737 = vector.broadcast %add3A_736 : i32 to vector<16xi32>
      %eq3A_738 = arith.cmpi eq, %iota3A, %eq3A_737 : vector<16xi32>
      %jit3A_739 = arith.constant 0 : i32
      %broadcast_in_dim3A_740 = vector.broadcast %jit3A_739 : i32 to vector<16xi32>
      %select_n3A_741 = arith.select %eq3A_738, %get3A_716, %broadcast_in_dim3A_740 : vector<16xi1>, vector<16xi32>
      %reduce_sum3A_742 = arith.constant true
      %reduce_sum3A_743 = vector.broadcast %reduce_sum3A_742 : i1 to vector<16xi1>
      %reduce_sum3A_744 = tpu.scan <sum>, %select_n3A_741 masked %reduce_sum3A_743 : vector<16xi32>, vector<16xi1> -> vector<16xi32>
      %reduce_sum3A_745 = vector.extract %reduce_sum3A_744[15] : i32 from vector<16xi32>
      %shift_right_arithmetic3A_746 = arith.constant 7 : i32
      %shift_right_arithmetic3A_747 = arith.shrsi %reduce_sum3A_745, %shift_right_arithmetic3A_746 : i32
      %shift_left3A_748 = arith.constant 7 : i32
      %shift_left3A_749 = arith.shli %shift_right_arithmetic3A_747, %shift_left3A_748 : i32
      %multiple_of3A_750 = tpu.assume_multiple %shift_left3A_749, 128 : i32
      %dma_start3A_751 = arith.constant 14 : i32
      %dma_start3A_752 = arith.constant 0 : i32
      %dma_start3A_753 = arith.constant 0 : i32
      %dma_start3A_754 = tpu.memref_slice %arg6[%dma_start3A_751, %dma_start3A_752, %dma_start3A_753] : memref<16x32x128xf32, #tpu.memory_space<vmem>> -> memref<1x32x128xf32, #tpu.memory_space<vmem>>
      %dma_start3A_755 = tpu.memref_squeeze %dma_start3A_754 : memref<1x32x128xf32, #tpu.memory_space<vmem>> -> memref<32x128xf32, #tpu.memory_space<vmem>>
      %dma_start3A_756 = arith.constant 0 : i32
      %dma_start3A_757 = tpu.memref_slice %arg3[%dma_start3A_756, %multiple_of3A_750] : memref<32x1000001xf32, #tpu.memory_space<hbm>> -> memref<32x128xf32, #tpu.memory_space<hbm>>
      %dma_start3A_758 = arith.constant 0 : i32
      %dma_start3A_759 = arith.constant 0 : i32
      %dma_start3A_760 = tpu.memref_slice %arg6[%dma_start3A_751, %dma_start3A_758, %dma_start3A_759] : memref<16x32x128xf32, #tpu.memory_space<vmem>> -> memref<1x32x128xf32, #tpu.memory_space<vmem>>
      %dma_start3A_761 = tpu.memref_squeeze %dma_start3A_760 : memref<1x32x128xf32, #tpu.memory_space<vmem>> -> memref<32x128xf32, #tpu.memory_space<vmem>>
      %dma_start3A_762 = arith.constant 0 : i32
      %dma_start3A_763 = tpu.memref_slice %arg3[%dma_start3A_762, %multiple_of3A_750] : memref<32x1000001xf32, #tpu.memory_space<hbm>> -> memref<32x128xf32, #tpu.memory_space<hbm>>
      tpu.enqueue_dma source(%dma_start3A_763 : memref<32x128xf32, #tpu.memory_space<hbm>>) target(%dma_start3A_761 : memref<32x128xf32, #tpu.memory_space<vmem>>) target_semaphore(%arg9 : memref<!tpu.dma_semaphore, #tpu.memory_space<semaphore_mem>>)
      %jit3A_764 = arith.constant 2 : i32
      %div3A_765 = arith.divsi %add3A_245, %jit3A_764 : i32
      %sign3A_766 = arith.constant 0 : i32
      %sign3A_767 = arith.cmpi sgt, %add3A_245, %sign3A_766 : i32
      %sign3A_768 = arith.extui %sign3A_767 : i1 to i32
      %sign3A_769 = arith.constant 0 : i32
      %sign3A_770 = arith.cmpi slt, %add3A_245, %sign3A_769 : i32
      %sign3A_771 = arith.extui %sign3A_770 : i1 to i32
      %sign3A_772 = arith.subi %sign3A_768, %sign3A_771 : i32
      %sign3A_773 = arith.constant 0 : i32
      %sign3A_774 = arith.cmpi sgt, %jit3A_764, %sign3A_773 : i32
      %sign3A_775 = arith.extui %sign3A_774 : i1 to i32
      %sign3A_776 = arith.constant 0 : i32
      %sign3A_777 = arith.cmpi slt, %jit3A_764, %sign3A_776 : i32
      %sign3A_778 = arith.extui %sign3A_777 : i1 to i32
      %sign3A_779 = arith.subi %sign3A_775, %sign3A_778 : i32
      %ne3A_780 = arith.cmpi ne, %sign3A_772, %sign3A_779 : i32
      %rem3A_781 = arith.remsi %add3A_245, %jit3A_764 : i32
      %ne3A_782 = arith.constant 0 : i32
      %ne3A_783 = arith.cmpi ne, %rem3A_781, %ne3A_782 : i32
      %and3A_784 = arith.andi %ne3A_780, %ne3A_783 : i1
      %sub3A_785 = arith.constant 1 : i32
      %sub3A_786 = arith.subi %div3A_765, %sub3A_785 : i32
      %select_n3A_787 = arith.select %and3A_784, %sub3A_786, %div3A_765 : i32
      %mul3A_788 = arith.constant 16 : i32
      %mul3A_789 = arith.muli %select_n3A_787, %mul3A_788 : i32
      %get3A_790 = arith.index_cast %mul3A_789 : i32 to index
      %get3A_791 = tpu.vector_load %arg5[%get3A_790] {strides = array<i32>} : memref<512xi32, #tpu.memory_space<vmem>>, vector<16xi32>,
      %jit3A_792 = arith.constant 2 : i32
      %eq3A_793 = arith.constant 0 : i32
      %eq3A_794 = arith.cmpi eq, %jit3A_792, %eq3A_793 : i32
      %jit3A_795 = arith.constant 1 : i32
      %select_n3A_796 = arith.select %eq3A_794, %jit3A_795, %jit3A_792 : i32
      %rem3A_797 = arith.remsi %add3A_245, %select_n3A_796 : i32
      %ne3A_798 = arith.constant 0 : i32
      %ne3A_799 = arith.cmpi ne, %rem3A_797, %ne3A_798 : i32
      %lt3A_800 = arith.constant 0 : i32
      %lt3A_801 = arith.cmpi slt, %rem3A_797, %lt3A_800 : i32
      %lt3A_802 = arith.constant 0 : i32
      %lt3A_803 = arith.cmpi slt, %select_n3A_796, %lt3A_802 : i32
      %ne3A_804 = arith.xori %lt3A_801, %lt3A_803 : i1
      %and3A_805 = arith.andi %ne3A_804, %ne3A_799 : i1
      %add3A_806 = arith.addi %rem3A_797, %select_n3A_796 : i32
      %select_n3A_807 = arith.select %and3A_805, %add3A_806, %rem3A_797 : i32
      %mul3A_808 = arith.constant 8 : i32
      %mul3A_809 = arith.muli %select_n3A_807, %mul3A_808 : i32
      %add3A_810 = arith.constant 7 : i32
      %add3A_811 = arith.addi %mul3A_809, %add3A_810 : i32
      %eq3A_812 = vector.broadcast %add3A_811 : i32 to vector<16xi32>
      %eq3A_813 = arith.cmpi eq, %iota3A, %eq3A_812 : vector<16xi32>
      %jit3A_814 = arith.constant 0 : i32
      %broadcast_in_dim3A_815 = vector.broadcast %jit3A_814 : i32 to vector<16xi32>
      %select_n3A_816 = arith.select %eq3A_813, %get3A_791, %broadcast_in_dim3A_815 : vector<16xi1>, vector<16xi32>
      %reduce_sum3A_817 = arith.constant true
      %reduce_sum3A_818 = vector.broadcast %reduce_sum3A_817 : i1 to vector<16xi1>
      %reduce_sum3A_819 = tpu.scan <sum>, %select_n3A_816 masked %reduce_sum3A_818 : vector<16xi32>, vector<16xi1> -> vector<16xi32>
      %reduce_sum3A_820 = vector.extract %reduce_sum3A_819[15] : i32 from vector<16xi32>
      %shift_right_arithmetic3A_821 = arith.constant 7 : i32
      %shift_right_arithmetic3A_822 = arith.shrsi %reduce_sum3A_820, %shift_right_arithmetic3A_821 : i32
      %shift_left3A_823 = arith.constant 7 : i32
      %shift_left3A_824 = arith.shli %shift_right_arithmetic3A_822, %shift_left3A_823 : i32
      %multiple_of3A_825 = tpu.assume_multiple %shift_left3A_824, 128 : i32
      %dma_start3A_826 = arith.constant 15 : i32
      %dma_start3A_827 = arith.constant 0 : i32
      %dma_start3A_828 = arith.constant 0 : i32
      %dma_start3A_829 = tpu.memref_slice %arg6[%dma_start3A_826, %dma_start3A_827, %dma_start3A_828] : memref<16x32x128xf32, #tpu.memory_space<vmem>> -> memref<1x32x128xf32, #tpu.memory_space<vmem>>
      %dma_start3A_830 = tpu.memref_squeeze %dma_start3A_829 : memref<1x32x128xf32, #tpu.memory_space<vmem>> -> memref<32x128xf32, #tpu.memory_space<vmem>>
      %dma_start3A_831 = arith.constant 0 : i32
      %dma_start3A_832 = tpu.memref_slice %arg3[%dma_start3A_831, %multiple_of3A_825] : memref<32x1000001xf32, #tpu.memory_space<hbm>> -> memref<32x128xf32, #tpu.memory_space<hbm>>
      %dma_start3A_833 = arith.constant 0 : i32
      %dma_start3A_834 = arith.constant 0 : i32
      %dma_start3A_835 = tpu.memref_slice %arg6[%dma_start3A_826, %dma_start3A_833, %dma_start3A_834] : memref<16x32x128xf32, #tpu.memory_space<vmem>> -> memref<1x32x128xf32, #tpu.memory_space<vmem>>
      %dma_start3A_836 = tpu.memref_squeeze %dma_start3A_835 : memref<1x32x128xf32, #tpu.memory_space<vmem>> -> memref<32x128xf32, #tpu.memory_space<vmem>>
      %dma_start3A_837 = arith.constant 0 : i32
      %dma_start3A_838 = tpu.memref_slice %arg3[%dma_start3A_837, %multiple_of3A_825] : memref<32x1000001xf32, #tpu.memory_space<hbm>> -> memref<32x128xf32, #tpu.memory_space<hbm>>
      tpu.enqueue_dma source(%dma_start3A_838 : memref<32x128xf32, #tpu.memory_space<hbm>>) target(%dma_start3A_836 : memref<32x128xf32, #tpu.memory_space<vmem>>) target_semaphore(%arg9 : memref<!tpu.dma_semaphore, #tpu.memory_space<semaphore_mem>>)
      %dma_wait3A = arith.constant 0 : i32
      %dma_wait3A_839 = arith.constant 0 : i32
      %dma_wait3A_840 = arith.constant 0 : i32
      %dma_wait3A_841 = tpu.memref_slice %arg6[%dma_wait3A, %dma_wait3A_839, %dma_wait3A_840] : memref<16x32x128xf32, #tpu.memory_space<vmem>> -> memref<1x32x128xf32, #tpu.memory_space<vmem>>
      %dma_wait3A_842 = tpu.memref_squeeze %dma_wait3A_841 : memref<1x32x128xf32, #tpu.memory_space<vmem>> -> memref<32x128xf32, #tpu.memory_space<vmem>>
      %dma_wait3A_843 = arith.constant 0 : i32
      %dma_wait3A_844 = arith.constant 0 : i32
      %dma_wait3A_845 = tpu.memref_slice %arg3[%dma_wait3A_843, %dma_wait3A_844] : memref<32x1000001xf32, #tpu.memory_space<hbm>> -> memref<32x128xf32, #tpu.memory_space<hbm>>
      %dma_wait3A_846 = arith.constant 0 : i32
      %dma_wait3A_847 = arith.constant 0 : i32
      %dma_wait3A_848 = tpu.memref_slice %arg6[%dma_wait3A, %dma_wait3A_846, %dma_wait3A_847] : memref<16x32x128xf32, #tpu.memory_space<vmem>> -> memref<1x32x128xf32, #tpu.memory_space<vmem>>
      %dma_wait3A_849 = tpu.memref_squeeze %dma_wait3A_848 : memref<1x32x128xf32, #tpu.memory_space<vmem>> -> memref<32x128xf32, #tpu.memory_space<vmem>>
      %dma_wait3A_850 = arith.constant 0 : i32
      %dma_wait3A_851 = arith.constant 0 : i32
      %dma_wait3A_852 = tpu.memref_slice %arg3[%dma_wait3A_850, %dma_wait3A_851] : memref<32x1000001xf32, #tpu.memory_space<hbm>> -> memref<32x128xf32, #tpu.memory_space<hbm>>
      tpu.wait_dma2 semaphore(%arg8 : memref<!tpu.dma_semaphore, #tpu.memory_space<semaphore_mem>>) src(%dma_wait3A_852 : memref<32x128xf32, #tpu.memory_space<hbm>>) dst(%dma_wait3A_849 : memref<32x128xf32, #tpu.memory_space<vmem>>)
      %dma_wait3A_853 = arith.constant 1 : i32
      %dma_wait3A_854 = arith.constant 0 : i32
      %dma_wait3A_855 = arith.constant 0 : i32
      %dma_wait3A_856 = tpu.memref_slice %arg6[%dma_wait3A_853, %dma_wait3A_854, %dma_wait3A_855] : memref<16x32x128xf32, #tpu.memory_space<vmem>> -> memref<1x32x128xf32, #tpu.memory_space<vmem>>
      %dma_wait3A_857 = tpu.memref_squeeze %dma_wait3A_856 : memref<1x32x128xf32, #tpu.memory_space<vmem>> -> memref<32x128xf32, #tpu.memory_space<vmem>>
      %dma_wait3A_858 = arith.constant 0 : i32
      %dma_wait3A_859 = arith.constant 0 : i32
      %dma_wait3A_860 = tpu.memref_slice %arg3[%dma_wait3A_858, %dma_wait3A_859] : memref<32x1000001xf32, #tpu.memory_space<hbm>> -> memref<32x128xf32, #tpu.memory_space<hbm>>
      %dma_wait3A_861 = arith.constant 0 : i32
      %dma_wait3A_862 = arith.constant 0 : i32
      %dma_wait3A_863 = tpu.memref_slice %arg6[%dma_wait3A_853, %dma_wait3A_861, %dma_wait3A_862] : memref<16x32x128xf32, #tpu.memory_space<vmem>> -> memref<1x32x128xf32, #tpu.memory_space<vmem>>
      %dma_wait3A_864 = tpu.memref_squeeze %dma_wait3A_863 : memref<1x32x128xf32, #tpu.memory_space<vmem>> -> memref<32x128xf32, #tpu.memory_space<vmem>>
      %dma_wait3A_865 = arith.constant 0 : i32
      %dma_wait3A_866 = arith.constant 0 : i32
      %dma_wait3A_867 = tpu.memref_slice %arg3[%dma_wait3A_865, %dma_wait3A_866] : memref<32x1000001xf32, #tpu.memory_space<hbm>> -> memref<32x128xf32, #tpu.memory_space<hbm>>
      tpu.wait_dma2 semaphore(%arg8 : memref<!tpu.dma_semaphore, #tpu.memory_space<semaphore_mem>>) src(%dma_wait3A_867 : memref<32x128xf32, #tpu.memory_space<hbm>>) dst(%dma_wait3A_864 : memref<32x128xf32, #tpu.memory_space<vmem>>)
      %dma_wait3A_868 = arith.constant 2 : i32
      %dma_wait3A_869 = arith.constant 0 : i32
      %dma_wait3A_870 = arith.constant 0 : i32
      %dma_wait3A_871 = tpu.memref_slice %arg6[%dma_wait3A_868, %dma_wait3A_869, %dma_wait3A_870] : memref<16x32x128xf32, #tpu.memory_space<vmem>> -> memref<1x32x128xf32, #tpu.memory_space<vmem>>
      %dma_wait3A_872 = tpu.memref_squeeze %dma_wait3A_871 : memref<1x32x128xf32, #tpu.memory_space<vmem>> -> memref<32x128xf32, #tpu.memory_space<vmem>>
      %dma_wait3A_873 = arith.constant 0 : i32
      %dma_wait3A_874 = arith.constant 0 : i32
      %dma_wait3A_875 = tpu.memref_slice %arg3[%dma_wait3A_873, %dma_wait3A_874] : memref<32x1000001xf32, #tpu.memory_space<hbm>> -> memref<32x128xf32, #tpu.memory_space<hbm>>
      %dma_wait3A_876 = arith.constant 0 : i32
      %dma_wait3A_877 = arith.constant 0 : i32
      %dma_wait3A_878 = tpu.memref_slice %arg6[%dma_wait3A_868, %dma_wait3A_876, %dma_wait3A_877] : memref<16x32x128xf32, #tpu.memory_space<vmem>> -> memref<1x32x128xf32, #tpu.memory_space<vmem>>
      %dma_wait3A_879 = tpu.memref_squeeze %dma_wait3A_878 : memref<1x32x128xf32, #tpu.memory_space<vmem>> -> memref<32x128xf32, #tpu.memory_space<vmem>>
      %dma_wait3A_880 = arith.constant 0 : i32
      %dma_wait3A_881 = arith.constant 0 : i32
      %dma_wait3A_882 = tpu.memref_slice %arg3[%dma_wait3A_880, %dma_wait3A_881] : memref<32x1000001xf32, #tpu.memory_space<hbm>> -> memref<32x128xf32, #tpu.memory_space<hbm>>
      tpu.wait_dma2 semaphore(%arg8 : memref<!tpu.dma_semaphore, #tpu.memory_space<semaphore_mem>>) src(%dma_wait3A_882 : memref<32x128xf32, #tpu.memory_space<hbm>>) dst(%dma_wait3A_879 : memref<32x128xf32, #tpu.memory_space<vmem>>)
      %dma_wait3A_883 = arith.constant 3 : i32
      %dma_wait3A_884 = arith.constant 0 : i32
      %dma_wait3A_885 = arith.constant 0 : i32
      %dma_wait3A_886 = tpu.memref_slice %arg6[%dma_wait3A_883, %dma_wait3A_884, %dma_wait3A_885] : memref<16x32x128xf32, #tpu.memory_space<vmem>> -> memref<1x32x128xf32, #tpu.memory_space<vmem>>
      %dma_wait3A_887 = tpu.memref_squeeze %dma_wait3A_886 : memref<1x32x128xf32, #tpu.memory_space<vmem>> -> memref<32x128xf32, #tpu.memory_space<vmem>>
      %dma_wait3A_888 = arith.constant 0 : i32
      %dma_wait3A_889 = arith.constant 0 : i32
      %dma_wait3A_890 = tpu.memref_slice %arg3[%dma_wait3A_888, %dma_wait3A_889] : memref<32x1000001xf32, #tpu.memory_space<hbm>> -> memref<32x128xf32, #tpu.memory_space<hbm>>
      %dma_wait3A_891 = arith.constant 0 : i32
      %dma_wait3A_892 = arith.constant 0 : i32
      %dma_wait3A_893 = tpu.memref_slice %arg6[%dma_wait3A_883, %dma_wait3A_891, %dma_wait3A_892] : memref<16x32x128xf32, #tpu.memory_space<vmem>> -> memref<1x32x128xf32, #tpu.memory_space<vmem>>
      %dma_wait3A_894 = tpu.memref_squeeze %dma_wait3A_893 : memref<1x32x128xf32, #tpu.memory_space<vmem>> -> memref<32x128xf32, #tpu.memory_space<vmem>>
      %dma_wait3A_895 = arith.constant 0 : i32
      %dma_wait3A_896 = arith.constant 0 : i32
      %dma_wait3A_897 = tpu.memref_slice %arg3[%dma_wait3A_895, %dma_wait3A_896] : memref<32x1000001xf32, #tpu.memory_space<hbm>> -> memref<32x128xf32, #tpu.memory_space<hbm>>
      tpu.wait_dma2 semaphore(%arg8 : memref<!tpu.dma_semaphore, #tpu.memory_space<semaphore_mem>>) src(%dma_wait3A_897 : memref<32x128xf32, #tpu.memory_space<hbm>>) dst(%dma_wait3A_894 : memref<32x128xf32, #tpu.memory_space<vmem>>)
      %dma_wait3A_898 = arith.constant 4 : i32
      %dma_wait3A_899 = arith.constant 0 : i32
      %dma_wait3A_900 = arith.constant 0 : i32
      %dma_wait3A_901 = tpu.memref_slice %arg6[%dma_wait3A_898, %dma_wait3A_899, %dma_wait3A_900] : memref<16x32x128xf32, #tpu.memory_space<vmem>> -> memref<1x32x128xf32, #tpu.memory_space<vmem>>
      %dma_wait3A_902 = tpu.memref_squeeze %dma_wait3A_901 : memref<1x32x128xf32, #tpu.memory_space<vmem>> -> memref<32x128xf32, #tpu.memory_space<vmem>>
      %dma_wait3A_903 = arith.constant 0 : i32
      %dma_wait3A_904 = arith.constant 0 : i32
      %dma_wait3A_905 = tpu.memref_slice %arg3[%dma_wait3A_903, %dma_wait3A_904] : memref<32x1000001xf32, #tpu.memory_space<hbm>> -> memref<32x128xf32, #tpu.memory_space<hbm>>
      %dma_wait3A_906 = arith.constant 0 : i32
      %dma_wait3A_907 = arith.constant 0 : i32
      %dma_wait3A_908 = tpu.memref_slice %arg6[%dma_wait3A_898, %dma_wait3A_906, %dma_wait3A_907] : memref<16x32x128xf32, #tpu.memory_space<vmem>> -> memref<1x32x128xf32, #tpu.memory_space<vmem>>
      %dma_wait3A_909 = tpu.memref_squeeze %dma_wait3A_908 : memref<1x32x128xf32, #tpu.memory_space<vmem>> -> memref<32x128xf32, #tpu.memory_space<vmem>>
      %dma_wait3A_910 = arith.constant 0 : i32
      %dma_wait3A_911 = arith.constant 0 : i32
      %dma_wait3A_912 = tpu.memref_slice %arg3[%dma_wait3A_910, %dma_wait3A_911] : memref<32x1000001xf32, #tpu.memory_space<hbm>> -> memref<32x128xf32, #tpu.memory_space<hbm>>
      tpu.wait_dma2 semaphore(%arg8 : memref<!tpu.dma_semaphore, #tpu.memory_space<semaphore_mem>>) src(%dma_wait3A_912 : memref<32x128xf32, #tpu.memory_space<hbm>>) dst(%dma_wait3A_909 : memref<32x128xf32, #tpu.memory_space<vmem>>)
      %dma_wait3A_913 = arith.constant 5 : i32
      %dma_wait3A_914 = arith.constant 0 : i32
      %dma_wait3A_915 = arith.constant 0 : i32
      %dma_wait3A_916 = tpu.memref_slice %arg6[%dma_wait3A_913, %dma_wait3A_914, %dma_wait3A_915] : memref<16x32x128xf32, #tpu.memory_space<vmem>> -> memref<1x32x128xf32, #tpu.memory_space<vmem>>
      %dma_wait3A_917 = tpu.memref_squeeze %dma_wait3A_916 : memref<1x32x128xf32, #tpu.memory_space<vmem>> -> memref<32x128xf32, #tpu.memory_space<vmem>>
      %dma_wait3A_918 = arith.constant 0 : i32
      %dma_wait3A_919 = arith.constant 0 : i32
      %dma_wait3A_920 = tpu.memref_slice %arg3[%dma_wait3A_918, %dma_wait3A_919] : memref<32x1000001xf32, #tpu.memory_space<hbm>> -> memref<32x128xf32, #tpu.memory_space<hbm>>
      %dma_wait3A_921 = arith.constant 0 : i32
      %dma_wait3A_922 = arith.constant 0 : i32
      %dma_wait3A_923 = tpu.memref_slice %arg6[%dma_wait3A_913, %dma_wait3A_921, %dma_wait3A_922] : memref<16x32x128xf32, #tpu.memory_space<vmem>> -> memref<1x32x128xf32, #tpu.memory_space<vmem>>
      %dma_wait3A_924 = tpu.memref_squeeze %dma_wait3A_923 : memref<1x32x128xf32, #tpu.memory_space<vmem>> -> memref<32x128xf32, #tpu.memory_space<vmem>>
      %dma_wait3A_925 = arith.constant 0 : i32
      %dma_wait3A_926 = arith.constant 0 : i32
      %dma_wait3A_927 = tpu.memref_slice %arg3[%dma_wait3A_925, %dma_wait3A_926] : memref<32x1000001xf32, #tpu.memory_space<hbm>> -> memref<32x128xf32, #tpu.memory_space<hbm>>
      tpu.wait_dma2 semaphore(%arg8 : memref<!tpu.dma_semaphore, #tpu.memory_space<semaphore_mem>>) src(%dma_wait3A_927 : memref<32x128xf32, #tpu.memory_space<hbm>>) dst(%dma_wait3A_924 : memref<32x128xf32, #tpu.memory_space<vmem>>)
      %dma_wait3A_928 = arith.constant 6 : i32
      %dma_wait3A_929 = arith.constant 0 : i32
      %dma_wait3A_930 = arith.constant 0 : i32
      %dma_wait3A_931 = tpu.memref_slice %arg6[%dma_wait3A_928, %dma_wait3A_929, %dma_wait3A_930] : memref<16x32x128xf32, #tpu.memory_space<vmem>> -> memref<1x32x128xf32, #tpu.memory_space<vmem>>
      %dma_wait3A_932 = tpu.memref_squeeze %dma_wait3A_931 : memref<1x32x128xf32, #tpu.memory_space<vmem>> -> memref<32x128xf32, #tpu.memory_space<vmem>>
      %dma_wait3A_933 = arith.constant 0 : i32
      %dma_wait3A_934 = arith.constant 0 : i32
      %dma_wait3A_935 = tpu.memref_slice %arg3[%dma_wait3A_933, %dma_wait3A_934] : memref<32x1000001xf32, #tpu.memory_space<hbm>> -> memref<32x128xf32, #tpu.memory_space<hbm>>
      %dma_wait3A_936 = arith.constant 0 : i32
      %dma_wait3A_937 = arith.constant 0 : i32
      %dma_wait3A_938 = tpu.memref_slice %arg6[%dma_wait3A_928, %dma_wait3A_936, %dma_wait3A_937] : memref<16x32x128xf32, #tpu.memory_space<vmem>> -> memref<1x32x128xf32, #tpu.memory_space<vmem>>
      %dma_wait3A_939 = tpu.memref_squeeze %dma_wait3A_938 : memref<1x32x128xf32, #tpu.memory_space<vmem>> -> memref<32x128xf32, #tpu.memory_space<vmem>>
      %dma_wait3A_940 = arith.constant 0 : i32
      %dma_wait3A_941 = arith.constant 0 : i32
      %dma_wait3A_942 = tpu.memref_slice %arg3[%dma_wait3A_940, %dma_wait3A_941] : memref<32x1000001xf32, #tpu.memory_space<hbm>> -> memref<32x128xf32, #tpu.memory_space<hbm>>
      tpu.wait_dma2 semaphore(%arg8 : memref<!tpu.dma_semaphore, #tpu.memory_space<semaphore_mem>>) src(%dma_wait3A_942 : memref<32x128xf32, #tpu.memory_space<hbm>>) dst(%dma_wait3A_939 : memref<32x128xf32, #tpu.memory_space<vmem>>)
      %dma_wait3A_943 = arith.constant 7 : i32
      %dma_wait3A_944 = arith.constant 0 : i32
      %dma_wait3A_945 = arith.constant 0 : i32
      %dma_wait3A_946 = tpu.memref_slice %arg6[%dma_wait3A_943, %dma_wait3A_944, %dma_wait3A_945] : memref<16x32x128xf32, #tpu.memory_space<vmem>> -> memref<1x32x128xf32, #tpu.memory_space<vmem>>
      %dma_wait3A_947 = tpu.memref_squeeze %dma_wait3A_946 : memref<1x32x128xf32, #tpu.memory_space<vmem>> -> memref<32x128xf32, #tpu.memory_space<vmem>>
      %dma_wait3A_948 = arith.constant 0 : i32
      %dma_wait3A_949 = arith.constant 0 : i32
      %dma_wait3A_950 = tpu.memref_slice %arg3[%dma_wait3A_948, %dma_wait3A_949] : memref<32x1000001xf32, #tpu.memory_space<hbm>> -> memref<32x128xf32, #tpu.memory_space<hbm>>
      %dma_wait3A_951 = arith.constant 0 : i32
      %dma_wait3A_952 = arith.constant 0 : i32
      %dma_wait3A_953 = tpu.memref_slice %arg6[%dma_wait3A_943, %dma_wait3A_951, %dma_wait3A_952] : memref<16x32x128xf32, #tpu.memory_space<vmem>> -> memref<1x32x128xf32, #tpu.memory_space<vmem>>
      %dma_wait3A_954 = tpu.memref_squeeze %dma_wait3A_953 : memref<1x32x128xf32, #tpu.memory_space<vmem>> -> memref<32x128xf32, #tpu.memory_space<vmem>>
      %dma_wait3A_955 = arith.constant 0 : i32
      %dma_wait3A_956 = arith.constant 0 : i32
      %dma_wait3A_957 = tpu.memref_slice %arg3[%dma_wait3A_955, %dma_wait3A_956] : memref<32x1000001xf32, #tpu.memory_space<hbm>> -> memref<32x128xf32, #tpu.memory_space<hbm>>
      tpu.wait_dma2 semaphore(%arg8 : memref<!tpu.dma_semaphore, #tpu.memory_space<semaphore_mem>>) src(%dma_wait3A_957 : memref<32x128xf32, #tpu.memory_space<hbm>>) dst(%dma_wait3A_954 : memref<32x128xf32, #tpu.memory_space<vmem>>)
      %mul3A_958 = arith.constant 8 : i32
      %mul3A_959 = arith.muli %mul3A_243, %mul3A_958 : i32
      %add3A_960 = arith.constant 0 : i32
      %add3A_961 = arith.addi %mul3A_959, %add3A_960 : i32
      %jit3A_962 = arith.constant 2 : i32
      %div3A_963 = arith.divsi %mul3A_243, %jit3A_962 : i32
      %sign3A_964 = arith.constant 0 : i32
      %sign3A_965 = arith.cmpi sgt, %mul3A_243, %sign3A_964 : i32
      %sign3A_966 = arith.extui %sign3A_965 : i1 to i32
      %sign3A_967 = arith.constant 0 : i32
      %sign3A_968 = arith.cmpi slt, %mul3A_243, %sign3A_967 : i32
      %sign3A_969 = arith.extui %sign3A_968 : i1 to i32
      %sign3A_970 = arith.subi %sign3A_966, %sign3A_969 : i32
      %sign3A_971 = arith.constant 0 : i32
      %sign3A_972 = arith.cmpi sgt, %jit3A_962, %sign3A_971 : i32
      %sign3A_973 = arith.extui %sign3A_972 : i1 to i32
      %sign3A_974 = arith.constant 0 : i32
      %sign3A_975 = arith.cmpi slt, %jit3A_962, %sign3A_974 : i32
      %sign3A_976 = arith.extui %sign3A_975 : i1 to i32
      %sign3A_977 = arith.subi %sign3A_973, %sign3A_976 : i32
      %ne3A_978 = arith.cmpi ne, %sign3A_970, %sign3A_977 : i32
      %rem3A_979 = arith.remsi %mul3A_243, %jit3A_962 : i32
      %ne3A_980 = arith.constant 0 : i32
      %ne3A_981 = arith.cmpi ne, %rem3A_979, %ne3A_980 : i32
      %and3A_982 = arith.andi %ne3A_978, %ne3A_981 : i1
      %sub3A_983 = arith.constant 1 : i32
      %sub3A_984 = arith.subi %div3A_963, %sub3A_983 : i32
      %select_n3A_985 = arith.select %and3A_982, %sub3A_984, %div3A_963 : i32
      %mul3A_986 = arith.constant 16 : i32
      %mul3A_987 = arith.muli %select_n3A_985, %mul3A_986 : i32
      %get3A_988 = arith.index_cast %mul3A_987 : i32 to index
      %get3A_989 = tpu.vector_load %arg5[%get3A_988] {strides = array<i32>} : memref<512xi32, #tpu.memory_space<vmem>>, vector<16xi32>,
      %jit3A_990 = arith.constant 2 : i32
      %eq3A_991 = arith.constant 0 : i32
      %eq3A_992 = arith.cmpi eq, %jit3A_990, %eq3A_991 : i32
      %jit3A_993 = arith.constant 1 : i32
      %select_n3A_994 = arith.select %eq3A_992, %jit3A_993, %jit3A_990 : i32
      %rem3A_995 = arith.remsi %mul3A_243, %select_n3A_994 : i32
      %ne3A_996 = arith.constant 0 : i32
      %ne3A_997 = arith.cmpi ne, %rem3A_995, %ne3A_996 : i32
      %lt3A_998 = arith.constant 0 : i32
      %lt3A_999 = arith.cmpi slt, %rem3A_995, %lt3A_998 : i32
      %lt3A_1000 = arith.constant 0 : i32
      %lt3A_1001 = arith.cmpi slt, %select_n3A_994, %lt3A_1000 : i32
      %ne3A_1002 = arith.xori %lt3A_999, %lt3A_1001 : i1
      %and3A_1003 = arith.andi %ne3A_1002, %ne3A_997 : i1
      %add3A_1004 = arith.addi %rem3A_995, %select_n3A_994 : i32
      %select_n3A_1005 = arith.select %and3A_1003, %add3A_1004, %rem3A_995 : i32
      %mul3A_1006 = arith.constant 8 : i32
      %mul3A_1007 = arith.muli %select_n3A_1005, %mul3A_1006 : i32
      %add3A_1008 = arith.constant 0 : i32
      %add3A_1009 = arith.addi %mul3A_1007, %add3A_1008 : i32
      %eq3A_1010 = vector.broadcast %add3A_1009 : i32 to vector<16xi32>
      %eq3A_1011 = arith.cmpi eq, %iota3A, %eq3A_1010 : vector<16xi32>
      %jit3A_1012 = arith.constant 0 : i32
      %broadcast_in_dim3A_1013 = vector.broadcast %jit3A_1012 : i32 to vector<16xi32>
      %select_n3A_1014 = arith.select %eq3A_1011, %get3A_989, %broadcast_in_dim3A_1013 : vector<16xi1>, vector<16xi32>
      %reduce_sum3A_1015 = arith.constant true
      %reduce_sum3A_1016 = vector.broadcast %reduce_sum3A_1015 : i1 to vector<16xi1>
      %reduce_sum3A_1017 = tpu.scan <sum>, %select_n3A_1014 masked %reduce_sum3A_1016 : vector<16xi32>, vector<16xi1> -> vector<16xi32>
      %reduce_sum3A_1018 = vector.extract %reduce_sum3A_1017[15] : i32 from vector<16xi32>
      %broadcast_in_dim3A_1019 = arith.constant 1 : i32
      %broadcast_in_dim3A_1020 = vector.broadcast %broadcast_in_dim3A_1019 : i32 to vector<16xi32>
      %and3A_1021 = arith.constant 127 : i32
      %and3A_1022 = arith.andi %reduce_sum3A_1018, %and3A_1021 : i32
      %mul3A_1023 = vector.broadcast %and3A_1022 : i32 to vector<16xi32>
      %mul3A_1024 = arith.muli %broadcast_in_dim3A_1020, %mul3A_1023 : vector<16xi32>
      %broadcast_in_dim3A_1025 = arith.constant 1 : i32
      %broadcast_in_dim3A_1026 = vector.broadcast %broadcast_in_dim3A_1025 : i32 to vector<16xi32>
      %mul3A_1027 = vector.broadcast %add3A_961 : i32 to vector<16xi32>
      %mul3A_1028 = arith.muli %broadcast_in_dim3A_1026, %mul3A_1027 : vector<16xi32>
      %gather3A = arith.constant 0 : i32
      %gather3A_1029 = arith.constant 0 : i32
      %gather3A_1030 = arith.constant 0 : i32
      %gather3A_1031 = tpu.memref_slice %arg6[%gather3A, %gather3A_1029, %gather3A_1030] : memref<16x32x128xf32, #tpu.memory_space<vmem>> -> memref<1x32x128xf32, #tpu.memory_space<vmem>>
      %gather3A_1032 = tpu.memref_squeeze %gather3A_1031 : memref<1x32x128xf32, #tpu.memory_space<vmem>> -> memref<32x128xf32, #tpu.memory_space<vmem>>
      %gather3A_1033 = tpu.vector_load_idx %gather3A_1032[%iota3A, %mul3A_1024] : memref<32x128xf32, #tpu.memory_space<vmem>>[vector<16xi32>, vector<16xi32>], vector<16xf32>,
      %gather3A_1034 = arith.constant 0 : i32
      %gather3A_1035 = arith.constant 0 : i32
      %gather3A_1036 = arith.constant 0 : i32
      %gather3A_1037 = tpu.memref_slice %arg6[%gather3A_1034, %gather3A_1035, %gather3A_1036] : memref<16x32x128xf32, #tpu.memory_space<vmem>> -> memref<1x32x128xf32, #tpu.memory_space<vmem>>
      %gather3A_1038 = tpu.memref_squeeze %gather3A_1037 : memref<1x32x128xf32, #tpu.memory_space<vmem>> -> memref<32x128xf32, #tpu.memory_space<vmem>>
      %gather3A_1039 = tpu.vector_load_idx %gather3A_1038[%add3A_5, %mul3A_1024] : memref<32x128xf32, #tpu.memory_space<vmem>>[vector<16xi32>, vector<16xi32>], vector<16xf32>,
      tpu.vector_store_idx %arg7[%iota3A, %mul3A_1028], %gather3A_1033 : memref<32x512xf32, #tpu.memory_space<vmem>>[vector<16xi32>, vector<16xi32>], vector<16xf32>,
      tpu.vector_store_idx %arg7[%add3A_5, %mul3A_1028], %gather3A_1039 : memref<32x512xf32, #tpu.memory_space<vmem>>[vector<16xi32>, vector<16xi32>], vector<16xf32>,
      %mul3A_1040 = arith.constant 8 : i32
      %mul3A_1041 = arith.muli %mul3A_243, %mul3A_1040 : i32
      %add3A_1042 = arith.constant 1 : i32
      %add3A_1043 = arith.addi %mul3A_1041, %add3A_1042 : i32
      %jit3A_1044 = arith.constant 2 : i32
      %div3A_1045 = arith.divsi %mul3A_243, %jit3A_1044 : i32
      %sign3A_1046 = arith.constant 0 : i32
      %sign3A_1047 = arith.cmpi sgt, %mul3A_243, %sign3A_1046 : i32
      %sign3A_1048 = arith.extui %sign3A_1047 : i1 to i32
      %sign3A_1049 = arith.constant 0 : i32
      %sign3A_1050 = arith.cmpi slt, %mul3A_243, %sign3A_1049 : i32
      %sign3A_1051 = arith.extui %sign3A_1050 : i1 to i32
      %sign3A_1052 = arith.subi %sign3A_1048, %sign3A_1051 : i32
      %sign3A_1053 = arith.constant 0 : i32
      %sign3A_1054 = arith.cmpi sgt, %jit3A_1044, %sign3A_1053 : i32
      %sign3A_1055 = arith.extui %sign3A_1054 : i1 to i32
      %sign3A_1056 = arith.constant 0 : i32
      %sign3A_1057 = arith.cmpi slt, %jit3A_1044, %sign3A_1056 : i32
      %sign3A_1058 = arith.extui %sign3A_1057 : i1 to i32
      %sign3A_1059 = arith.subi %sign3A_1055, %sign3A_1058 : i32
      %ne3A_1060 = arith.cmpi ne, %sign3A_1052, %sign3A_1059 : i32
      %rem3A_1061 = arith.remsi %mul3A_243, %jit3A_1044 : i32
      %ne3A_1062 = arith.constant 0 : i32
      %ne3A_1063 = arith.cmpi ne, %rem3A_1061, %ne3A_1062 : i32
      %and3A_1064 = arith.andi %ne3A_1060, %ne3A_1063 : i1
      %sub3A_1065 = arith.constant 1 : i32
      %sub3A_1066 = arith.subi %div3A_1045, %sub3A_1065 : i32
      %select_n3A_1067 = arith.select %and3A_1064, %sub3A_1066, %div3A_1045 : i32
      %mul3A_1068 = arith.constant 16 : i32
      %mul3A_1069 = arith.muli %select_n3A_1067, %mul3A_1068 : i32
      %get3A_1070 = arith.index_cast %mul3A_1069 : i32 to index
      %get3A_1071 = tpu.vector_load %arg5[%get3A_1070] {strides = array<i32>} : memref<512xi32, #tpu.memory_space<vmem>>, vector<16xi32>,
      %jit3A_1072 = arith.constant 2 : i32
      %eq3A_1073 = arith.constant 0 : i32
      %eq3A_1074 = arith.cmpi eq, %jit3A_1072, %eq3A_1073 : i32
      %jit3A_1075 = arith.constant 1 : i32
      %select_n3A_1076 = arith.select %eq3A_1074, %jit3A_1075, %jit3A_1072 : i32
      %rem3A_1077 = arith.remsi %mul3A_243, %select_n3A_1076 : i32
      %ne3A_1078 = arith.constant 0 : i32
      %ne3A_1079 = arith.cmpi ne, %rem3A_1077, %ne3A_1078 : i32
      %lt3A_1080 = arith.constant 0 : i32
      %lt3A_1081 = arith.cmpi slt, %rem3A_1077, %lt3A_1080 : i32
      %lt3A_1082 = arith.constant 0 : i32
      %lt3A_1083 = arith.cmpi slt, %select_n3A_1076, %lt3A_1082 : i32
      %ne3A_1084 = arith.xori %lt3A_1081, %lt3A_1083 : i1
      %and3A_1085 = arith.andi %ne3A_1084, %ne3A_1079 : i1
      %add3A_1086 = arith.addi %rem3A_1077, %select_n3A_1076 : i32
      %select_n3A_1087 = arith.select %and3A_1085, %add3A_1086, %rem3A_1077 : i32
      %mul3A_1088 = arith.constant 8 : i32
      %mul3A_1089 = arith.muli %select_n3A_1087, %mul3A_1088 : i32
      %add3A_1090 = arith.constant 1 : i32
      %add3A_1091 = arith.addi %mul3A_1089, %add3A_1090 : i32
      %eq3A_1092 = vector.broadcast %add3A_1091 : i32 to vector<16xi32>
      %eq3A_1093 = arith.cmpi eq, %iota3A, %eq3A_1092 : vector<16xi32>
      %jit3A_1094 = arith.constant 0 : i32
      %broadcast_in_dim3A_1095 = vector.broadcast %jit3A_1094 : i32 to vector<16xi32>
      %select_n3A_1096 = arith.select %eq3A_1093, %get3A_1071, %broadcast_in_dim3A_1095 : vector<16xi1>, vector<16xi32>
      %reduce_sum3A_1097 = arith.constant true
      %reduce_sum3A_1098 = vector.broadcast %reduce_sum3A_1097 : i1 to vector<16xi1>
      %reduce_sum3A_1099 = tpu.scan <sum>, %select_n3A_1096 masked %reduce_sum3A_1098 : vector<16xi32>, vector<16xi1> -> vector<16xi32>
      %reduce_sum3A_1100 = vector.extract %reduce_sum3A_1099[15] : i32 from vector<16xi32>
      %broadcast_in_dim3A_1101 = arith.constant 1 : i32
      %broadcast_in_dim3A_1102 = vector.broadcast %broadcast_in_dim3A_1101 : i32 to vector<16xi32>
      %and3A_1103 = arith.constant 127 : i32
      %and3A_1104 = arith.andi %reduce_sum3A_1100, %and3A_1103 : i32
      %mul3A_1105 = vector.broadcast %and3A_1104 : i32 to vector<16xi32>
      %mul3A_1106 = arith.muli %broadcast_in_dim3A_1102, %mul3A_1105 : vector<16xi32>
      %broadcast_in_dim3A_1107 = arith.constant 1 : i32
      %broadcast_in_dim3A_1108 = vector.broadcast %broadcast_in_dim3A_1107 : i32 to vector<16xi32>
      %mul3A_1109 = vector.broadcast %add3A_1043 : i32 to vector<16xi32>
      %mul3A_1110 = arith.muli %broadcast_in_dim3A_1108, %mul3A_1109 : vector<16xi32>
      %gather3A_1111 = arith.constant 1 : i32
      %gather3A_1112 = arith.constant 0 : i32
      %gather3A_1113 = arith.constant 0 : i32
      %gather3A_1114 = tpu.memref_slice %arg6[%gather3A_1111, %gather3A_1112, %gather3A_1113] : memref<16x32x128xf32, #tpu.memory_space<vmem>> -> memref<1x32x128xf32, #tpu.memory_space<vmem>>
      %gather3A_1115 = tpu.memref_squeeze %gather3A_1114 : memref<1x32x128xf32, #tpu.memory_space<vmem>> -> memref<32x128xf32, #tpu.memory_space<vmem>>
      %gather3A_1116 = tpu.vector_load_idx %gather3A_1115[%iota3A, %mul3A_1106] : memref<32x128xf32, #tpu.memory_space<vmem>>[vector<16xi32>, vector<16xi32>], vector<16xf32>,
      %gather3A_1117 = arith.constant 1 : i32
      %gather3A_1118 = arith.constant 0 : i32
      %gather3A_1119 = arith.constant 0 : i32
      %gather3A_1120 = tpu.memref_slice %arg6[%gather3A_1117, %gather3A_1118, %gather3A_1119] : memref<16x32x128xf32, #tpu.memory_space<vmem>> -> memref<1x32x128xf32, #tpu.memory_space<vmem>>
      %gather3A_1121 = tpu.memref_squeeze %gather3A_1120 : memref<1x32x128xf32, #tpu.memory_space<vmem>> -> memref<32x128xf32, #tpu.memory_space<vmem>>
      %gather3A_1122 = tpu.vector_load_idx %gather3A_1121[%add3A_5, %mul3A_1106] : memref<32x128xf32, #tpu.memory_space<vmem>>[vector<16xi32>, vector<16xi32>], vector<16xf32>,
      tpu.vector_store_idx %arg7[%iota3A, %mul3A_1110], %gather3A_1116 : memref<32x512xf32, #tpu.memory_space<vmem>>[vector<16xi32>, vector<16xi32>], vector<16xf32>,
      tpu.vector_store_idx %arg7[%add3A_5, %mul3A_1110], %gather3A_1122 : memref<32x512xf32, #tpu.memory_space<vmem>>[vector<16xi32>, vector<16xi32>], vector<16xf32>,
      %mul3A_1123 = arith.constant 8 : i32
      %mul3A_1124 = arith.muli %mul3A_243, %mul3A_1123 : i32
      %add3A_1125 = arith.constant 2 : i32
      %add3A_1126 = arith.addi %mul3A_1124, %add3A_1125 : i32
      %jit3A_1127 = arith.constant 2 : i32
      %div3A_1128 = arith.divsi %mul3A_243, %jit3A_1127 : i32
      %sign3A_1129 = arith.constant 0 : i32
      %sign3A_1130 = arith.cmpi sgt, %mul3A_243, %sign3A_1129 : i32
      %sign3A_1131 = arith.extui %sign3A_1130 : i1 to i32
      %sign3A_1132 = arith.constant 0 : i32
      %sign3A_1133 = arith.cmpi slt, %mul3A_243, %sign3A_1132 : i32
      %sign3A_1134 = arith.extui %sign3A_1133 : i1 to i32
      %sign3A_1135 = arith.subi %sign3A_1131, %sign3A_1134 : i32
      %sign3A_1136 = arith.constant 0 : i32
      %sign3A_1137 = arith.cmpi sgt, %jit3A_1127, %sign3A_1136 : i32
      %sign3A_1138 = arith.extui %sign3A_1137 : i1 to i32
      %sign3A_1139 = arith.constant 0 : i32
      %sign3A_1140 = arith.cmpi slt, %jit3A_1127, %sign3A_1139 : i32
      %sign3A_1141 = arith.extui %sign3A_1140 : i1 to i32
      %sign3A_1142 = arith.subi %sign3A_1138, %sign3A_1141 : i32
      %ne3A_1143 = arith.cmpi ne, %sign3A_1135, %sign3A_1142 : i32
      %rem3A_1144 = arith.remsi %mul3A_243, %jit3A_1127 : i32
      %ne3A_1145 = arith.constant 0 : i32
      %ne3A_1146 = arith.cmpi ne, %rem3A_1144, %ne3A_1145 : i32
      %and3A_1147 = arith.andi %ne3A_1143, %ne3A_1146 : i1
      %sub3A_1148 = arith.constant 1 : i32
      %sub3A_1149 = arith.subi %div3A_1128, %sub3A_1148 : i32
      %select_n3A_1150 = arith.select %and3A_1147, %sub3A_1149, %div3A_1128 : i32
      %mul3A_1151 = arith.constant 16 : i32
      %mul3A_1152 = arith.muli %select_n3A_1150, %mul3A_1151 : i32
      %get3A_1153 = arith.index_cast %mul3A_1152 : i32 to index
      %get3A_1154 = tpu.vector_load %arg5[%get3A_1153] {strides = array<i32>} : memref<512xi32, #tpu.memory_space<vmem>>, vector<16xi32>,
      %jit3A_1155 = arith.constant 2 : i32
      %eq3A_1156 = arith.constant 0 : i32
      %eq3A_1157 = arith.cmpi eq, %jit3A_1155, %eq3A_1156 : i32
      %jit3A_1158 = arith.constant 1 : i32
      %select_n3A_1159 = arith.select %eq3A_1157, %jit3A_1158, %jit3A_1155 : i32
      %rem3A_1160 = arith.remsi %mul3A_243, %select_n3A_1159 : i32
      %ne3A_1161 = arith.constant 0 : i32
      %ne3A_1162 = arith.cmpi ne, %rem3A_1160, %ne3A_1161 : i32
      %lt3A_1163 = arith.constant 0 : i32
      %lt3A_1164 = arith.cmpi slt, %rem3A_1160, %lt3A_1163 : i32
      %lt3A_1165 = arith.constant 0 : i32
      %lt3A_1166 = arith.cmpi slt, %select_n3A_1159, %lt3A_1165 : i32
      %ne3A_1167 = arith.xori %lt3A_1164, %lt3A_1166 : i1
      %and3A_1168 = arith.andi %ne3A_1167, %ne3A_1162 : i1
      %add3A_1169 = arith.addi %rem3A_1160, %select_n3A_1159 : i32
      %select_n3A_1170 = arith.select %and3A_1168, %add3A_1169, %rem3A_1160 : i32
      %mul3A_1171 = arith.constant 8 : i32
      %mul3A_1172 = arith.muli %select_n3A_1170, %mul3A_1171 : i32
      %add3A_1173 = arith.constant 2 : i32
      %add3A_1174 = arith.addi %mul3A_1172, %add3A_1173 : i32
      %eq3A_1175 = vector.broadcast %add3A_1174 : i32 to vector<16xi32>
      %eq3A_1176 = arith.cmpi eq, %iota3A, %eq3A_1175 : vector<16xi32>
      %jit3A_1177 = arith.constant 0 : i32
      %broadcast_in_dim3A_1178 = vector.broadcast %jit3A_1177 : i32 to vector<16xi32>
      %select_n3A_1179 = arith.select %eq3A_1176, %get3A_1154, %broadcast_in_dim3A_1178 : vector<16xi1>, vector<16xi32>
      %reduce_sum3A_1180 = arith.constant true
      %reduce_sum3A_1181 = vector.broadcast %reduce_sum3A_1180 : i1 to vector<16xi1>
      %reduce_sum3A_1182 = tpu.scan <sum>, %select_n3A_1179 masked %reduce_sum3A_1181 : vector<16xi32>, vector<16xi1> -> vector<16xi32>
      %reduce_sum3A_1183 = vector.extract %reduce_sum3A_1182[15] : i32 from vector<16xi32>
      %broadcast_in_dim3A_1184 = arith.constant 1 : i32
      %broadcast_in_dim3A_1185 = vector.broadcast %broadcast_in_dim3A_1184 : i32 to vector<16xi32>
      %and3A_1186 = arith.constant 127 : i32
      %and3A_1187 = arith.andi %reduce_sum3A_1183, %and3A_1186 : i32
      %mul3A_1188 = vector.broadcast %and3A_1187 : i32 to vector<16xi32>
      %mul3A_1189 = arith.muli %broadcast_in_dim3A_1185, %mul3A_1188 : vector<16xi32>
      %broadcast_in_dim3A_1190 = arith.constant 1 : i32
      %broadcast_in_dim3A_1191 = vector.broadcast %broadcast_in_dim3A_1190 : i32 to vector<16xi32>
      %mul3A_1192 = vector.broadcast %add3A_1126 : i32 to vector<16xi32>
      %mul3A_1193 = arith.muli %broadcast_in_dim3A_1191, %mul3A_1192 : vector<16xi32>
      %gather3A_1194 = arith.constant 2 : i32
      %gather3A_1195 = arith.constant 0 : i32
      %gather3A_1196 = arith.constant 0 : i32
      %gather3A_1197 = tpu.memref_slice %arg6[%gather3A_1194, %gather3A_1195, %gather3A_1196] : memref<16x32x128xf32, #tpu.memory_space<vmem>> -> memref<1x32x128xf32, #tpu.memory_space<vmem>>
      %gather3A_1198 = tpu.memref_squeeze %gather3A_1197 : memref<1x32x128xf32, #tpu.memory_space<vmem>> -> memref<32x128xf32, #tpu.memory_space<vmem>>
      %gather3A_1199 = tpu.vector_load_idx %gather3A_1198[%iota3A, %mul3A_1189] : memref<32x128xf32, #tpu.memory_space<vmem>>[vector<16xi32>, vector<16xi32>], vector<16xf32>,
      %gather3A_1200 = arith.constant 2 : i32
      %gather3A_1201 = arith.constant 0 : i32
      %gather3A_1202 = arith.constant 0 : i32
      %gather3A_1203 = tpu.memref_slice %arg6[%gather3A_1200, %gather3A_1201, %gather3A_1202] : memref<16x32x128xf32, #tpu.memory_space<vmem>> -> memref<1x32x128xf32, #tpu.memory_space<vmem>>
      %gather3A_1204 = tpu.memref_squeeze %gather3A_1203 : memref<1x32x128xf32, #tpu.memory_space<vmem>> -> memref<32x128xf32, #tpu.memory_space<vmem>>
      %gather3A_1205 = tpu.vector_load_idx %gather3A_1204[%add3A_5, %mul3A_1189] : memref<32x128xf32, #tpu.memory_space<vmem>>[vector<16xi32>, vector<16xi32>], vector<16xf32>,
      tpu.vector_store_idx %arg7[%iota3A, %mul3A_1193], %gather3A_1199 : memref<32x512xf32, #tpu.memory_space<vmem>>[vector<16xi32>, vector<16xi32>], vector<16xf32>,
      tpu.vector_store_idx %arg7[%add3A_5, %mul3A_1193], %gather3A_1205 : memref<32x512xf32, #tpu.memory_space<vmem>>[vector<16xi32>, vector<16xi32>], vector<16xf32>,
      %mul3A_1206 = arith.constant 8 : i32
      %mul3A_1207 = arith.muli %mul3A_243, %mul3A_1206 : i32
      %add3A_1208 = arith.constant 3 : i32
      %add3A_1209 = arith.addi %mul3A_1207, %add3A_1208 : i32
      %jit3A_1210 = arith.constant 2 : i32
      %div3A_1211 = arith.divsi %mul3A_243, %jit3A_1210 : i32
      %sign3A_1212 = arith.constant 0 : i32
      %sign3A_1213 = arith.cmpi sgt, %mul3A_243, %sign3A_1212 : i32
      %sign3A_1214 = arith.extui %sign3A_1213 : i1 to i32
      %sign3A_1215 = arith.constant 0 : i32
      %sign3A_1216 = arith.cmpi slt, %mul3A_243, %sign3A_1215 : i32
      %sign3A_1217 = arith.extui %sign3A_1216 : i1 to i32
      %sign3A_1218 = arith.subi %sign3A_1214, %sign3A_1217 : i32
      %sign3A_1219 = arith.constant 0 : i32
      %sign3A_1220 = arith.cmpi sgt, %jit3A_1210, %sign3A_1219 : i32
      %sign3A_1221 = arith.extui %sign3A_1220 : i1 to i32
      %sign3A_1222 = arith.constant 0 : i32
      %sign3A_1223 = arith.cmpi slt, %jit3A_1210, %sign3A_1222 : i32
      %sign3A_1224 = arith.extui %sign3A_1223 : i1 to i32
      %sign3A_1225 = arith.subi %sign3A_1221, %sign3A_1224 : i32
      %ne3A_1226 = arith.cmpi ne, %sign3A_1218, %sign3A_1225 : i32
      %rem3A_1227 = arith.remsi %mul3A_243, %jit3A_1210 : i32
      %ne3A_1228 = arith.constant 0 : i32
      %ne3A_1229 = arith.cmpi ne, %rem3A_1227, %ne3A_1228 : i32
      %and3A_1230 = arith.andi %ne3A_1226, %ne3A_1229 : i1
      %sub3A_1231 = arith.constant 1 : i32
      %sub3A_1232 = arith.subi %div3A_1211, %sub3A_1231 : i32
      %select_n3A_1233 = arith.select %and3A_1230, %sub3A_1232, %div3A_1211 : i32
      %mul3A_1234 = arith.constant 16 : i32
      %mul3A_1235 = arith.muli %select_n3A_1233, %mul3A_1234 : i32
      %get3A_1236 = arith.index_cast %mul3A_1235 : i32 to index
      %get3A_1237 = tpu.vector_load %arg5[%get3A_1236] {strides = array<i32>} : memref<512xi32, #tpu.memory_space<vmem>>, vector<16xi32>,
      %jit3A_1238 = arith.constant 2 : i32
      %eq3A_1239 = arith.constant 0 : i32
      %eq3A_1240 = arith.cmpi eq, %jit3A_1238, %eq3A_1239 : i32
      %jit3A_1241 = arith.constant 1 : i32
      %select_n3A_1242 = arith.select %eq3A_1240, %jit3A_1241, %jit3A_1238 : i32
      %rem3A_1243 = arith.remsi %mul3A_243, %select_n3A_1242 : i32
      %ne3A_1244 = arith.constant 0 : i32
      %ne3A_1245 = arith.cmpi ne, %rem3A_1243, %ne3A_1244 : i32
      %lt3A_1246 = arith.constant 0 : i32
      %lt3A_1247 = arith.cmpi slt, %rem3A_1243, %lt3A_1246 : i32
      %lt3A_1248 = arith.constant 0 : i32
      %lt3A_1249 = arith.cmpi slt, %select_n3A_1242, %lt3A_1248 : i32
      %ne3A_1250 = arith.xori %lt3A_1247, %lt3A_1249 : i1
      %and3A_1251 = arith.andi %ne3A_1250, %ne3A_1245 : i1
      %add3A_1252 = arith.addi %rem3A_1243, %select_n3A_1242 : i32
      %select_n3A_1253 = arith.select %and3A_1251, %add3A_1252, %rem3A_1243 : i32
      %mul3A_1254 = arith.constant 8 : i32
      %mul3A_1255 = arith.muli %select_n3A_1253, %mul3A_1254 : i32
      %add3A_1256 = arith.constant 3 : i32
      %add3A_1257 = arith.addi %mul3A_1255, %add3A_1256 : i32
      %eq3A_1258 = vector.broadcast %add3A_1257 : i32 to vector<16xi32>
      %eq3A_1259 = arith.cmpi eq, %iota3A, %eq3A_1258 : vector<16xi32>
      %jit3A_1260 = arith.constant 0 : i32
      %broadcast_in_dim3A_1261 = vector.broadcast %jit3A_1260 : i32 to vector<16xi32>
      %select_n3A_1262 = arith.select %eq3A_1259, %get3A_1237, %broadcast_in_dim3A_1261 : vector<16xi1>, vector<16xi32>
      %reduce_sum3A_1263 = arith.constant true
      %reduce_sum3A_1264 = vector.broadcast %reduce_sum3A_1263 : i1 to vector<16xi1>
      %reduce_sum3A_1265 = tpu.scan <sum>, %select_n3A_1262 masked %reduce_sum3A_1264 : vector<16xi32>, vector<16xi1> -> vector<16xi32>
      %reduce_sum3A_1266 = vector.extract %reduce_sum3A_1265[15] : i32 from vector<16xi32>
      %broadcast_in_dim3A_1267 = arith.constant 1 : i32
      %broadcast_in_dim3A_1268 = vector.broadcast %broadcast_in_dim3A_1267 : i32 to vector<16xi32>
      %and3A_1269 = arith.constant 127 : i32
      %and3A_1270 = arith.andi %reduce_sum3A_1266, %and3A_1269 : i32
      %mul3A_1271 = vector.broadcast %and3A_1270 : i32 to vector<16xi32>
      %mul3A_1272 = arith.muli %broadcast_in_dim3A_1268, %mul3A_1271 : vector<16xi32>
      %broadcast_in_dim3A_1273 = arith.constant 1 : i32
      %broadcast_in_dim3A_1274 = vector.broadcast %broadcast_in_dim3A_1273 : i32 to vector<16xi32>
      %mul3A_1275 = vector.broadcast %add3A_1209 : i32 to vector<16xi32>
      %mul3A_1276 = arith.muli %broadcast_in_dim3A_1274, %mul3A_1275 : vector<16xi32>
      %gather3A_1277 = arith.constant 3 : i32
      %gather3A_1278 = arith.constant 0 : i32
      %gather3A_1279 = arith.constant 0 : i32
      %gather3A_1280 = tpu.memref_slice %arg6[%gather3A_1277, %gather3A_1278, %gather3A_1279] : memref<16x32x128xf32, #tpu.memory_space<vmem>> -> memref<1x32x128xf32, #tpu.memory_space<vmem>>
      %gather3A_1281 = tpu.memref_squeeze %gather3A_1280 : memref<1x32x128xf32, #tpu.memory_space<vmem>> -> memref<32x128xf32, #tpu.memory_space<vmem>>
      %gather3A_1282 = tpu.vector_load_idx %gather3A_1281[%iota3A, %mul3A_1272] : memref<32x128xf32, #tpu.memory_space<vmem>>[vector<16xi32>, vector<16xi32>], vector<16xf32>,
      %gather3A_1283 = arith.constant 3 : i32
      %gather3A_1284 = arith.constant 0 : i32
      %gather3A_1285 = arith.constant 0 : i32
      %gather3A_1286 = tpu.memref_slice %arg6[%gather3A_1283, %gather3A_1284, %gather3A_1285] : memref<16x32x128xf32, #tpu.memory_space<vmem>> -> memref<1x32x128xf32, #tpu.memory_space<vmem>>
      %gather3A_1287 = tpu.memref_squeeze %gather3A_1286 : memref<1x32x128xf32, #tpu.memory_space<vmem>> -> memref<32x128xf32, #tpu.memory_space<vmem>>
      %gather3A_1288 = tpu.vector_load_idx %gather3A_1287[%add3A_5, %mul3A_1272] : memref<32x128xf32, #tpu.memory_space<vmem>>[vector<16xi32>, vector<16xi32>], vector<16xf32>,
      tpu.vector_store_idx %arg7[%iota3A, %mul3A_1276], %gather3A_1282 : memref<32x512xf32, #tpu.memory_space<vmem>>[vector<16xi32>, vector<16xi32>], vector<16xf32>,
      tpu.vector_store_idx %arg7[%add3A_5, %mul3A_1276], %gather3A_1288 : memref<32x512xf32, #tpu.memory_space<vmem>>[vector<16xi32>, vector<16xi32>], vector<16xf32>,
      %mul3A_1289 = arith.constant 8 : i32
      %mul3A_1290 = arith.muli %mul3A_243, %mul3A_1289 : i32
      %add3A_1291 = arith.constant 4 : i32
      %add3A_1292 = arith.addi %mul3A_1290, %add3A_1291 : i32
      %jit3A_1293 = arith.constant 2 : i32
      %div3A_1294 = arith.divsi %mul3A_243, %jit3A_1293 : i32
      %sign3A_1295 = arith.constant 0 : i32
      %sign3A_1296 = arith.cmpi sgt, %mul3A_243, %sign3A_1295 : i32
      %sign3A_1297 = arith.extui %sign3A_1296 : i1 to i32
      %sign3A_1298 = arith.constant 0 : i32
      %sign3A_1299 = arith.cmpi slt, %mul3A_243, %sign3A_1298 : i32
      %sign3A_1300 = arith.extui %sign3A_1299 : i1 to i32
      %sign3A_1301 = arith.subi %sign3A_1297, %sign3A_1300 : i32
      %sign3A_1302 = arith.constant 0 : i32
      %sign3A_1303 = arith.cmpi sgt, %jit3A_1293, %sign3A_1302 : i32
      %sign3A_1304 = arith.extui %sign3A_1303 : i1 to i32
      %sign3A_1305 = arith.constant 0 : i32
      %sign3A_1306 = arith.cmpi slt, %jit3A_1293, %sign3A_1305 : i32
      %sign3A_1307 = arith.extui %sign3A_1306 : i1 to i32
      %sign3A_1308 = arith.subi %sign3A_1304, %sign3A_1307 : i32
      %ne3A_1309 = arith.cmpi ne, %sign3A_1301, %sign3A_1308 : i32
      %rem3A_1310 = arith.remsi %mul3A_243, %jit3A_1293 : i32
      %ne3A_1311 = arith.constant 0 : i32
      %ne3A_1312 = arith.cmpi ne, %rem3A_1310, %ne3A_1311 : i32
      %and3A_1313 = arith.andi %ne3A_1309, %ne3A_1312 : i1
      %sub3A_1314 = arith.constant 1 : i32
      %sub3A_1315 = arith.subi %div3A_1294, %sub3A_1314 : i32
      %select_n3A_1316 = arith.select %and3A_1313, %sub3A_1315, %div3A_1294 : i32
      %mul3A_1317 = arith.constant 16 : i32
      %mul3A_1318 = arith.muli %select_n3A_1316, %mul3A_1317 : i32
      %get3A_1319 = arith.index_cast %mul3A_1318 : i32 to index
      %get3A_1320 = tpu.vector_load %arg5[%get3A_1319] {strides = array<i32>} : memref<512xi32, #tpu.memory_space<vmem>>, vector<16xi32>,
      %jit3A_1321 = arith.constant 2 : i32
      %eq3A_1322 = arith.constant 0 : i32
      %eq3A_1323 = arith.cmpi eq, %jit3A_1321, %eq3A_1322 : i32
      %jit3A_1324 = arith.constant 1 : i32
      %select_n3A_1325 = arith.select %eq3A_1323, %jit3A_1324, %jit3A_1321 : i32
      %rem3A_1326 = arith.remsi %mul3A_243, %select_n3A_1325 : i32
      %ne3A_1327 = arith.constant 0 : i32
      %ne3A_1328 = arith.cmpi ne, %rem3A_1326, %ne3A_1327 : i32
      %lt3A_1329 = arith.constant 0 : i32
      %lt3A_1330 = arith.cmpi slt, %rem3A_1326, %lt3A_1329 : i32
      %lt3A_1331 = arith.constant 0 : i32
      %lt3A_1332 = arith.cmpi slt, %select_n3A_1325, %lt3A_1331 : i32
      %ne3A_1333 = arith.xori %lt3A_1330, %lt3A_1332 : i1
      %and3A_1334 = arith.andi %ne3A_1333, %ne3A_1328 : i1
      %add3A_1335 = arith.addi %rem3A_1326, %select_n3A_1325 : i32
      %select_n3A_1336 = arith.select %and3A_1334, %add3A_1335, %rem3A_1326 : i32
      %mul3A_1337 = arith.constant 8 : i32
      %mul3A_1338 = arith.muli %select_n3A_1336, %mul3A_1337 : i32
      %add3A_1339 = arith.constant 4 : i32
      %add3A_1340 = arith.addi %mul3A_1338, %add3A_1339 : i32
      %eq3A_1341 = vector.broadcast %add3A_1340 : i32 to vector<16xi32>
      %eq3A_1342 = arith.cmpi eq, %iota3A, %eq3A_1341 : vector<16xi32>
      %jit3A_1343 = arith.constant 0 : i32
      %broadcast_in_dim3A_1344 = vector.broadcast %jit3A_1343 : i32 to vector<16xi32>
      %select_n3A_1345 = arith.select %eq3A_1342, %get3A_1320, %broadcast_in_dim3A_1344 : vector<16xi1>, vector<16xi32>
      %reduce_sum3A_1346 = arith.constant true
      %reduce_sum3A_1347 = vector.broadcast %reduce_sum3A_1346 : i1 to vector<16xi1>
      %reduce_sum3A_1348 = tpu.scan <sum>, %select_n3A_1345 masked %reduce_sum3A_1347 : vector<16xi32>, vector<16xi1> -> vector<16xi32>
      %reduce_sum3A_1349 = vector.extract %reduce_sum3A_1348[15] : i32 from vector<16xi32>
      %broadcast_in_dim3A_1350 = arith.constant 1 : i32
      %broadcast_in_dim3A_1351 = vector.broadcast %broadcast_in_dim3A_1350 : i32 to vector<16xi32>
      %and3A_1352 = arith.constant 127 : i32
      %and3A_1353 = arith.andi %reduce_sum3A_1349, %and3A_1352 : i32
      %mul3A_1354 = vector.broadcast %and3A_1353 : i32 to vector<16xi32>
      %mul3A_1355 = arith.muli %broadcast_in_dim3A_1351, %mul3A_1354 : vector<16xi32>
      %broadcast_in_dim3A_1356 = arith.constant 1 : i32
      %broadcast_in_dim3A_1357 = vector.broadcast %broadcast_in_dim3A_1356 : i32 to vector<16xi32>
      %mul3A_1358 = vector.broadcast %add3A_1292 : i32 to vector<16xi32>
      %mul3A_1359 = arith.muli %broadcast_in_dim3A_1357, %mul3A_1358 : vector<16xi32>
      %gather3A_1360 = arith.constant 4 : i32
      %gather3A_1361 = arith.constant 0 : i32
      %gather3A_1362 = arith.constant 0 : i32
      %gather3A_1363 = tpu.memref_slice %arg6[%gather3A_1360, %gather3A_1361, %gather3A_1362] : memref<16x32x128xf32, #tpu.memory_space<vmem>> -> memref<1x32x128xf32, #tpu.memory_space<vmem>>
      %gather3A_1364 = tpu.memref_squeeze %gather3A_1363 : memref<1x32x128xf32, #tpu.memory_space<vmem>> -> memref<32x128xf32, #tpu.memory_space<vmem>>
      %gather3A_1365 = tpu.vector_load_idx %gather3A_1364[%iota3A, %mul3A_1355] : memref<32x128xf32, #tpu.memory_space<vmem>>[vector<16xi32>, vector<16xi32>], vector<16xf32>,
      %gather3A_1366 = arith.constant 4 : i32
      %gather3A_1367 = arith.constant 0 : i32
      %gather3A_1368 = arith.constant 0 : i32
      %gather3A_1369 = tpu.memref_slice %arg6[%gather3A_1366, %gather3A_1367, %gather3A_1368] : memref<16x32x128xf32, #tpu.memory_space<vmem>> -> memref<1x32x128xf32, #tpu.memory_space<vmem>>
      %gather3A_1370 = tpu.memref_squeeze %gather3A_1369 : memref<1x32x128xf32, #tpu.memory_space<vmem>> -> memref<32x128xf32, #tpu.memory_space<vmem>>
      %gather3A_1371 = tpu.vector_load_idx %gather3A_1370[%add3A_5, %mul3A_1355] : memref<32x128xf32, #tpu.memory_space<vmem>>[vector<16xi32>, vector<16xi32>], vector<16xf32>,
      tpu.vector_store_idx %arg7[%iota3A, %mul3A_1359], %gather3A_1365 : memref<32x512xf32, #tpu.memory_space<vmem>>[vector<16xi32>, vector<16xi32>], vector<16xf32>,
      tpu.vector_store_idx %arg7[%add3A_5, %mul3A_1359], %gather3A_1371 : memref<32x512xf32, #tpu.memory_space<vmem>>[vector<16xi32>, vector<16xi32>], vector<16xf32>,
      %mul3A_1372 = arith.constant 8 : i32
      %mul3A_1373 = arith.muli %mul3A_243, %mul3A_1372 : i32
      %add3A_1374 = arith.constant 5 : i32
      %add3A_1375 = arith.addi %mul3A_1373, %add3A_1374 : i32
      %jit3A_1376 = arith.constant 2 : i32
      %div3A_1377 = arith.divsi %mul3A_243, %jit3A_1376 : i32
      %sign3A_1378 = arith.constant 0 : i32
      %sign3A_1379 = arith.cmpi sgt, %mul3A_243, %sign3A_1378 : i32
      %sign3A_1380 = arith.extui %sign3A_1379 : i1 to i32
      %sign3A_1381 = arith.constant 0 : i32
      %sign3A_1382 = arith.cmpi slt, %mul3A_243, %sign3A_1381 : i32
      %sign3A_1383 = arith.extui %sign3A_1382 : i1 to i32
      %sign3A_1384 = arith.subi %sign3A_1380, %sign3A_1383 : i32
      %sign3A_1385 = arith.constant 0 : i32
      %sign3A_1386 = arith.cmpi sgt, %jit3A_1376, %sign3A_1385 : i32
      %sign3A_1387 = arith.extui %sign3A_1386 : i1 to i32
      %sign3A_1388 = arith.constant 0 : i32
      %sign3A_1389 = arith.cmpi slt, %jit3A_1376, %sign3A_1388 : i32
      %sign3A_1390 = arith.extui %sign3A_1389 : i1 to i32
      %sign3A_1391 = arith.subi %sign3A_1387, %sign3A_1390 : i32
      %ne3A_1392 = arith.cmpi ne, %sign3A_1384, %sign3A_1391 : i32
      %rem3A_1393 = arith.remsi %mul3A_243, %jit3A_1376 : i32
      %ne3A_1394 = arith.constant 0 : i32
      %ne3A_1395 = arith.cmpi ne, %rem3A_1393, %ne3A_1394 : i32
      %and3A_1396 = arith.andi %ne3A_1392, %ne3A_1395 : i1
      %sub3A_1397 = arith.constant 1 : i32
      %sub3A_1398 = arith.subi %div3A_1377, %sub3A_1397 : i32
      %select_n3A_1399 = arith.select %and3A_1396, %sub3A_1398, %div3A_1377 : i32
      %mul3A_1400 = arith.constant 16 : i32
      %mul3A_1401 = arith.muli %select_n3A_1399, %mul3A_1400 : i32
      %get3A_1402 = arith.index_cast %mul3A_1401 : i32 to index
      %get3A_1403 = tpu.vector_load %arg5[%get3A_1402] {strides = array<i32>} : memref<512xi32, #tpu.memory_space<vmem>>, vector<16xi32>,
      %jit3A_1404 = arith.constant 2 : i32
      %eq3A_1405 = arith.constant 0 : i32
      %eq3A_1406 = arith.cmpi eq, %jit3A_1404, %eq3A_1405 : i32
      %jit3A_1407 = arith.constant 1 : i32
      %select_n3A_1408 = arith.select %eq3A_1406, %jit3A_1407, %jit3A_1404 : i32
      %rem3A_1409 = arith.remsi %mul3A_243, %select_n3A_1408 : i32
      %ne3A_1410 = arith.constant 0 : i32
      %ne3A_1411 = arith.cmpi ne, %rem3A_1409, %ne3A_1410 : i32
      %lt3A_1412 = arith.constant 0 : i32
      %lt3A_1413 = arith.cmpi slt, %rem3A_1409, %lt3A_1412 : i32
      %lt3A_1414 = arith.constant 0 : i32
      %lt3A_1415 = arith.cmpi slt, %select_n3A_1408, %lt3A_1414 : i32
      %ne3A_1416 = arith.xori %lt3A_1413, %lt3A_1415 : i1
      %and3A_1417 = arith.andi %ne3A_1416, %ne3A_1411 : i1
      %add3A_1418 = arith.addi %rem3A_1409, %select_n3A_1408 : i32
      %select_n3A_1419 = arith.select %and3A_1417, %add3A_1418, %rem3A_1409 : i32
      %mul3A_1420 = arith.constant 8 : i32
      %mul3A_1421 = arith.muli %select_n3A_1419, %mul3A_1420 : i32
      %add3A_1422 = arith.constant 5 : i32
      %add3A_1423 = arith.addi %mul3A_1421, %add3A_1422 : i32
      %eq3A_1424 = vector.broadcast %add3A_1423 : i32 to vector<16xi32>
      %eq3A_1425 = arith.cmpi eq, %iota3A, %eq3A_1424 : vector<16xi32>
      %jit3A_1426 = arith.constant 0 : i32
      %broadcast_in_dim3A_1427 = vector.broadcast %jit3A_1426 : i32 to vector<16xi32>
      %select_n3A_1428 = arith.select %eq3A_1425, %get3A_1403, %broadcast_in_dim3A_1427 : vector<16xi1>, vector<16xi32>
      %reduce_sum3A_1429 = arith.constant true
      %reduce_sum3A_1430 = vector.broadcast %reduce_sum3A_1429 : i1 to vector<16xi1>
      %reduce_sum3A_1431 = tpu.scan <sum>, %select_n3A_1428 masked %reduce_sum3A_1430 : vector<16xi32>, vector<16xi1> -> vector<16xi32>
      %reduce_sum3A_1432 = vector.extract %reduce_sum3A_1431[15] : i32 from vector<16xi32>
      %broadcast_in_dim3A_1433 = arith.constant 1 : i32
      %broadcast_in_dim3A_1434 = vector.broadcast %broadcast_in_dim3A_1433 : i32 to vector<16xi32>
      %and3A_1435 = arith.constant 127 : i32
      %and3A_1436 = arith.andi %reduce_sum3A_1432, %and3A_1435 : i32
      %mul3A_1437 = vector.broadcast %and3A_1436 : i32 to vector<16xi32>
      %mul3A_1438 = arith.muli %broadcast_in_dim3A_1434, %mul3A_1437 : vector<16xi32>
      %broadcast_in_dim3A_1439 = arith.constant 1 : i32
      %broadcast_in_dim3A_1440 = vector.broadcast %broadcast_in_dim3A_1439 : i32 to vector<16xi32>
      %mul3A_1441 = vector.broadcast %add3A_1375 : i32 to vector<16xi32>
      %mul3A_1442 = arith.muli %broadcast_in_dim3A_1440, %mul3A_1441 : vector<16xi32>
      %gather3A_1443 = arith.constant 5 : i32
      %gather3A_1444 = arith.constant 0 : i32
      %gather3A_1445 = arith.constant 0 : i32
      %gather3A_1446 = tpu.memref_slice %arg6[%gather3A_1443, %gather3A_1444, %gather3A_1445] : memref<16x32x128xf32, #tpu.memory_space<vmem>> -> memref<1x32x128xf32, #tpu.memory_space<vmem>>
      %gather3A_1447 = tpu.memref_squeeze %gather3A_1446 : memref<1x32x128xf32, #tpu.memory_space<vmem>> -> memref<32x128xf32, #tpu.memory_space<vmem>>
      %gather3A_1448 = tpu.vector_load_idx %gather3A_1447[%iota3A, %mul3A_1438] : memref<32x128xf32, #tpu.memory_space<vmem>>[vector<16xi32>, vector<16xi32>], vector<16xf32>,
      %gather3A_1449 = arith.constant 5 : i32
      %gather3A_1450 = arith.constant 0 : i32
      %gather3A_1451 = arith.constant 0 : i32
      %gather3A_1452 = tpu.memref_slice %arg6[%gather3A_1449, %gather3A_1450, %gather3A_1451] : memref<16x32x128xf32, #tpu.memory_space<vmem>> -> memref<1x32x128xf32, #tpu.memory_space<vmem>>
      %gather3A_1453 = tpu.memref_squeeze %gather3A_1452 : memref<1x32x128xf32, #tpu.memory_space<vmem>> -> memref<32x128xf32, #tpu.memory_space<vmem>>
      %gather3A_1454 = tpu.vector_load_idx %gather3A_1453[%add3A_5, %mul3A_1438] : memref<32x128xf32, #tpu.memory_space<vmem>>[vector<16xi32>, vector<16xi32>], vector<16xf32>,
      tpu.vector_store_idx %arg7[%iota3A, %mul3A_1442], %gather3A_1448 : memref<32x512xf32, #tpu.memory_space<vmem>>[vector<16xi32>, vector<16xi32>], vector<16xf32>,
      tpu.vector_store_idx %arg7[%add3A_5, %mul3A_1442], %gather3A_1454 : memref<32x512xf32, #tpu.memory_space<vmem>>[vector<16xi32>, vector<16xi32>], vector<16xf32>,
      %mul3A_1455 = arith.constant 8 : i32
      %mul3A_1456 = arith.muli %mul3A_243, %mul3A_1455 : i32
      %add3A_1457 = arith.constant 6 : i32
      %add3A_1458 = arith.addi %mul3A_1456, %add3A_1457 : i32
      %jit3A_1459 = arith.constant 2 : i32
      %div3A_1460 = arith.divsi %mul3A_243, %jit3A_1459 : i32
      %sign3A_1461 = arith.constant 0 : i32
      %sign3A_1462 = arith.cmpi sgt, %mul3A_243, %sign3A_1461 : i32
      %sign3A_1463 = arith.extui %sign3A_1462 : i1 to i32
      %sign3A_1464 = arith.constant 0 : i32
      %sign3A_1465 = arith.cmpi slt, %mul3A_243, %sign3A_1464 : i32
      %sign3A_1466 = arith.extui %sign3A_1465 : i1 to i32
      %sign3A_1467 = arith.subi %sign3A_1463, %sign3A_1466 : i32
      %sign3A_1468 = arith.constant 0 : i32
      %sign3A_1469 = arith.cmpi sgt, %jit3A_1459, %sign3A_1468 : i32
      %sign3A_1470 = arith.extui %sign3A_1469 : i1 to i32
      %sign3A_1471 = arith.constant 0 : i32
      %sign3A_1472 = arith.cmpi slt, %jit3A_1459, %sign3A_1471 : i32
      %sign3A_1473 = arith.extui %sign3A_1472 : i1 to i32
      %sign3A_1474 = arith.subi %sign3A_1470, %sign3A_1473 : i32
      %ne3A_1475 = arith.cmpi ne, %sign3A_1467, %sign3A_1474 : i32
      %rem3A_1476 = arith.remsi %mul3A_243, %jit3A_1459 : i32
      %ne3A_1477 = arith.constant 0 : i32
      %ne3A_1478 = arith.cmpi ne, %rem3A_1476, %ne3A_1477 : i32
      %and3A_1479 = arith.andi %ne3A_1475, %ne3A_1478 : i1
      %sub3A_1480 = arith.constant 1 : i32
      %sub3A_1481 = arith.subi %div3A_1460, %sub3A_1480 : i32
      %select_n3A_1482 = arith.select %and3A_1479, %sub3A_1481, %div3A_1460 : i32
      %mul3A_1483 = arith.constant 16 : i32
      %mul3A_1484 = arith.muli %select_n3A_1482, %mul3A_1483 : i32
      %get3A_1485 = arith.index_cast %mul3A_1484 : i32 to index
      %get3A_1486 = tpu.vector_load %arg5[%get3A_1485] {strides = array<i32>} : memref<512xi32, #tpu.memory_space<vmem>>, vector<16xi32>,
      %jit3A_1487 = arith.constant 2 : i32
      %eq3A_1488 = arith.constant 0 : i32
      %eq3A_1489 = arith.cmpi eq, %jit3A_1487, %eq3A_1488 : i32
      %jit3A_1490 = arith.constant 1 : i32
      %select_n3A_1491 = arith.select %eq3A_1489, %jit3A_1490, %jit3A_1487 : i32
      %rem3A_1492 = arith.remsi %mul3A_243, %select_n3A_1491 : i32
      %ne3A_1493 = arith.constant 0 : i32
      %ne3A_1494 = arith.cmpi ne, %rem3A_1492, %ne3A_1493 : i32
      %lt3A_1495 = arith.constant 0 : i32
      %lt3A_1496 = arith.cmpi slt, %rem3A_1492, %lt3A_1495 : i32
      %lt3A_1497 = arith.constant 0 : i32
      %lt3A_1498 = arith.cmpi slt, %select_n3A_1491, %lt3A_1497 : i32
      %ne3A_1499 = arith.xori %lt3A_1496, %lt3A_1498 : i1
      %and3A_1500 = arith.andi %ne3A_1499, %ne3A_1494 : i1
      %add3A_1501 = arith.addi %rem3A_1492, %select_n3A_1491 : i32
      %select_n3A_1502 = arith.select %and3A_1500, %add3A_1501, %rem3A_1492 : i32
      %mul3A_1503 = arith.constant 8 : i32
      %mul3A_1504 = arith.muli %select_n3A_1502, %mul3A_1503 : i32
      %add3A_1505 = arith.constant 6 : i32
      %add3A_1506 = arith.addi %mul3A_1504, %add3A_1505 : i32
      %eq3A_1507 = vector.broadcast %add3A_1506 : i32 to vector<16xi32>
      %eq3A_1508 = arith.cmpi eq, %iota3A, %eq3A_1507 : vector<16xi32>
      %jit3A_1509 = arith.constant 0 : i32
      %broadcast_in_dim3A_1510 = vector.broadcast %jit3A_1509 : i32 to vector<16xi32>
      %select_n3A_1511 = arith.select %eq3A_1508, %get3A_1486, %broadcast_in_dim3A_1510 : vector<16xi1>, vector<16xi32>
      %reduce_sum3A_1512 = arith.constant true
      %reduce_sum3A_1513 = vector.broadcast %reduce_sum3A_1512 : i1 to vector<16xi1>
      %reduce_sum3A_1514 = tpu.scan <sum>, %select_n3A_1511 masked %reduce_sum3A_1513 : vector<16xi32>, vector<16xi1> -> vector<16xi32>
      %reduce_sum3A_1515 = vector.extract %reduce_sum3A_1514[15] : i32 from vector<16xi32>
      %broadcast_in_dim3A_1516 = arith.constant 1 : i32
      %broadcast_in_dim3A_1517 = vector.broadcast %broadcast_in_dim3A_1516 : i32 to vector<16xi32>
      %and3A_1518 = arith.constant 127 : i32
      %and3A_1519 = arith.andi %reduce_sum3A_1515, %and3A_1518 : i32
      %mul3A_1520 = vector.broadcast %and3A_1519 : i32 to vector<16xi32>
      %mul3A_1521 = arith.muli %broadcast_in_dim3A_1517, %mul3A_1520 : vector<16xi32>
      %broadcast_in_dim3A_1522 = arith.constant 1 : i32
      %broadcast_in_dim3A_1523 = vector.broadcast %broadcast_in_dim3A_1522 : i32 to vector<16xi32>
      %mul3A_1524 = vector.broadcast %add3A_1458 : i32 to vector<16xi32>
      %mul3A_1525 = arith.muli %broadcast_in_dim3A_1523, %mul3A_1524 : vector<16xi32>
      %gather3A_1526 = arith.constant 6 : i32
      %gather3A_1527 = arith.constant 0 : i32
      %gather3A_1528 = arith.constant 0 : i32
      %gather3A_1529 = tpu.memref_slice %arg6[%gather3A_1526, %gather3A_1527, %gather3A_1528] : memref<16x32x128xf32, #tpu.memory_space<vmem>> -> memref<1x32x128xf32, #tpu.memory_space<vmem>>
      %gather3A_1530 = tpu.memref_squeeze %gather3A_1529 : memref<1x32x128xf32, #tpu.memory_space<vmem>> -> memref<32x128xf32, #tpu.memory_space<vmem>>
      %gather3A_1531 = tpu.vector_load_idx %gather3A_1530[%iota3A, %mul3A_1521] : memref<32x128xf32, #tpu.memory_space<vmem>>[vector<16xi32>, vector<16xi32>], vector<16xf32>,
      %gather3A_1532 = arith.constant 6 : i32
      %gather3A_1533 = arith.constant 0 : i32
      %gather3A_1534 = arith.constant 0 : i32
      %gather3A_1535 = tpu.memref_slice %arg6[%gather3A_1532, %gather3A_1533, %gather3A_1534] : memref<16x32x128xf32, #tpu.memory_space<vmem>> -> memref<1x32x128xf32, #tpu.memory_space<vmem>>
      %gather3A_1536 = tpu.memref_squeeze %gather3A_1535 : memref<1x32x128xf32, #tpu.memory_space<vmem>> -> memref<32x128xf32, #tpu.memory_space<vmem>>
      %gather3A_1537 = tpu.vector_load_idx %gather3A_1536[%add3A_5, %mul3A_1521] : memref<32x128xf32, #tpu.memory_space<vmem>>[vector<16xi32>, vector<16xi32>], vector<16xf32>,
      tpu.vector_store_idx %arg7[%iota3A, %mul3A_1525], %gather3A_1531 : memref<32x512xf32, #tpu.memory_space<vmem>>[vector<16xi32>, vector<16xi32>], vector<16xf32>,
      tpu.vector_store_idx %arg7[%add3A_5, %mul3A_1525], %gather3A_1537 : memref<32x512xf32, #tpu.memory_space<vmem>>[vector<16xi32>, vector<16xi32>], vector<16xf32>,
      %mul3A_1538 = arith.constant 8 : i32
      %mul3A_1539 = arith.muli %mul3A_243, %mul3A_1538 : i32
      %add3A_1540 = arith.constant 7 : i32
      %add3A_1541 = arith.addi %mul3A_1539, %add3A_1540 : i32
      %jit3A_1542 = arith.constant 2 : i32
      %div3A_1543 = arith.divsi %mul3A_243, %jit3A_1542 : i32
      %sign3A_1544 = arith.constant 0 : i32
      %sign3A_1545 = arith.cmpi sgt, %mul3A_243, %sign3A_1544 : i32
      %sign3A_1546 = arith.extui %sign3A_1545 : i1 to i32
      %sign3A_1547 = arith.constant 0 : i32
      %sign3A_1548 = arith.cmpi slt, %mul3A_243, %sign3A_1547 : i32
      %sign3A_1549 = arith.extui %sign3A_1548 : i1 to i32
      %sign3A_1550 = arith.subi %sign3A_1546, %sign3A_1549 : i32
      %sign3A_1551 = arith.constant 0 : i32
      %sign3A_1552 = arith.cmpi sgt, %jit3A_1542, %sign3A_1551 : i32
      %sign3A_1553 = arith.extui %sign3A_1552 : i1 to i32
      %sign3A_1554 = arith.constant 0 : i32
      %sign3A_1555 = arith.cmpi slt, %jit3A_1542, %sign3A_1554 : i32
      %sign3A_1556 = arith.extui %sign3A_1555 : i1 to i32
      %sign3A_1557 = arith.subi %sign3A_1553, %sign3A_1556 : i32
      %ne3A_1558 = arith.cmpi ne, %sign3A_1550, %sign3A_1557 : i32
      %rem3A_1559 = arith.remsi %mul3A_243, %jit3A_1542 : i32
      %ne3A_1560 = arith.constant 0 : i32
      %ne3A_1561 = arith.cmpi ne, %rem3A_1559, %ne3A_1560 : i32
      %and3A_1562 = arith.andi %ne3A_1558, %ne3A_1561 : i1
      %sub3A_1563 = arith.constant 1 : i32
      %sub3A_1564 = arith.subi %div3A_1543, %sub3A_1563 : i32
      %select_n3A_1565 = arith.select %and3A_1562, %sub3A_1564, %div3A_1543 : i32
      %mul3A_1566 = arith.constant 16 : i32
      %mul3A_1567 = arith.muli %select_n3A_1565, %mul3A_1566 : i32
      %get3A_1568 = arith.index_cast %mul3A_1567 : i32 to index
      %get3A_1569 = tpu.vector_load %arg5[%get3A_1568] {strides = array<i32>} : memref<512xi32, #tpu.memory_space<vmem>>, vector<16xi32>,
      %jit3A_1570 = arith.constant 2 : i32
      %eq3A_1571 = arith.constant 0 : i32
      %eq3A_1572 = arith.cmpi eq, %jit3A_1570, %eq3A_1571 : i32
      %jit3A_1573 = arith.constant 1 : i32
      %select_n3A_1574 = arith.select %eq3A_1572, %jit3A_1573, %jit3A_1570 : i32
      %rem3A_1575 = arith.remsi %mul3A_243, %select_n3A_1574 : i32
      %ne3A_1576 = arith.constant 0 : i32
      %ne3A_1577 = arith.cmpi ne, %rem3A_1575, %ne3A_1576 : i32
      %lt3A_1578 = arith.constant 0 : i32
      %lt3A_1579 = arith.cmpi slt, %rem3A_1575, %lt3A_1578 : i32
      %lt3A_1580 = arith.constant 0 : i32
      %lt3A_1581 = arith.cmpi slt, %select_n3A_1574, %lt3A_1580 : i32
      %ne3A_1582 = arith.xori %lt3A_1579, %lt3A_1581 : i1
      %and3A_1583 = arith.andi %ne3A_1582, %ne3A_1577 : i1
      %add3A_1584 = arith.addi %rem3A_1575, %select_n3A_1574 : i32
      %select_n3A_1585 = arith.select %and3A_1583, %add3A_1584, %rem3A_1575 : i32
      %mul3A_1586 = arith.constant 8 : i32
      %mul3A_1587 = arith.muli %select_n3A_1585, %mul3A_1586 : i32
      %add3A_1588 = arith.constant 7 : i32
      %add3A_1589 = arith.addi %mul3A_1587, %add3A_1588 : i32
      %eq3A_1590 = vector.broadcast %add3A_1589 : i32 to vector<16xi32>
      %eq3A_1591 = arith.cmpi eq, %iota3A, %eq3A_1590 : vector<16xi32>
      %jit3A_1592 = arith.constant 0 : i32
      %broadcast_in_dim3A_1593 = vector.broadcast %jit3A_1592 : i32 to vector<16xi32>
      %select_n3A_1594 = arith.select %eq3A_1591, %get3A_1569, %broadcast_in_dim3A_1593 : vector<16xi1>, vector<16xi32>
      %reduce_sum3A_1595 = arith.constant true
      %reduce_sum3A_1596 = vector.broadcast %reduce_sum3A_1595 : i1 to vector<16xi1>
      %reduce_sum3A_1597 = tpu.scan <sum>, %select_n3A_1594 masked %reduce_sum3A_1596 : vector<16xi32>, vector<16xi1> -> vector<16xi32>
      %reduce_sum3A_1598 = vector.extract %reduce_sum3A_1597[15] : i32 from vector<16xi32>
      %broadcast_in_dim3A_1599 = arith.constant 1 : i32
      %broadcast_in_dim3A_1600 = vector.broadcast %broadcast_in_dim3A_1599 : i32 to vector<16xi32>
      %and3A_1601 = arith.constant 127 : i32
      %and3A_1602 = arith.andi %reduce_sum3A_1598, %and3A_1601 : i32
      %mul3A_1603 = vector.broadcast %and3A_1602 : i32 to vector<16xi32>
      %mul3A_1604 = arith.muli %broadcast_in_dim3A_1600, %mul3A_1603 : vector<16xi32>
      %broadcast_in_dim3A_1605 = arith.constant 1 : i32
      %broadcast_in_dim3A_1606 = vector.broadcast %broadcast_in_dim3A_1605 : i32 to vector<16xi32>
      %mul3A_1607 = vector.broadcast %add3A_1541 : i32 to vector<16xi32>
      %mul3A_1608 = arith.muli %broadcast_in_dim3A_1606, %mul3A_1607 : vector<16xi32>
      %gather3A_1609 = arith.constant 7 : i32
      %gather3A_1610 = arith.constant 0 : i32
      %gather3A_1611 = arith.constant 0 : i32
      %gather3A_1612 = tpu.memref_slice %arg6[%gather3A_1609, %gather3A_1610, %gather3A_1611] : memref<16x32x128xf32, #tpu.memory_space<vmem>> -> memref<1x32x128xf32, #tpu.memory_space<vmem>>
      %gather3A_1613 = tpu.memref_squeeze %gather3A_1612 : memref<1x32x128xf32, #tpu.memory_space<vmem>> -> memref<32x128xf32, #tpu.memory_space<vmem>>
      %gather3A_1614 = tpu.vector_load_idx %gather3A_1613[%iota3A, %mul3A_1604] : memref<32x128xf32, #tpu.memory_space<vmem>>[vector<16xi32>, vector<16xi32>], vector<16xf32>,
      %gather3A_1615 = arith.constant 7 : i32
      %gather3A_1616 = arith.constant 0 : i32
      %gather3A_1617 = arith.constant 0 : i32
      %gather3A_1618 = tpu.memref_slice %arg6[%gather3A_1615, %gather3A_1616, %gather3A_1617] : memref<16x32x128xf32, #tpu.memory_space<vmem>> -> memref<1x32x128xf32, #tpu.memory_space<vmem>>
      %gather3A_1619 = tpu.memref_squeeze %gather3A_1618 : memref<1x32x128xf32, #tpu.memory_space<vmem>> -> memref<32x128xf32, #tpu.memory_space<vmem>>
      %gather3A_1620 = tpu.vector_load_idx %gather3A_1619[%add3A_5, %mul3A_1604] : memref<32x128xf32, #tpu.memory_space<vmem>>[vector<16xi32>, vector<16xi32>], vector<16xf32>,
      tpu.vector_store_idx %arg7[%iota3A, %mul3A_1608], %gather3A_1614 : memref<32x512xf32, #tpu.memory_space<vmem>>[vector<16xi32>, vector<16xi32>], vector<16xf32>,
      tpu.vector_store_idx %arg7[%add3A_5, %mul3A_1608], %gather3A_1620 : memref<32x512xf32, #tpu.memory_space<vmem>>[vector<16xi32>, vector<16xi32>], vector<16xf32>,
      %add3A_1621 = arith.constant 1 : i32
      %add3A_1622 = arith.addi %add3A_245, %add3A_1621 : i32
      %lt3A_1623 = arith.constant 64 : i32
      %lt3A_1624 = arith.cmpi slt, %add3A_1622, %lt3A_1623 : i32
      %convert_element_type3A = arith.extui %lt3A_1624 : i1 to i32
      %cond3A = arith.constant 0 : i32
      %cond3A_1625 = arith.cmpi ne, %convert_element_type3A, %cond3A : i32
      scf.if %cond3A_1625 {
        %add3A_2410 = arith.constant 1 : i32
        %add3A_2411 = arith.addi %add3A_245, %add3A_2410 : i32
        %jit3A_2412 = arith.constant 2 : i32
        %div3A_2413 = arith.divsi %add3A_2411, %jit3A_2412 : i32
        %sign3A_2414 = arith.constant 0 : i32
        %sign3A_2415 = arith.cmpi sgt, %add3A_2411, %sign3A_2414 : i32
        %sign3A_2416 = arith.extui %sign3A_2415 : i1 to i32
        %sign3A_2417 = arith.constant 0 : i32
        %sign3A_2418 = arith.cmpi slt, %add3A_2411, %sign3A_2417 : i32
        %sign3A_2419 = arith.extui %sign3A_2418 : i1 to i32
        %sign3A_2420 = arith.subi %sign3A_2416, %sign3A_2419 : i32
        %sign3A_2421 = arith.constant 0 : i32
        %sign3A_2422 = arith.cmpi sgt, %jit3A_2412, %sign3A_2421 : i32
        %sign3A_2423 = arith.extui %sign3A_2422 : i1 to i32
        %sign3A_2424 = arith.constant 0 : i32
        %sign3A_2425 = arith.cmpi slt, %jit3A_2412, %sign3A_2424 : i32
        %sign3A_2426 = arith.extui %sign3A_2425 : i1 to i32
        %sign3A_2427 = arith.subi %sign3A_2423, %sign3A_2426 : i32
        %ne3A_2428 = arith.cmpi ne, %sign3A_2420, %sign3A_2427 : i32
        %rem3A_2429 = arith.remsi %add3A_2411, %jit3A_2412 : i32
        %ne3A_2430 = arith.constant 0 : i32
        %ne3A_2431 = arith.cmpi ne, %rem3A_2429, %ne3A_2430 : i32
        %and3A_2432 = arith.andi %ne3A_2428, %ne3A_2431 : i1
        %sub3A_2433 = arith.constant 1 : i32
        %sub3A_2434 = arith.subi %div3A_2413, %sub3A_2433 : i32
        %select_n3A_2435 = arith.select %and3A_2432, %sub3A_2434, %div3A_2413 : i32
        %mul3A_2436 = arith.constant 16 : i32
        %mul3A_2437 = arith.muli %select_n3A_2435, %mul3A_2436 : i32
        %get3A_2438 = arith.index_cast %mul3A_2437 : i32 to index
        %get3A_2439 = tpu.vector_load %arg5[%get3A_2438] {strides = array<i32>} : memref<512xi32, #tpu.memory_space<vmem>>, vector<16xi32>,
        %jit3A_2440 = arith.constant 2 : i32
        %eq3A_2441 = arith.constant 0 : i32
        %eq3A_2442 = arith.cmpi eq, %jit3A_2440, %eq3A_2441 : i32
        %jit3A_2443 = arith.constant 1 : i32
        %select_n3A_2444 = arith.select %eq3A_2442, %jit3A_2443, %jit3A_2440 : i32
        %rem3A_2445 = arith.remsi %add3A_2411, %select_n3A_2444 : i32
        %ne3A_2446 = arith.constant 0 : i32
        %ne3A_2447 = arith.cmpi ne, %rem3A_2445, %ne3A_2446 : i32
        %lt3A_2448 = arith.constant 0 : i32
        %lt3A_2449 = arith.cmpi slt, %rem3A_2445, %lt3A_2448 : i32
        %lt3A_2450 = arith.constant 0 : i32
        %lt3A_2451 = arith.cmpi slt, %select_n3A_2444, %lt3A_2450 : i32
        %ne3A_2452 = arith.xori %lt3A_2449, %lt3A_2451 : i1
        %and3A_2453 = arith.andi %ne3A_2452, %ne3A_2447 : i1
        %add3A_2454 = arith.addi %rem3A_2445, %select_n3A_2444 : i32
        %select_n3A_2455 = arith.select %and3A_2453, %add3A_2454, %rem3A_2445 : i32
        %mul3A_2456 = arith.constant 8 : i32
        %mul3A_2457 = arith.muli %select_n3A_2455, %mul3A_2456 : i32
        %add3A_2458 = arith.constant 0 : i32
        %add3A_2459 = arith.addi %mul3A_2457, %add3A_2458 : i32
        %eq3A_2460 = vector.broadcast %add3A_2459 : i32 to vector<16xi32>
        %eq3A_2461 = arith.cmpi eq, %iota3A, %eq3A_2460 : vector<16xi32>
        %jit3A_2462 = arith.constant 0 : i32
        %broadcast_in_dim3A_2463 = vector.broadcast %jit3A_2462 : i32 to vector<16xi32>
        %select_n3A_2464 = arith.select %eq3A_2461, %get3A_2439, %broadcast_in_dim3A_2463 : vector<16xi1>, vector<16xi32>
        %reduce_sum3A_2465 = arith.constant true
        %reduce_sum3A_2466 = vector.broadcast %reduce_sum3A_2465 : i1 to vector<16xi1>
        %reduce_sum3A_2467 = tpu.scan <sum>, %select_n3A_2464 masked %reduce_sum3A_2466 : vector<16xi32>, vector<16xi1> -> vector<16xi32>
        %reduce_sum3A_2468 = vector.extract %reduce_sum3A_2467[15] : i32 from vector<16xi32>
        %shift_right_arithmetic3A_2469 = arith.constant 7 : i32
        %shift_right_arithmetic3A_2470 = arith.shrsi %reduce_sum3A_2468, %shift_right_arithmetic3A_2469 : i32
        %shift_left3A_2471 = arith.constant 7 : i32
        %shift_left3A_2472 = arith.shli %shift_right_arithmetic3A_2470, %shift_left3A_2471 : i32
        %multiple_of3A_2473 = tpu.assume_multiple %shift_left3A_2472, 128 : i32
        %dma_start3A_2474 = arith.constant 0 : i32
        %dma_start3A_2475 = arith.constant 0 : i32
        %dma_start3A_2476 = arith.constant 0 : i32
        %dma_start3A_2477 = tpu.memref_slice %arg6[%dma_start3A_2474, %dma_start3A_2475, %dma_start3A_2476] : memref<16x32x128xf32, #tpu.memory_space<vmem>> -> memref<1x32x128xf32, #tpu.memory_space<vmem>>
        %dma_start3A_2478 = tpu.memref_squeeze %dma_start3A_2477 : memref<1x32x128xf32, #tpu.memory_space<vmem>> -> memref<32x128xf32, #tpu.memory_space<vmem>>
        %dma_start3A_2479 = arith.constant 0 : i32
        %dma_start3A_2480 = tpu.memref_slice %arg3[%dma_start3A_2479, %multiple_of3A_2473] : memref<32x1000001xf32, #tpu.memory_space<hbm>> -> memref<32x128xf32, #tpu.memory_space<hbm>>
        %dma_start3A_2481 = arith.constant 0 : i32
        %dma_start3A_2482 = arith.constant 0 : i32
        %dma_start3A_2483 = tpu.memref_slice %arg6[%dma_start3A_2474, %dma_start3A_2481, %dma_start3A_2482] : memref<16x32x128xf32, #tpu.memory_space<vmem>> -> memref<1x32x128xf32, #tpu.memory_space<vmem>>
        %dma_start3A_2484 = tpu.memref_squeeze %dma_start3A_2483 : memref<1x32x128xf32, #tpu.memory_space<vmem>> -> memref<32x128xf32, #tpu.memory_space<vmem>>
        %dma_start3A_2485 = arith.constant 0 : i32
        %dma_start3A_2486 = tpu.memref_slice %arg3[%dma_start3A_2485, %multiple_of3A_2473] : memref<32x1000001xf32, #tpu.memory_space<hbm>> -> memref<32x128xf32, #tpu.memory_space<hbm>>
        tpu.enqueue_dma source(%dma_start3A_2486 : memref<32x128xf32, #tpu.memory_space<hbm>>) target(%dma_start3A_2484 : memref<32x128xf32, #tpu.memory_space<vmem>>) target_semaphore(%arg8 : memref<!tpu.dma_semaphore, #tpu.memory_space<semaphore_mem>>)
        %jit3A_2487 = arith.constant 2 : i32
        %div3A_2488 = arith.divsi %add3A_2411, %jit3A_2487 : i32
        %sign3A_2489 = arith.constant 0 : i32
        %sign3A_2490 = arith.cmpi sgt, %add3A_2411, %sign3A_2489 : i32
        %sign3A_2491 = arith.extui %sign3A_2490 : i1 to i32
        %sign3A_2492 = arith.constant 0 : i32
        %sign3A_2493 = arith.cmpi slt, %add3A_2411, %sign3A_2492 : i32
        %sign3A_2494 = arith.extui %sign3A_2493 : i1 to i32
        %sign3A_2495 = arith.subi %sign3A_2491, %sign3A_2494 : i32
        %sign3A_2496 = arith.constant 0 : i32
        %sign3A_2497 = arith.cmpi sgt, %jit3A_2487, %sign3A_2496 : i32
        %sign3A_2498 = arith.extui %sign3A_2497 : i1 to i32
        %sign3A_2499 = arith.constant 0 : i32
        %sign3A_2500 = arith.cmpi slt, %jit3A_2487, %sign3A_2499 : i32
        %sign3A_2501 = arith.extui %sign3A_2500 : i1 to i32
        %sign3A_2502 = arith.subi %sign3A_2498, %sign3A_2501 : i32
        %ne3A_2503 = arith.cmpi ne, %sign3A_2495, %sign3A_2502 : i32
        %rem3A_2504 = arith.remsi %add3A_2411, %jit3A_2487 : i32
        %ne3A_2505 = arith.constant 0 : i32
        %ne3A_2506 = arith.cmpi ne, %rem3A_2504, %ne3A_2505 : i32
        %and3A_2507 = arith.andi %ne3A_2503, %ne3A_2506 : i1
        %sub3A_2508 = arith.constant 1 : i32
        %sub3A_2509 = arith.subi %div3A_2488, %sub3A_2508 : i32
        %select_n3A_2510 = arith.select %and3A_2507, %sub3A_2509, %div3A_2488 : i32
        %mul3A_2511 = arith.constant 16 : i32
        %mul3A_2512 = arith.muli %select_n3A_2510, %mul3A_2511 : i32
        %get3A_2513 = arith.index_cast %mul3A_2512 : i32 to index
        %get3A_2514 = tpu.vector_load %arg5[%get3A_2513] {strides = array<i32>} : memref<512xi32, #tpu.memory_space<vmem>>, vector<16xi32>,
        %jit3A_2515 = arith.constant 2 : i32
        %eq3A_2516 = arith.constant 0 : i32
        %eq3A_2517 = arith.cmpi eq, %jit3A_2515, %eq3A_2516 : i32
        %jit3A_2518 = arith.constant 1 : i32
        %select_n3A_2519 = arith.select %eq3A_2517, %jit3A_2518, %jit3A_2515 : i32
        %rem3A_2520 = arith.remsi %add3A_2411, %select_n3A_2519 : i32
        %ne3A_2521 = arith.constant 0 : i32
        %ne3A_2522 = arith.cmpi ne, %rem3A_2520, %ne3A_2521 : i32
        %lt3A_2523 = arith.constant 0 : i32
        %lt3A_2524 = arith.cmpi slt, %rem3A_2520, %lt3A_2523 : i32
        %lt3A_2525 = arith.constant 0 : i32
        %lt3A_2526 = arith.cmpi slt, %select_n3A_2519, %lt3A_2525 : i32
        %ne3A_2527 = arith.xori %lt3A_2524, %lt3A_2526 : i1
        %and3A_2528 = arith.andi %ne3A_2527, %ne3A_2522 : i1
        %add3A_2529 = arith.addi %rem3A_2520, %select_n3A_2519 : i32
        %select_n3A_2530 = arith.select %and3A_2528, %add3A_2529, %rem3A_2520 : i32
        %mul3A_2531 = arith.constant 8 : i32
        %mul3A_2532 = arith.muli %select_n3A_2530, %mul3A_2531 : i32
        %add3A_2533 = arith.constant 1 : i32
        %add3A_2534 = arith.addi %mul3A_2532, %add3A_2533 : i32
        %eq3A_2535 = vector.broadcast %add3A_2534 : i32 to vector<16xi32>
        %eq3A_2536 = arith.cmpi eq, %iota3A, %eq3A_2535 : vector<16xi32>
        %jit3A_2537 = arith.constant 0 : i32
        %broadcast_in_dim3A_2538 = vector.broadcast %jit3A_2537 : i32 to vector<16xi32>
        %select_n3A_2539 = arith.select %eq3A_2536, %get3A_2514, %broadcast_in_dim3A_2538 : vector<16xi1>, vector<16xi32>
        %reduce_sum3A_2540 = arith.constant true
        %reduce_sum3A_2541 = vector.broadcast %reduce_sum3A_2540 : i1 to vector<16xi1>
        %reduce_sum3A_2542 = tpu.scan <sum>, %select_n3A_2539 masked %reduce_sum3A_2541 : vector<16xi32>, vector<16xi1> -> vector<16xi32>
        %reduce_sum3A_2543 = vector.extract %reduce_sum3A_2542[15] : i32 from vector<16xi32>
        %shift_right_arithmetic3A_2544 = arith.constant 7 : i32
        %shift_right_arithmetic3A_2545 = arith.shrsi %reduce_sum3A_2543, %shift_right_arithmetic3A_2544 : i32
        %shift_left3A_2546 = arith.constant 7 : i32
        %shift_left3A_2547 = arith.shli %shift_right_arithmetic3A_2545, %shift_left3A_2546 : i32
        %multiple_of3A_2548 = tpu.assume_multiple %shift_left3A_2547, 128 : i32
        %dma_start3A_2549 = arith.constant 1 : i32
        %dma_start3A_2550 = arith.constant 0 : i32
        %dma_start3A_2551 = arith.constant 0 : i32
        %dma_start3A_2552 = tpu.memref_slice %arg6[%dma_start3A_2549, %dma_start3A_2550, %dma_start3A_2551] : memref<16x32x128xf32, #tpu.memory_space<vmem>> -> memref<1x32x128xf32, #tpu.memory_space<vmem>>
        %dma_start3A_2553 = tpu.memref_squeeze %dma_start3A_2552 : memref<1x32x128xf32, #tpu.memory_space<vmem>> -> memref<32x128xf32, #tpu.memory_space<vmem>>
        %dma_start3A_2554 = arith.constant 0 : i32
        %dma_start3A_2555 = tpu.memref_slice %arg3[%dma_start3A_2554, %multiple_of3A_2548] : memref<32x1000001xf32, #tpu.memory_space<hbm>> -> memref<32x128xf32, #tpu.memory_space<hbm>>
        %dma_start3A_2556 = arith.constant 0 : i32
        %dma_start3A_2557 = arith.constant 0 : i32
        %dma_start3A_2558 = tpu.memref_slice %arg6[%dma_start3A_2549, %dma_start3A_2556, %dma_start3A_2557] : memref<16x32x128xf32, #tpu.memory_space<vmem>> -> memref<1x32x128xf32, #tpu.memory_space<vmem>>
        %dma_start3A_2559 = tpu.memref_squeeze %dma_start3A_2558 : memref<1x32x128xf32, #tpu.memory_space<vmem>> -> memref<32x128xf32, #tpu.memory_space<vmem>>
        %dma_start3A_2560 = arith.constant 0 : i32
        %dma_start3A_2561 = tpu.memref_slice %arg3[%dma_start3A_2560, %multiple_of3A_2548] : memref<32x1000001xf32, #tpu.memory_space<hbm>> -> memref<32x128xf32, #tpu.memory_space<hbm>>
        tpu.enqueue_dma source(%dma_start3A_2561 : memref<32x128xf32, #tpu.memory_space<hbm>>) target(%dma_start3A_2559 : memref<32x128xf32, #tpu.memory_space<vmem>>) target_semaphore(%arg8 : memref<!tpu.dma_semaphore, #tpu.memory_space<semaphore_mem>>)
        %jit3A_2562 = arith.constant 2 : i32
        %div3A_2563 = arith.divsi %add3A_2411, %jit3A_2562 : i32
        %sign3A_2564 = arith.constant 0 : i32
        %sign3A_2565 = arith.cmpi sgt, %add3A_2411, %sign3A_2564 : i32
        %sign3A_2566 = arith.extui %sign3A_2565 : i1 to i32
        %sign3A_2567 = arith.constant 0 : i32
        %sign3A_2568 = arith.cmpi slt, %add3A_2411, %sign3A_2567 : i32
        %sign3A_2569 = arith.extui %sign3A_2568 : i1 to i32
        %sign3A_2570 = arith.subi %sign3A_2566, %sign3A_2569 : i32
        %sign3A_2571 = arith.constant 0 : i32
        %sign3A_2572 = arith.cmpi sgt, %jit3A_2562, %sign3A_2571 : i32
        %sign3A_2573 = arith.extui %sign3A_2572 : i1 to i32
        %sign3A_2574 = arith.constant 0 : i32
        %sign3A_2575 = arith.cmpi slt, %jit3A_2562, %sign3A_2574 : i32
        %sign3A_2576 = arith.extui %sign3A_2575 : i1 to i32
        %sign3A_2577 = arith.subi %sign3A_2573, %sign3A_2576 : i32
        %ne3A_2578 = arith.cmpi ne, %sign3A_2570, %sign3A_2577 : i32
        %rem3A_2579 = arith.remsi %add3A_2411, %jit3A_2562 : i32
        %ne3A_2580 = arith.constant 0 : i32
        %ne3A_2581 = arith.cmpi ne, %rem3A_2579, %ne3A_2580 : i32
        %and3A_2582 = arith.andi %ne3A_2578, %ne3A_2581 : i1
        %sub3A_2583 = arith.constant 1 : i32
        %sub3A_2584 = arith.subi %div3A_2563, %sub3A_2583 : i32
        %select_n3A_2585 = arith.select %and3A_2582, %sub3A_2584, %div3A_2563 : i32
        %mul3A_2586 = arith.constant 16 : i32
        %mul3A_2587 = arith.muli %select_n3A_2585, %mul3A_2586 : i32
        %get3A_2588 = arith.index_cast %mul3A_2587 : i32 to index
        %get3A_2589 = tpu.vector_load %arg5[%get3A_2588] {strides = array<i32>} : memref<512xi32, #tpu.memory_space<vmem>>, vector<16xi32>,
        %jit3A_2590 = arith.constant 2 : i32
        %eq3A_2591 = arith.constant 0 : i32
        %eq3A_2592 = arith.cmpi eq, %jit3A_2590, %eq3A_2591 : i32
        %jit3A_2593 = arith.constant 1 : i32
        %select_n3A_2594 = arith.select %eq3A_2592, %jit3A_2593, %jit3A_2590 : i32
        %rem3A_2595 = arith.remsi %add3A_2411, %select_n3A_2594 : i32
        %ne3A_2596 = arith.constant 0 : i32
        %ne3A_2597 = arith.cmpi ne, %rem3A_2595, %ne3A_2596 : i32
        %lt3A_2598 = arith.constant 0 : i32
        %lt3A_2599 = arith.cmpi slt, %rem3A_2595, %lt3A_2598 : i32
        %lt3A_2600 = arith.constant 0 : i32
        %lt3A_2601 = arith.cmpi slt, %select_n3A_2594, %lt3A_2600 : i32
        %ne3A_2602 = arith.xori %lt3A_2599, %lt3A_2601 : i1
        %and3A_2603 = arith.andi %ne3A_2602, %ne3A_2597 : i1
        %add3A_2604 = arith.addi %rem3A_2595, %select_n3A_2594 : i32
        %select_n3A_2605 = arith.select %and3A_2603, %add3A_2604, %rem3A_2595 : i32
        %mul3A_2606 = arith.constant 8 : i32
        %mul3A_2607 = arith.muli %select_n3A_2605, %mul3A_2606 : i32
        %add3A_2608 = arith.constant 2 : i32
        %add3A_2609 = arith.addi %mul3A_2607, %add3A_2608 : i32
        %eq3A_2610 = vector.broadcast %add3A_2609 : i32 to vector<16xi32>
        %eq3A_2611 = arith.cmpi eq, %iota3A, %eq3A_2610 : vector<16xi32>
        %jit3A_2612 = arith.constant 0 : i32
        %broadcast_in_dim3A_2613 = vector.broadcast %jit3A_2612 : i32 to vector<16xi32>
        %select_n3A_2614 = arith.select %eq3A_2611, %get3A_2589, %broadcast_in_dim3A_2613 : vector<16xi1>, vector<16xi32>
        %reduce_sum3A_2615 = arith.constant true
        %reduce_sum3A_2616 = vector.broadcast %reduce_sum3A_2615 : i1 to vector<16xi1>
        %reduce_sum3A_2617 = tpu.scan <sum>, %select_n3A_2614 masked %reduce_sum3A_2616 : vector<16xi32>, vector<16xi1> -> vector<16xi32>
        %reduce_sum3A_2618 = vector.extract %reduce_sum3A_2617[15] : i32 from vector<16xi32>
        %shift_right_arithmetic3A_2619 = arith.constant 7 : i32
        %shift_right_arithmetic3A_2620 = arith.shrsi %reduce_sum3A_2618, %shift_right_arithmetic3A_2619 : i32
        %shift_left3A_2621 = arith.constant 7 : i32
        %shift_left3A_2622 = arith.shli %shift_right_arithmetic3A_2620, %shift_left3A_2621 : i32
        %multiple_of3A_2623 = tpu.assume_multiple %shift_left3A_2622, 128 : i32
        %dma_start3A_2624 = arith.constant 2 : i32
        %dma_start3A_2625 = arith.constant 0 : i32
        %dma_start3A_2626 = arith.constant 0 : i32
        %dma_start3A_2627 = tpu.memref_slice %arg6[%dma_start3A_2624, %dma_start3A_2625, %dma_start3A_2626] : memref<16x32x128xf32, #tpu.memory_space<vmem>> -> memref<1x32x128xf32, #tpu.memory_space<vmem>>
        %dma_start3A_2628 = tpu.memref_squeeze %dma_start3A_2627 : memref<1x32x128xf32, #tpu.memory_space<vmem>> -> memref<32x128xf32, #tpu.memory_space<vmem>>
        %dma_start3A_2629 = arith.constant 0 : i32
        %dma_start3A_2630 = tpu.memref_slice %arg3[%dma_start3A_2629, %multiple_of3A_2623] : memref<32x1000001xf32, #tpu.memory_space<hbm>> -> memref<32x128xf32, #tpu.memory_space<hbm>>
        %dma_start3A_2631 = arith.constant 0 : i32
        %dma_start3A_2632 = arith.constant 0 : i32
        %dma_start3A_2633 = tpu.memref_slice %arg6[%dma_start3A_2624, %dma_start3A_2631, %dma_start3A_2632] : memref<16x32x128xf32, #tpu.memory_space<vmem>> -> memref<1x32x128xf32, #tpu.memory_space<vmem>>
        %dma_start3A_2634 = tpu.memref_squeeze %dma_start3A_2633 : memref<1x32x128xf32, #tpu.memory_space<vmem>> -> memref<32x128xf32, #tpu.memory_space<vmem>>
        %dma_start3A_2635 = arith.constant 0 : i32
        %dma_start3A_2636 = tpu.memref_slice %arg3[%dma_start3A_2635, %multiple_of3A_2623] : memref<32x1000001xf32, #tpu.memory_space<hbm>> -> memref<32x128xf32, #tpu.memory_space<hbm>>
        tpu.enqueue_dma source(%dma_start3A_2636 : memref<32x128xf32, #tpu.memory_space<hbm>>) target(%dma_start3A_2634 : memref<32x128xf32, #tpu.memory_space<vmem>>) target_semaphore(%arg8 : memref<!tpu.dma_semaphore, #tpu.memory_space<semaphore_mem>>)
        %jit3A_2637 = arith.constant 2 : i32
        %div3A_2638 = arith.divsi %add3A_2411, %jit3A_2637 : i32
        %sign3A_2639 = arith.constant 0 : i32
        %sign3A_2640 = arith.cmpi sgt, %add3A_2411, %sign3A_2639 : i32
        %sign3A_2641 = arith.extui %sign3A_2640 : i1 to i32
        %sign3A_2642 = arith.constant 0 : i32
        %sign3A_2643 = arith.cmpi slt, %add3A_2411, %sign3A_2642 : i32
        %sign3A_2644 = arith.extui %sign3A_2643 : i1 to i32
        %sign3A_2645 = arith.subi %sign3A_2641, %sign3A_2644 : i32
        %sign3A_2646 = arith.constant 0 : i32
        %sign3A_2647 = arith.cmpi sgt, %jit3A_2637, %sign3A_2646 : i32
        %sign3A_2648 = arith.extui %sign3A_2647 : i1 to i32
        %sign3A_2649 = arith.constant 0 : i32
        %sign3A_2650 = arith.cmpi slt, %jit3A_2637, %sign3A_2649 : i32
        %sign3A_2651 = arith.extui %sign3A_2650 : i1 to i32
        %sign3A_2652 = arith.subi %sign3A_2648, %sign3A_2651 : i32
        %ne3A_2653 = arith.cmpi ne, %sign3A_2645, %sign3A_2652 : i32
        %rem3A_2654 = arith.remsi %add3A_2411, %jit3A_2637 : i32
        %ne3A_2655 = arith.constant 0 : i32
        %ne3A_2656 = arith.cmpi ne, %rem3A_2654, %ne3A_2655 : i32
        %and3A_2657 = arith.andi %ne3A_2653, %ne3A_2656 : i1
        %sub3A_2658 = arith.constant 1 : i32
        %sub3A_2659 = arith.subi %div3A_2638, %sub3A_2658 : i32
        %select_n3A_2660 = arith.select %and3A_2657, %sub3A_2659, %div3A_2638 : i32
        %mul3A_2661 = arith.constant 16 : i32
        %mul3A_2662 = arith.muli %select_n3A_2660, %mul3A_2661 : i32
        %get3A_2663 = arith.index_cast %mul3A_2662 : i32 to index
        %get3A_2664 = tpu.vector_load %arg5[%get3A_2663] {strides = array<i32>} : memref<512xi32, #tpu.memory_space<vmem>>, vector<16xi32>,
        %jit3A_2665 = arith.constant 2 : i32
        %eq3A_2666 = arith.constant 0 : i32
        %eq3A_2667 = arith.cmpi eq, %jit3A_2665, %eq3A_2666 : i32
        %jit3A_2668 = arith.constant 1 : i32
        %select_n3A_2669 = arith.select %eq3A_2667, %jit3A_2668, %jit3A_2665 : i32
        %rem3A_2670 = arith.remsi %add3A_2411, %select_n3A_2669 : i32
        %ne3A_2671 = arith.constant 0 : i32
        %ne3A_2672 = arith.cmpi ne, %rem3A_2670, %ne3A_2671 : i32
        %lt3A_2673 = arith.constant 0 : i32
        %lt3A_2674 = arith.cmpi slt, %rem3A_2670, %lt3A_2673 : i32
        %lt3A_2675 = arith.constant 0 : i32
        %lt3A_2676 = arith.cmpi slt, %select_n3A_2669, %lt3A_2675 : i32
        %ne3A_2677 = arith.xori %lt3A_2674, %lt3A_2676 : i1
        %and3A_2678 = arith.andi %ne3A_2677, %ne3A_2672 : i1
        %add3A_2679 = arith.addi %rem3A_2670, %select_n3A_2669 : i32
        %select_n3A_2680 = arith.select %and3A_2678, %add3A_2679, %rem3A_2670 : i32
        %mul3A_2681 = arith.constant 8 : i32
        %mul3A_2682 = arith.muli %select_n3A_2680, %mul3A_2681 : i32
        %add3A_2683 = arith.constant 3 : i32
        %add3A_2684 = arith.addi %mul3A_2682, %add3A_2683 : i32
        %eq3A_2685 = vector.broadcast %add3A_2684 : i32 to vector<16xi32>
        %eq3A_2686 = arith.cmpi eq, %iota3A, %eq3A_2685 : vector<16xi32>
        %jit3A_2687 = arith.constant 0 : i32
        %broadcast_in_dim3A_2688 = vector.broadcast %jit3A_2687 : i32 to vector<16xi32>
        %select_n3A_2689 = arith.select %eq3A_2686, %get3A_2664, %broadcast_in_dim3A_2688 : vector<16xi1>, vector<16xi32>
        %reduce_sum3A_2690 = arith.constant true
        %reduce_sum3A_2691 = vector.broadcast %reduce_sum3A_2690 : i1 to vector<16xi1>
        %reduce_sum3A_2692 = tpu.scan <sum>, %select_n3A_2689 masked %reduce_sum3A_2691 : vector<16xi32>, vector<16xi1> -> vector<16xi32>
        %reduce_sum3A_2693 = vector.extract %reduce_sum3A_2692[15] : i32 from vector<16xi32>
        %shift_right_arithmetic3A_2694 = arith.constant 7 : i32
        %shift_right_arithmetic3A_2695 = arith.shrsi %reduce_sum3A_2693, %shift_right_arithmetic3A_2694 : i32
        %shift_left3A_2696 = arith.constant 7 : i32
        %shift_left3A_2697 = arith.shli %shift_right_arithmetic3A_2695, %shift_left3A_2696 : i32
        %multiple_of3A_2698 = tpu.assume_multiple %shift_left3A_2697, 128 : i32
        %dma_start3A_2699 = arith.constant 3 : i32
        %dma_start3A_2700 = arith.constant 0 : i32
        %dma_start3A_2701 = arith.constant 0 : i32
        %dma_start3A_2702 = tpu.memref_slice %arg6[%dma_start3A_2699, %dma_start3A_2700, %dma_start3A_2701] : memref<16x32x128xf32, #tpu.memory_space<vmem>> -> memref<1x32x128xf32, #tpu.memory_space<vmem>>
        %dma_start3A_2703 = tpu.memref_squeeze %dma_start3A_2702 : memref<1x32x128xf32, #tpu.memory_space<vmem>> -> memref<32x128xf32, #tpu.memory_space<vmem>>
        %dma_start3A_2704 = arith.constant 0 : i32
        %dma_start3A_2705 = tpu.memref_slice %arg3[%dma_start3A_2704, %multiple_of3A_2698] : memref<32x1000001xf32, #tpu.memory_space<hbm>> -> memref<32x128xf32, #tpu.memory_space<hbm>>
        %dma_start3A_2706 = arith.constant 0 : i32
        %dma_start3A_2707 = arith.constant 0 : i32
        %dma_start3A_2708 = tpu.memref_slice %arg6[%dma_start3A_2699, %dma_start3A_2706, %dma_start3A_2707] : memref<16x32x128xf32, #tpu.memory_space<vmem>> -> memref<1x32x128xf32, #tpu.memory_space<vmem>>
        %dma_start3A_2709 = tpu.memref_squeeze %dma_start3A_2708 : memref<1x32x128xf32, #tpu.memory_space<vmem>> -> memref<32x128xf32, #tpu.memory_space<vmem>>
        %dma_start3A_2710 = arith.constant 0 : i32
        %dma_start3A_2711 = tpu.memref_slice %arg3[%dma_start3A_2710, %multiple_of3A_2698] : memref<32x1000001xf32, #tpu.memory_space<hbm>> -> memref<32x128xf32, #tpu.memory_space<hbm>>
        tpu.enqueue_dma source(%dma_start3A_2711 : memref<32x128xf32, #tpu.memory_space<hbm>>) target(%dma_start3A_2709 : memref<32x128xf32, #tpu.memory_space<vmem>>) target_semaphore(%arg8 : memref<!tpu.dma_semaphore, #tpu.memory_space<semaphore_mem>>)
        %jit3A_2712 = arith.constant 2 : i32
        %div3A_2713 = arith.divsi %add3A_2411, %jit3A_2712 : i32
        %sign3A_2714 = arith.constant 0 : i32
        %sign3A_2715 = arith.cmpi sgt, %add3A_2411, %sign3A_2714 : i32
        %sign3A_2716 = arith.extui %sign3A_2715 : i1 to i32
        %sign3A_2717 = arith.constant 0 : i32
        %sign3A_2718 = arith.cmpi slt, %add3A_2411, %sign3A_2717 : i32
        %sign3A_2719 = arith.extui %sign3A_2718 : i1 to i32
        %sign3A_2720 = arith.subi %sign3A_2716, %sign3A_2719 : i32
        %sign3A_2721 = arith.constant 0 : i32
        %sign3A_2722 = arith.cmpi sgt, %jit3A_2712, %sign3A_2721 : i32
        %sign3A_2723 = arith.extui %sign3A_2722 : i1 to i32
        %sign3A_2724 = arith.constant 0 : i32
        %sign3A_2725 = arith.cmpi slt, %jit3A_2712, %sign3A_2724 : i32
        %sign3A_2726 = arith.extui %sign3A_2725 : i1 to i32
        %sign3A_2727 = arith.subi %sign3A_2723, %sign3A_2726 : i32
        %ne3A_2728 = arith.cmpi ne, %sign3A_2720, %sign3A_2727 : i32
        %rem3A_2729 = arith.remsi %add3A_2411, %jit3A_2712 : i32
        %ne3A_2730 = arith.constant 0 : i32
        %ne3A_2731 = arith.cmpi ne, %rem3A_2729, %ne3A_2730 : i32
        %and3A_2732 = arith.andi %ne3A_2728, %ne3A_2731 : i1
        %sub3A_2733 = arith.constant 1 : i32
        %sub3A_2734 = arith.subi %div3A_2713, %sub3A_2733 : i32
        %select_n3A_2735 = arith.select %and3A_2732, %sub3A_2734, %div3A_2713 : i32
        %mul3A_2736 = arith.constant 16 : i32
        %mul3A_2737 = arith.muli %select_n3A_2735, %mul3A_2736 : i32
        %get3A_2738 = arith.index_cast %mul3A_2737 : i32 to index
        %get3A_2739 = tpu.vector_load %arg5[%get3A_2738] {strides = array<i32>} : memref<512xi32, #tpu.memory_space<vmem>>, vector<16xi32>,
        %jit3A_2740 = arith.constant 2 : i32
        %eq3A_2741 = arith.constant 0 : i32
        %eq3A_2742 = arith.cmpi eq, %jit3A_2740, %eq3A_2741 : i32
        %jit3A_2743 = arith.constant 1 : i32
        %select_n3A_2744 = arith.select %eq3A_2742, %jit3A_2743, %jit3A_2740 : i32
        %rem3A_2745 = arith.remsi %add3A_2411, %select_n3A_2744 : i32
        %ne3A_2746 = arith.constant 0 : i32
        %ne3A_2747 = arith.cmpi ne, %rem3A_2745, %ne3A_2746 : i32
        %lt3A_2748 = arith.constant 0 : i32
        %lt3A_2749 = arith.cmpi slt, %rem3A_2745, %lt3A_2748 : i32
        %lt3A_2750 = arith.constant 0 : i32
        %lt3A_2751 = arith.cmpi slt, %select_n3A_2744, %lt3A_2750 : i32
        %ne3A_2752 = arith.xori %lt3A_2749, %lt3A_2751 : i1
        %and3A_2753 = arith.andi %ne3A_2752, %ne3A_2747 : i1
        %add3A_2754 = arith.addi %rem3A_2745, %select_n3A_2744 : i32
        %select_n3A_2755 = arith.select %and3A_2753, %add3A_2754, %rem3A_2745 : i32
        %mul3A_2756 = arith.constant 8 : i32
        %mul3A_2757 = arith.muli %select_n3A_2755, %mul3A_2756 : i32
        %add3A_2758 = arith.constant 4 : i32
        %add3A_2759 = arith.addi %mul3A_2757, %add3A_2758 : i32
        %eq3A_2760 = vector.broadcast %add3A_2759 : i32 to vector<16xi32>
        %eq3A_2761 = arith.cmpi eq, %iota3A, %eq3A_2760 : vector<16xi32>
        %jit3A_2762 = arith.constant 0 : i32
        %broadcast_in_dim3A_2763 = vector.broadcast %jit3A_2762 : i32 to vector<16xi32>
        %select_n3A_2764 = arith.select %eq3A_2761, %get3A_2739, %broadcast_in_dim3A_2763 : vector<16xi1>, vector<16xi32>
        %reduce_sum3A_2765 = arith.constant true
        %reduce_sum3A_2766 = vector.broadcast %reduce_sum3A_2765 : i1 to vector<16xi1>
        %reduce_sum3A_2767 = tpu.scan <sum>, %select_n3A_2764 masked %reduce_sum3A_2766 : vector<16xi32>, vector<16xi1> -> vector<16xi32>
        %reduce_sum3A_2768 = vector.extract %reduce_sum3A_2767[15] : i32 from vector<16xi32>
        %shift_right_arithmetic3A_2769 = arith.constant 7 : i32
        %shift_right_arithmetic3A_2770 = arith.shrsi %reduce_sum3A_2768, %shift_right_arithmetic3A_2769 : i32
        %shift_left3A_2771 = arith.constant 7 : i32
        %shift_left3A_2772 = arith.shli %shift_right_arithmetic3A_2770, %shift_left3A_2771 : i32
        %multiple_of3A_2773 = tpu.assume_multiple %shift_left3A_2772, 128 : i32
        %dma_start3A_2774 = arith.constant 4 : i32
        %dma_start3A_2775 = arith.constant 0 : i32
        %dma_start3A_2776 = arith.constant 0 : i32
        %dma_start3A_2777 = tpu.memref_slice %arg6[%dma_start3A_2774, %dma_start3A_2775, %dma_start3A_2776] : memref<16x32x128xf32, #tpu.memory_space<vmem>> -> memref<1x32x128xf32, #tpu.memory_space<vmem>>
        %dma_start3A_2778 = tpu.memref_squeeze %dma_start3A_2777 : memref<1x32x128xf32, #tpu.memory_space<vmem>> -> memref<32x128xf32, #tpu.memory_space<vmem>>
        %dma_start3A_2779 = arith.constant 0 : i32
        %dma_start3A_2780 = tpu.memref_slice %arg3[%dma_start3A_2779, %multiple_of3A_2773] : memref<32x1000001xf32, #tpu.memory_space<hbm>> -> memref<32x128xf32, #tpu.memory_space<hbm>>
        %dma_start3A_2781 = arith.constant 0 : i32
        %dma_start3A_2782 = arith.constant 0 : i32
        %dma_start3A_2783 = tpu.memref_slice %arg6[%dma_start3A_2774, %dma_start3A_2781, %dma_start3A_2782] : memref<16x32x128xf32, #tpu.memory_space<vmem>> -> memref<1x32x128xf32, #tpu.memory_space<vmem>>
        %dma_start3A_2784 = tpu.memref_squeeze %dma_start3A_2783 : memref<1x32x128xf32, #tpu.memory_space<vmem>> -> memref<32x128xf32, #tpu.memory_space<vmem>>
        %dma_start3A_2785 = arith.constant 0 : i32
        %dma_start3A_2786 = tpu.memref_slice %arg3[%dma_start3A_2785, %multiple_of3A_2773] : memref<32x1000001xf32, #tpu.memory_space<hbm>> -> memref<32x128xf32, #tpu.memory_space<hbm>>
        tpu.enqueue_dma source(%dma_start3A_2786 : memref<32x128xf32, #tpu.memory_space<hbm>>) target(%dma_start3A_2784 : memref<32x128xf32, #tpu.memory_space<vmem>>) target_semaphore(%arg8 : memref<!tpu.dma_semaphore, #tpu.memory_space<semaphore_mem>>)
        %jit3A_2787 = arith.constant 2 : i32
        %div3A_2788 = arith.divsi %add3A_2411, %jit3A_2787 : i32
        %sign3A_2789 = arith.constant 0 : i32
        %sign3A_2790 = arith.cmpi sgt, %add3A_2411, %sign3A_2789 : i32
        %sign3A_2791 = arith.extui %sign3A_2790 : i1 to i32
        %sign3A_2792 = arith.constant 0 : i32
        %sign3A_2793 = arith.cmpi slt, %add3A_2411, %sign3A_2792 : i32
        %sign3A_2794 = arith.extui %sign3A_2793 : i1 to i32
        %sign3A_2795 = arith.subi %sign3A_2791, %sign3A_2794 : i32
        %sign3A_2796 = arith.constant 0 : i32
        %sign3A_2797 = arith.cmpi sgt, %jit3A_2787, %sign3A_2796 : i32
        %sign3A_2798 = arith.extui %sign3A_2797 : i1 to i32
        %sign3A_2799 = arith.constant 0 : i32
        %sign3A_2800 = arith.cmpi slt, %jit3A_2787, %sign3A_2799 : i32
        %sign3A_2801 = arith.extui %sign3A_2800 : i1 to i32
        %sign3A_2802 = arith.subi %sign3A_2798, %sign3A_2801 : i32
        %ne3A_2803 = arith.cmpi ne, %sign3A_2795, %sign3A_2802 : i32
        %rem3A_2804 = arith.remsi %add3A_2411, %jit3A_2787 : i32
        %ne3A_2805 = arith.constant 0 : i32
        %ne3A_2806 = arith.cmpi ne, %rem3A_2804, %ne3A_2805 : i32
        %and3A_2807 = arith.andi %ne3A_2803, %ne3A_2806 : i1
        %sub3A_2808 = arith.constant 1 : i32
        %sub3A_2809 = arith.subi %div3A_2788, %sub3A_2808 : i32
        %select_n3A_2810 = arith.select %and3A_2807, %sub3A_2809, %div3A_2788 : i32
        %mul3A_2811 = arith.constant 16 : i32
        %mul3A_2812 = arith.muli %select_n3A_2810, %mul3A_2811 : i32
        %get3A_2813 = arith.index_cast %mul3A_2812 : i32 to index
        %get3A_2814 = tpu.vector_load %arg5[%get3A_2813] {strides = array<i32>} : memref<512xi32, #tpu.memory_space<vmem>>, vector<16xi32>,
        %jit3A_2815 = arith.constant 2 : i32
        %eq3A_2816 = arith.constant 0 : i32
        %eq3A_2817 = arith.cmpi eq, %jit3A_2815, %eq3A_2816 : i32
        %jit3A_2818 = arith.constant 1 : i32
        %select_n3A_2819 = arith.select %eq3A_2817, %jit3A_2818, %jit3A_2815 : i32
        %rem3A_2820 = arith.remsi %add3A_2411, %select_n3A_2819 : i32
        %ne3A_2821 = arith.constant 0 : i32
        %ne3A_2822 = arith.cmpi ne, %rem3A_2820, %ne3A_2821 : i32
        %lt3A_2823 = arith.constant 0 : i32
        %lt3A_2824 = arith.cmpi slt, %rem3A_2820, %lt3A_2823 : i32
        %lt3A_2825 = arith.constant 0 : i32
        %lt3A_2826 = arith.cmpi slt, %select_n3A_2819, %lt3A_2825 : i32
        %ne3A_2827 = arith.xori %lt3A_2824, %lt3A_2826 : i1
        %and3A_2828 = arith.andi %ne3A_2827, %ne3A_2822 : i1
        %add3A_2829 = arith.addi %rem3A_2820, %select_n3A_2819 : i32
        %select_n3A_2830 = arith.select %and3A_2828, %add3A_2829, %rem3A_2820 : i32
        %mul3A_2831 = arith.constant 8 : i32
        %mul3A_2832 = arith.muli %select_n3A_2830, %mul3A_2831 : i32
        %add3A_2833 = arith.constant 5 : i32
        %add3A_2834 = arith.addi %mul3A_2832, %add3A_2833 : i32
        %eq3A_2835 = vector.broadcast %add3A_2834 : i32 to vector<16xi32>
        %eq3A_2836 = arith.cmpi eq, %iota3A, %eq3A_2835 : vector<16xi32>
        %jit3A_2837 = arith.constant 0 : i32
        %broadcast_in_dim3A_2838 = vector.broadcast %jit3A_2837 : i32 to vector<16xi32>
        %select_n3A_2839 = arith.select %eq3A_2836, %get3A_2814, %broadcast_in_dim3A_2838 : vector<16xi1>, vector<16xi32>
        %reduce_sum3A_2840 = arith.constant true
        %reduce_sum3A_2841 = vector.broadcast %reduce_sum3A_2840 : i1 to vector<16xi1>
        %reduce_sum3A_2842 = tpu.scan <sum>, %select_n3A_2839 masked %reduce_sum3A_2841 : vector<16xi32>, vector<16xi1> -> vector<16xi32>
        %reduce_sum3A_2843 = vector.extract %reduce_sum3A_2842[15] : i32 from vector<16xi32>
        %shift_right_arithmetic3A_2844 = arith.constant 7 : i32
        %shift_right_arithmetic3A_2845 = arith.shrsi %reduce_sum3A_2843, %shift_right_arithmetic3A_2844 : i32
        %shift_left3A_2846 = arith.constant 7 : i32
        %shift_left3A_2847 = arith.shli %shift_right_arithmetic3A_2845, %shift_left3A_2846 : i32
        %multiple_of3A_2848 = tpu.assume_multiple %shift_left3A_2847, 128 : i32
        %dma_start3A_2849 = arith.constant 5 : i32
        %dma_start3A_2850 = arith.constant 0 : i32
        %dma_start3A_2851 = arith.constant 0 : i32
        %dma_start3A_2852 = tpu.memref_slice %arg6[%dma_start3A_2849, %dma_start3A_2850, %dma_start3A_2851] : memref<16x32x128xf32, #tpu.memory_space<vmem>> -> memref<1x32x128xf32, #tpu.memory_space<vmem>>
        %dma_start3A_2853 = tpu.memref_squeeze %dma_start3A_2852 : memref<1x32x128xf32, #tpu.memory_space<vmem>> -> memref<32x128xf32, #tpu.memory_space<vmem>>
        %dma_start3A_2854 = arith.constant 0 : i32
        %dma_start3A_2855 = tpu.memref_slice %arg3[%dma_start3A_2854, %multiple_of3A_2848] : memref<32x1000001xf32, #tpu.memory_space<hbm>> -> memref<32x128xf32, #tpu.memory_space<hbm>>
        %dma_start3A_2856 = arith.constant 0 : i32
        %dma_start3A_2857 = arith.constant 0 : i32
        %dma_start3A_2858 = tpu.memref_slice %arg6[%dma_start3A_2849, %dma_start3A_2856, %dma_start3A_2857] : memref<16x32x128xf32, #tpu.memory_space<vmem>> -> memref<1x32x128xf32, #tpu.memory_space<vmem>>
        %dma_start3A_2859 = tpu.memref_squeeze %dma_start3A_2858 : memref<1x32x128xf32, #tpu.memory_space<vmem>> -> memref<32x128xf32, #tpu.memory_space<vmem>>
        %dma_start3A_2860 = arith.constant 0 : i32
        %dma_start3A_2861 = tpu.memref_slice %arg3[%dma_start3A_2860, %multiple_of3A_2848] : memref<32x1000001xf32, #tpu.memory_space<hbm>> -> memref<32x128xf32, #tpu.memory_space<hbm>>
        tpu.enqueue_dma source(%dma_start3A_2861 : memref<32x128xf32, #tpu.memory_space<hbm>>) target(%dma_start3A_2859 : memref<32x128xf32, #tpu.memory_space<vmem>>) target_semaphore(%arg8 : memref<!tpu.dma_semaphore, #tpu.memory_space<semaphore_mem>>)
        %jit3A_2862 = arith.constant 2 : i32
        %div3A_2863 = arith.divsi %add3A_2411, %jit3A_2862 : i32
        %sign3A_2864 = arith.constant 0 : i32
        %sign3A_2865 = arith.cmpi sgt, %add3A_2411, %sign3A_2864 : i32
        %sign3A_2866 = arith.extui %sign3A_2865 : i1 to i32
        %sign3A_2867 = arith.constant 0 : i32
        %sign3A_2868 = arith.cmpi slt, %add3A_2411, %sign3A_2867 : i32
        %sign3A_2869 = arith.extui %sign3A_2868 : i1 to i32
        %sign3A_2870 = arith.subi %sign3A_2866, %sign3A_2869 : i32
        %sign3A_2871 = arith.constant 0 : i32
        %sign3A_2872 = arith.cmpi sgt, %jit3A_2862, %sign3A_2871 : i32
        %sign3A_2873 = arith.extui %sign3A_2872 : i1 to i32
        %sign3A_2874 = arith.constant 0 : i32
        %sign3A_2875 = arith.cmpi slt, %jit3A_2862, %sign3A_2874 : i32
        %sign3A_2876 = arith.extui %sign3A_2875 : i1 to i32
        %sign3A_2877 = arith.subi %sign3A_2873, %sign3A_2876 : i32
        %ne3A_2878 = arith.cmpi ne, %sign3A_2870, %sign3A_2877 : i32
        %rem3A_2879 = arith.remsi %add3A_2411, %jit3A_2862 : i32
        %ne3A_2880 = arith.constant 0 : i32
        %ne3A_2881 = arith.cmpi ne, %rem3A_2879, %ne3A_2880 : i32
        %and3A_2882 = arith.andi %ne3A_2878, %ne3A_2881 : i1
        %sub3A_2883 = arith.constant 1 : i32
        %sub3A_2884 = arith.subi %div3A_2863, %sub3A_2883 : i32
        %select_n3A_2885 = arith.select %and3A_2882, %sub3A_2884, %div3A_2863 : i32
        %mul3A_2886 = arith.constant 16 : i32
        %mul3A_2887 = arith.muli %select_n3A_2885, %mul3A_2886 : i32
        %get3A_2888 = arith.index_cast %mul3A_2887 : i32 to index
        %get3A_2889 = tpu.vector_load %arg5[%get3A_2888] {strides = array<i32>} : memref<512xi32, #tpu.memory_space<vmem>>, vector<16xi32>,
        %jit3A_2890 = arith.constant 2 : i32
        %eq3A_2891 = arith.constant 0 : i32
        %eq3A_2892 = arith.cmpi eq, %jit3A_2890, %eq3A_2891 : i32
        %jit3A_2893 = arith.constant 1 : i32
        %select_n3A_2894 = arith.select %eq3A_2892, %jit3A_2893, %jit3A_2890 : i32
        %rem3A_2895 = arith.remsi %add3A_2411, %select_n3A_2894 : i32
        %ne3A_2896 = arith.constant 0 : i32
        %ne3A_2897 = arith.cmpi ne, %rem3A_2895, %ne3A_2896 : i32
        %lt3A_2898 = arith.constant 0 : i32
        %lt3A_2899 = arith.cmpi slt, %rem3A_2895, %lt3A_2898 : i32
        %lt3A_2900 = arith.constant 0 : i32
        %lt3A_2901 = arith.cmpi slt, %select_n3A_2894, %lt3A_2900 : i32
        %ne3A_2902 = arith.xori %lt3A_2899, %lt3A_2901 : i1
        %and3A_2903 = arith.andi %ne3A_2902, %ne3A_2897 : i1
        %add3A_2904 = arith.addi %rem3A_2895, %select_n3A_2894 : i32
        %select_n3A_2905 = arith.select %and3A_2903, %add3A_2904, %rem3A_2895 : i32
        %mul3A_2906 = arith.constant 8 : i32
        %mul3A_2907 = arith.muli %select_n3A_2905, %mul3A_2906 : i32
        %add3A_2908 = arith.constant 6 : i32
        %add3A_2909 = arith.addi %mul3A_2907, %add3A_2908 : i32
        %eq3A_2910 = vector.broadcast %add3A_2909 : i32 to vector<16xi32>
        %eq3A_2911 = arith.cmpi eq, %iota3A, %eq3A_2910 : vector<16xi32>
        %jit3A_2912 = arith.constant 0 : i32
        %broadcast_in_dim3A_2913 = vector.broadcast %jit3A_2912 : i32 to vector<16xi32>
        %select_n3A_2914 = arith.select %eq3A_2911, %get3A_2889, %broadcast_in_dim3A_2913 : vector<16xi1>, vector<16xi32>
        %reduce_sum3A_2915 = arith.constant true
        %reduce_sum3A_2916 = vector.broadcast %reduce_sum3A_2915 : i1 to vector<16xi1>
        %reduce_sum3A_2917 = tpu.scan <sum>, %select_n3A_2914 masked %reduce_sum3A_2916 : vector<16xi32>, vector<16xi1> -> vector<16xi32>
        %reduce_sum3A_2918 = vector.extract %reduce_sum3A_2917[15] : i32 from vector<16xi32>
        %shift_right_arithmetic3A_2919 = arith.constant 7 : i32
        %shift_right_arithmetic3A_2920 = arith.shrsi %reduce_sum3A_2918, %shift_right_arithmetic3A_2919 : i32
        %shift_left3A_2921 = arith.constant 7 : i32
        %shift_left3A_2922 = arith.shli %shift_right_arithmetic3A_2920, %shift_left3A_2921 : i32
        %multiple_of3A_2923 = tpu.assume_multiple %shift_left3A_2922, 128 : i32
        %dma_start3A_2924 = arith.constant 6 : i32
        %dma_start3A_2925 = arith.constant 0 : i32
        %dma_start3A_2926 = arith.constant 0 : i32
        %dma_start3A_2927 = tpu.memref_slice %arg6[%dma_start3A_2924, %dma_start3A_2925, %dma_start3A_2926] : memref<16x32x128xf32, #tpu.memory_space<vmem>> -> memref<1x32x128xf32, #tpu.memory_space<vmem>>
        %dma_start3A_2928 = tpu.memref_squeeze %dma_start3A_2927 : memref<1x32x128xf32, #tpu.memory_space<vmem>> -> memref<32x128xf32, #tpu.memory_space<vmem>>
        %dma_start3A_2929 = arith.constant 0 : i32
        %dma_start3A_2930 = tpu.memref_slice %arg3[%dma_start3A_2929, %multiple_of3A_2923] : memref<32x1000001xf32, #tpu.memory_space<hbm>> -> memref<32x128xf32, #tpu.memory_space<hbm>>
        %dma_start3A_2931 = arith.constant 0 : i32
        %dma_start3A_2932 = arith.constant 0 : i32
        %dma_start3A_2933 = tpu.memref_slice %arg6[%dma_start3A_2924, %dma_start3A_2931, %dma_start3A_2932] : memref<16x32x128xf32, #tpu.memory_space<vmem>> -> memref<1x32x128xf32, #tpu.memory_space<vmem>>
        %dma_start3A_2934 = tpu.memref_squeeze %dma_start3A_2933 : memref<1x32x128xf32, #tpu.memory_space<vmem>> -> memref<32x128xf32, #tpu.memory_space<vmem>>
        %dma_start3A_2935 = arith.constant 0 : i32
        %dma_start3A_2936 = tpu.memref_slice %arg3[%dma_start3A_2935, %multiple_of3A_2923] : memref<32x1000001xf32, #tpu.memory_space<hbm>> -> memref<32x128xf32, #tpu.memory_space<hbm>>
        tpu.enqueue_dma source(%dma_start3A_2936 : memref<32x128xf32, #tpu.memory_space<hbm>>) target(%dma_start3A_2934 : memref<32x128xf32, #tpu.memory_space<vmem>>) target_semaphore(%arg8 : memref<!tpu.dma_semaphore, #tpu.memory_space<semaphore_mem>>)
        %jit3A_2937 = arith.constant 2 : i32
        %div3A_2938 = arith.divsi %add3A_2411, %jit3A_2937 : i32
        %sign3A_2939 = arith.constant 0 : i32
        %sign3A_2940 = arith.cmpi sgt, %add3A_2411, %sign3A_2939 : i32
        %sign3A_2941 = arith.extui %sign3A_2940 : i1 to i32
        %sign3A_2942 = arith.constant 0 : i32
        %sign3A_2943 = arith.cmpi slt, %add3A_2411, %sign3A_2942 : i32
        %sign3A_2944 = arith.extui %sign3A_2943 : i1 to i32
        %sign3A_2945 = arith.subi %sign3A_2941, %sign3A_2944 : i32
        %sign3A_2946 = arith.constant 0 : i32
        %sign3A_2947 = arith.cmpi sgt, %jit3A_2937, %sign3A_2946 : i32
        %sign3A_2948 = arith.extui %sign3A_2947 : i1 to i32
        %sign3A_2949 = arith.constant 0 : i32
        %sign3A_2950 = arith.cmpi slt, %jit3A_2937, %sign3A_2949 : i32
        %sign3A_2951 = arith.extui %sign3A_2950 : i1 to i32
        %sign3A_2952 = arith.subi %sign3A_2948, %sign3A_2951 : i32
        %ne3A_2953 = arith.cmpi ne, %sign3A_2945, %sign3A_2952 : i32
        %rem3A_2954 = arith.remsi %add3A_2411, %jit3A_2937 : i32
        %ne3A_2955 = arith.constant 0 : i32
        %ne3A_2956 = arith.cmpi ne, %rem3A_2954, %ne3A_2955 : i32
        %and3A_2957 = arith.andi %ne3A_2953, %ne3A_2956 : i1
        %sub3A_2958 = arith.constant 1 : i32
        %sub3A_2959 = arith.subi %div3A_2938, %sub3A_2958 : i32
        %select_n3A_2960 = arith.select %and3A_2957, %sub3A_2959, %div3A_2938 : i32
        %mul3A_2961 = arith.constant 16 : i32
        %mul3A_2962 = arith.muli %select_n3A_2960, %mul3A_2961 : i32
        %get3A_2963 = arith.index_cast %mul3A_2962 : i32 to index
        %get3A_2964 = tpu.vector_load %arg5[%get3A_2963] {strides = array<i32>} : memref<512xi32, #tpu.memory_space<vmem>>, vector<16xi32>,
        %jit3A_2965 = arith.constant 2 : i32
        %eq3A_2966 = arith.constant 0 : i32
        %eq3A_2967 = arith.cmpi eq, %jit3A_2965, %eq3A_2966 : i32
        %jit3A_2968 = arith.constant 1 : i32
        %select_n3A_2969 = arith.select %eq3A_2967, %jit3A_2968, %jit3A_2965 : i32
        %rem3A_2970 = arith.remsi %add3A_2411, %select_n3A_2969 : i32
        %ne3A_2971 = arith.constant 0 : i32
        %ne3A_2972 = arith.cmpi ne, %rem3A_2970, %ne3A_2971 : i32
        %lt3A_2973 = arith.constant 0 : i32
        %lt3A_2974 = arith.cmpi slt, %rem3A_2970, %lt3A_2973 : i32
        %lt3A_2975 = arith.constant 0 : i32
        %lt3A_2976 = arith.cmpi slt, %select_n3A_2969, %lt3A_2975 : i32
        %ne3A_2977 = arith.xori %lt3A_2974, %lt3A_2976 : i1
        %and3A_2978 = arith.andi %ne3A_2977, %ne3A_2972 : i1
        %add3A_2979 = arith.addi %rem3A_2970, %select_n3A_2969 : i32
        %select_n3A_2980 = arith.select %and3A_2978, %add3A_2979, %rem3A_2970 : i32
        %mul3A_2981 = arith.constant 8 : i32
        %mul3A_2982 = arith.muli %select_n3A_2980, %mul3A_2981 : i32
        %add3A_2983 = arith.constant 7 : i32
        %add3A_2984 = arith.addi %mul3A_2982, %add3A_2983 : i32
        %eq3A_2985 = vector.broadcast %add3A_2984 : i32 to vector<16xi32>
        %eq3A_2986 = arith.cmpi eq, %iota3A, %eq3A_2985 : vector<16xi32>
        %jit3A_2987 = arith.constant 0 : i32
        %broadcast_in_dim3A_2988 = vector.broadcast %jit3A_2987 : i32 to vector<16xi32>
        %select_n3A_2989 = arith.select %eq3A_2986, %get3A_2964, %broadcast_in_dim3A_2988 : vector<16xi1>, vector<16xi32>
        %reduce_sum3A_2990 = arith.constant true
        %reduce_sum3A_2991 = vector.broadcast %reduce_sum3A_2990 : i1 to vector<16xi1>
        %reduce_sum3A_2992 = tpu.scan <sum>, %select_n3A_2989 masked %reduce_sum3A_2991 : vector<16xi32>, vector<16xi1> -> vector<16xi32>
        %reduce_sum3A_2993 = vector.extract %reduce_sum3A_2992[15] : i32 from vector<16xi32>
        %shift_right_arithmetic3A_2994 = arith.constant 7 : i32
        %shift_right_arithmetic3A_2995 = arith.shrsi %reduce_sum3A_2993, %shift_right_arithmetic3A_2994 : i32
        %shift_left3A_2996 = arith.constant 7 : i32
        %shift_left3A_2997 = arith.shli %shift_right_arithmetic3A_2995, %shift_left3A_2996 : i32
        %multiple_of3A_2998 = tpu.assume_multiple %shift_left3A_2997, 128 : i32
        %dma_start3A_2999 = arith.constant 7 : i32
        %dma_start3A_3000 = arith.constant 0 : i32
        %dma_start3A_3001 = arith.constant 0 : i32
        %dma_start3A_3002 = tpu.memref_slice %arg6[%dma_start3A_2999, %dma_start3A_3000, %dma_start3A_3001] : memref<16x32x128xf32, #tpu.memory_space<vmem>> -> memref<1x32x128xf32, #tpu.memory_space<vmem>>
        %dma_start3A_3003 = tpu.memref_squeeze %dma_start3A_3002 : memref<1x32x128xf32, #tpu.memory_space<vmem>> -> memref<32x128xf32, #tpu.memory_space<vmem>>
        %dma_start3A_3004 = arith.constant 0 : i32
        %dma_start3A_3005 = tpu.memref_slice %arg3[%dma_start3A_3004, %multiple_of3A_2998] : memref<32x1000001xf32, #tpu.memory_space<hbm>> -> memref<32x128xf32, #tpu.memory_space<hbm>>
        %dma_start3A_3006 = arith.constant 0 : i32
        %dma_start3A_3007 = arith.constant 0 : i32
        %dma_start3A_3008 = tpu.memref_slice %arg6[%dma_start3A_2999, %dma_start3A_3006, %dma_start3A_3007] : memref<16x32x128xf32, #tpu.memory_space<vmem>> -> memref<1x32x128xf32, #tpu.memory_space<vmem>>
        %dma_start3A_3009 = tpu.memref_squeeze %dma_start3A_3008 : memref<1x32x128xf32, #tpu.memory_space<vmem>> -> memref<32x128xf32, #tpu.memory_space<vmem>>
        %dma_start3A_3010 = arith.constant 0 : i32
        %dma_start3A_3011 = tpu.memref_slice %arg3[%dma_start3A_3010, %multiple_of3A_2998] : memref<32x1000001xf32, #tpu.memory_space<hbm>> -> memref<32x128xf32, #tpu.memory_space<hbm>>
        tpu.enqueue_dma source(%dma_start3A_3011 : memref<32x128xf32, #tpu.memory_space<hbm>>) target(%dma_start3A_3009 : memref<32x128xf32, #tpu.memory_space<vmem>>) target_semaphore(%arg8 : memref<!tpu.dma_semaphore, #tpu.memory_space<semaphore_mem>>)
      } else {
      }
      %dma_wait3A_1626 = arith.constant 8 : i32
      %dma_wait3A_1627 = arith.constant 0 : i32
      %dma_wait3A_1628 = arith.constant 0 : i32
      %dma_wait3A_1629 = tpu.memref_slice %arg6[%dma_wait3A_1626, %dma_wait3A_1627, %dma_wait3A_1628] : memref<16x32x128xf32, #tpu.memory_space<vmem>> -> memref<1x32x128xf32, #tpu.memory_space<vmem>>
      %dma_wait3A_1630 = tpu.memref_squeeze %dma_wait3A_1629 : memref<1x32x128xf32, #tpu.memory_space<vmem>> -> memref<32x128xf32, #tpu.memory_space<vmem>>
      %dma_wait3A_1631 = arith.constant 0 : i32
      %dma_wait3A_1632 = arith.constant 0 : i32
      %dma_wait3A_1633 = tpu.memref_slice %arg3[%dma_wait3A_1631, %dma_wait3A_1632] : memref<32x1000001xf32, #tpu.memory_space<hbm>> -> memref<32x128xf32, #tpu.memory_space<hbm>>
      %dma_wait3A_1634 = arith.constant 0 : i32
      %dma_wait3A_1635 = arith.constant 0 : i32
      %dma_wait3A_1636 = tpu.memref_slice %arg6[%dma_wait3A_1626, %dma_wait3A_1634, %dma_wait3A_1635] : memref<16x32x128xf32, #tpu.memory_space<vmem>> -> memref<1x32x128xf32, #tpu.memory_space<vmem>>
      %dma_wait3A_1637 = tpu.memref_squeeze %dma_wait3A_1636 : memref<1x32x128xf32, #tpu.memory_space<vmem>> -> memref<32x128xf32, #tpu.memory_space<vmem>>
      %dma_wait3A_1638 = arith.constant 0 : i32
      %dma_wait3A_1639 = arith.constant 0 : i32
      %dma_wait3A_1640 = tpu.memref_slice %arg3[%dma_wait3A_1638, %dma_wait3A_1639] : memref<32x1000001xf32, #tpu.memory_space<hbm>> -> memref<32x128xf32, #tpu.memory_space<hbm>>
      tpu.wait_dma2 semaphore(%arg9 : memref<!tpu.dma_semaphore, #tpu.memory_space<semaphore_mem>>) src(%dma_wait3A_1640 : memref<32x128xf32, #tpu.memory_space<hbm>>) dst(%dma_wait3A_1637 : memref<32x128xf32, #tpu.memory_space<vmem>>)
      %dma_wait3A_1641 = arith.constant 9 : i32
      %dma_wait3A_1642 = arith.constant 0 : i32
      %dma_wait3A_1643 = arith.constant 0 : i32
      %dma_wait3A_1644 = tpu.memref_slice %arg6[%dma_wait3A_1641, %dma_wait3A_1642, %dma_wait3A_1643] : memref<16x32x128xf32, #tpu.memory_space<vmem>> -> memref<1x32x128xf32, #tpu.memory_space<vmem>>
      %dma_wait3A_1645 = tpu.memref_squeeze %dma_wait3A_1644 : memref<1x32x128xf32, #tpu.memory_space<vmem>> -> memref<32x128xf32, #tpu.memory_space<vmem>>
      %dma_wait3A_1646 = arith.constant 0 : i32
      %dma_wait3A_1647 = arith.constant 0 : i32
      %dma_wait3A_1648 = tpu.memref_slice %arg3[%dma_wait3A_1646, %dma_wait3A_1647] : memref<32x1000001xf32, #tpu.memory_space<hbm>> -> memref<32x128xf32, #tpu.memory_space<hbm>>
      %dma_wait3A_1649 = arith.constant 0 : i32
      %dma_wait3A_1650 = arith.constant 0 : i32
      %dma_wait3A_1651 = tpu.memref_slice %arg6[%dma_wait3A_1641, %dma_wait3A_1649, %dma_wait3A_1650] : memref<16x32x128xf32, #tpu.memory_space<vmem>> -> memref<1x32x128xf32, #tpu.memory_space<vmem>>
      %dma_wait3A_1652 = tpu.memref_squeeze %dma_wait3A_1651 : memref<1x32x128xf32, #tpu.memory_space<vmem>> -> memref<32x128xf32, #tpu.memory_space<vmem>>
      %dma_wait3A_1653 = arith.constant 0 : i32
      %dma_wait3A_1654 = arith.constant 0 : i32
      %dma_wait3A_1655 = tpu.memref_slice %arg3[%dma_wait3A_1653, %dma_wait3A_1654] : memref<32x1000001xf32, #tpu.memory_space<hbm>> -> memref<32x128xf32, #tpu.memory_space<hbm>>
      tpu.wait_dma2 semaphore(%arg9 : memref<!tpu.dma_semaphore, #tpu.memory_space<semaphore_mem>>) src(%dma_wait3A_1655 : memref<32x128xf32, #tpu.memory_space<hbm>>) dst(%dma_wait3A_1652 : memref<32x128xf32, #tpu.memory_space<vmem>>)
      %dma_wait3A_1656 = arith.constant 10 : i32
      %dma_wait3A_1657 = arith.constant 0 : i32
      %dma_wait3A_1658 = arith.constant 0 : i32
      %dma_wait3A_1659 = tpu.memref_slice %arg6[%dma_wait3A_1656, %dma_wait3A_1657, %dma_wait3A_1658] : memref<16x32x128xf32, #tpu.memory_space<vmem>> -> memref<1x32x128xf32, #tpu.memory_space<vmem>>
      %dma_wait3A_1660 = tpu.memref_squeeze %dma_wait3A_1659 : memref<1x32x128xf32, #tpu.memory_space<vmem>> -> memref<32x128xf32, #tpu.memory_space<vmem>>
      %dma_wait3A_1661 = arith.constant 0 : i32
      %dma_wait3A_1662 = arith.constant 0 : i32
      %dma_wait3A_1663 = tpu.memref_slice %arg3[%dma_wait3A_1661, %dma_wait3A_1662] : memref<32x1000001xf32, #tpu.memory_space<hbm>> -> memref<32x128xf32, #tpu.memory_space<hbm>>
      %dma_wait3A_1664 = arith.constant 0 : i32
      %dma_wait3A_1665 = arith.constant 0 : i32
      %dma_wait3A_1666 = tpu.memref_slice %arg6[%dma_wait3A_1656, %dma_wait3A_1664, %dma_wait3A_1665] : memref<16x32x128xf32, #tpu.memory_space<vmem>> -> memref<1x32x128xf32, #tpu.memory_space<vmem>>
      %dma_wait3A_1667 = tpu.memref_squeeze %dma_wait3A_1666 : memref<1x32x128xf32, #tpu.memory_space<vmem>> -> memref<32x128xf32, #tpu.memory_space<vmem>>
      %dma_wait3A_1668 = arith.constant 0 : i32
      %dma_wait3A_1669 = arith.constant 0 : i32
      %dma_wait3A_1670 = tpu.memref_slice %arg3[%dma_wait3A_1668, %dma_wait3A_1669] : memref<32x1000001xf32, #tpu.memory_space<hbm>> -> memref<32x128xf32, #tpu.memory_space<hbm>>
      tpu.wait_dma2 semaphore(%arg9 : memref<!tpu.dma_semaphore, #tpu.memory_space<semaphore_mem>>) src(%dma_wait3A_1670 : memref<32x128xf32, #tpu.memory_space<hbm>>) dst(%dma_wait3A_1667 : memref<32x128xf32, #tpu.memory_space<vmem>>)
      %dma_wait3A_1671 = arith.constant 11 : i32
      %dma_wait3A_1672 = arith.constant 0 : i32
      %dma_wait3A_1673 = arith.constant 0 : i32
      %dma_wait3A_1674 = tpu.memref_slice %arg6[%dma_wait3A_1671, %dma_wait3A_1672, %dma_wait3A_1673] : memref<16x32x128xf32, #tpu.memory_space<vmem>> -> memref<1x32x128xf32, #tpu.memory_space<vmem>>
      %dma_wait3A_1675 = tpu.memref_squeeze %dma_wait3A_1674 : memref<1x32x128xf32, #tpu.memory_space<vmem>> -> memref<32x128xf32, #tpu.memory_space<vmem>>
      %dma_wait3A_1676 = arith.constant 0 : i32
      %dma_wait3A_1677 = arith.constant 0 : i32
      %dma_wait3A_1678 = tpu.memref_slice %arg3[%dma_wait3A_1676, %dma_wait3A_1677] : memref<32x1000001xf32, #tpu.memory_space<hbm>> -> memref<32x128xf32, #tpu.memory_space<hbm>>
      %dma_wait3A_1679 = arith.constant 0 : i32
      %dma_wait3A_1680 = arith.constant 0 : i32
      %dma_wait3A_1681 = tpu.memref_slice %arg6[%dma_wait3A_1671, %dma_wait3A_1679, %dma_wait3A_1680] : memref<16x32x128xf32, #tpu.memory_space<vmem>> -> memref<1x32x128xf32, #tpu.memory_space<vmem>>
      %dma_wait3A_1682 = tpu.memref_squeeze %dma_wait3A_1681 : memref<1x32x128xf32, #tpu.memory_space<vmem>> -> memref<32x128xf32, #tpu.memory_space<vmem>>
      %dma_wait3A_1683 = arith.constant 0 : i32
      %dma_wait3A_1684 = arith.constant 0 : i32
      %dma_wait3A_1685 = tpu.memref_slice %arg3[%dma_wait3A_1683, %dma_wait3A_1684] : memref<32x1000001xf32, #tpu.memory_space<hbm>> -> memref<32x128xf32, #tpu.memory_space<hbm>>
      tpu.wait_dma2 semaphore(%arg9 : memref<!tpu.dma_semaphore, #tpu.memory_space<semaphore_mem>>) src(%dma_wait3A_1685 : memref<32x128xf32, #tpu.memory_space<hbm>>) dst(%dma_wait3A_1682 : memref<32x128xf32, #tpu.memory_space<vmem>>)
      %dma_wait3A_1686 = arith.constant 12 : i32
      %dma_wait3A_1687 = arith.constant 0 : i32
      %dma_wait3A_1688 = arith.constant 0 : i32
      %dma_wait3A_1689 = tpu.memref_slice %arg6[%dma_wait3A_1686, %dma_wait3A_1687, %dma_wait3A_1688] : memref<16x32x128xf32, #tpu.memory_space<vmem>> -> memref<1x32x128xf32, #tpu.memory_space<vmem>>
      %dma_wait3A_1690 = tpu.memref_squeeze %dma_wait3A_1689 : memref<1x32x128xf32, #tpu.memory_space<vmem>> -> memref<32x128xf32, #tpu.memory_space<vmem>>
      %dma_wait3A_1691 = arith.constant 0 : i32
      %dma_wait3A_1692 = arith.constant 0 : i32
      %dma_wait3A_1693 = tpu.memref_slice %arg3[%dma_wait3A_1691, %dma_wait3A_1692] : memref<32x1000001xf32, #tpu.memory_space<hbm>> -> memref<32x128xf32, #tpu.memory_space<hbm>>
      %dma_wait3A_1694 = arith.constant 0 : i32
      %dma_wait3A_1695 = arith.constant 0 : i32
      %dma_wait3A_1696 = tpu.memref_slice %arg6[%dma_wait3A_1686, %dma_wait3A_1694, %dma_wait3A_1695] : memref<16x32x128xf32, #tpu.memory_space<vmem>> -> memref<1x32x128xf32, #tpu.memory_space<vmem>>
      %dma_wait3A_1697 = tpu.memref_squeeze %dma_wait3A_1696 : memref<1x32x128xf32, #tpu.memory_space<vmem>> -> memref<32x128xf32, #tpu.memory_space<vmem>>
      %dma_wait3A_1698 = arith.constant 0 : i32
      %dma_wait3A_1699 = arith.constant 0 : i32
      %dma_wait3A_1700 = tpu.memref_slice %arg3[%dma_wait3A_1698, %dma_wait3A_1699] : memref<32x1000001xf32, #tpu.memory_space<hbm>> -> memref<32x128xf32, #tpu.memory_space<hbm>>
      tpu.wait_dma2 semaphore(%arg9 : memref<!tpu.dma_semaphore, #tpu.memory_space<semaphore_mem>>) src(%dma_wait3A_1700 : memref<32x128xf32, #tpu.memory_space<hbm>>) dst(%dma_wait3A_1697 : memref<32x128xf32, #tpu.memory_space<vmem>>)
      %dma_wait3A_1701 = arith.constant 13 : i32
      %dma_wait3A_1702 = arith.constant 0 : i32
      %dma_wait3A_1703 = arith.constant 0 : i32
      %dma_wait3A_1704 = tpu.memref_slice %arg6[%dma_wait3A_1701, %dma_wait3A_1702, %dma_wait3A_1703] : memref<16x32x128xf32, #tpu.memory_space<vmem>> -> memref<1x32x128xf32, #tpu.memory_space<vmem>>
      %dma_wait3A_1705 = tpu.memref_squeeze %dma_wait3A_1704 : memref<1x32x128xf32, #tpu.memory_space<vmem>> -> memref<32x128xf32, #tpu.memory_space<vmem>>
      %dma_wait3A_1706 = arith.constant 0 : i32
      %dma_wait3A_1707 = arith.constant 0 : i32
      %dma_wait3A_1708 = tpu.memref_slice %arg3[%dma_wait3A_1706, %dma_wait3A_1707] : memref<32x1000001xf32, #tpu.memory_space<hbm>> -> memref<32x128xf32, #tpu.memory_space<hbm>>
      %dma_wait3A_1709 = arith.constant 0 : i32
      %dma_wait3A_1710 = arith.constant 0 : i32
      %dma_wait3A_1711 = tpu.memref_slice %arg6[%dma_wait3A_1701, %dma_wait3A_1709, %dma_wait3A_1710] : memref<16x32x128xf32, #tpu.memory_space<vmem>> -> memref<1x32x128xf32, #tpu.memory_space<vmem>>
      %dma_wait3A_1712 = tpu.memref_squeeze %dma_wait3A_1711 : memref<1x32x128xf32, #tpu.memory_space<vmem>> -> memref<32x128xf32, #tpu.memory_space<vmem>>
      %dma_wait3A_1713 = arith.constant 0 : i32
      %dma_wait3A_1714 = arith.constant 0 : i32
      %dma_wait3A_1715 = tpu.memref_slice %arg3[%dma_wait3A_1713, %dma_wait3A_1714] : memref<32x1000001xf32, #tpu.memory_space<hbm>> -> memref<32x128xf32, #tpu.memory_space<hbm>>
      tpu.wait_dma2 semaphore(%arg9 : memref<!tpu.dma_semaphore, #tpu.memory_space<semaphore_mem>>) src(%dma_wait3A_1715 : memref<32x128xf32, #tpu.memory_space<hbm>>) dst(%dma_wait3A_1712 : memref<32x128xf32, #tpu.memory_space<vmem>>)
      %dma_wait3A_1716 = arith.constant 14 : i32
      %dma_wait3A_1717 = arith.constant 0 : i32
      %dma_wait3A_1718 = arith.constant 0 : i32
      %dma_wait3A_1719 = tpu.memref_slice %arg6[%dma_wait3A_1716, %dma_wait3A_1717, %dma_wait3A_1718] : memref<16x32x128xf32, #tpu.memory_space<vmem>> -> memref<1x32x128xf32, #tpu.memory_space<vmem>>
      %dma_wait3A_1720 = tpu.memref_squeeze %dma_wait3A_1719 : memref<1x32x128xf32, #tpu.memory_space<vmem>> -> memref<32x128xf32, #tpu.memory_space<vmem>>
      %dma_wait3A_1721 = arith.constant 0 : i32
      %dma_wait3A_1722 = arith.constant 0 : i32
      %dma_wait3A_1723 = tpu.memref_slice %arg3[%dma_wait3A_1721, %dma_wait3A_1722] : memref<32x1000001xf32, #tpu.memory_space<hbm>> -> memref<32x128xf32, #tpu.memory_space<hbm>>
      %dma_wait3A_1724 = arith.constant 0 : i32
      %dma_wait3A_1725 = arith.constant 0 : i32
      %dma_wait3A_1726 = tpu.memref_slice %arg6[%dma_wait3A_1716, %dma_wait3A_1724, %dma_wait3A_1725] : memref<16x32x128xf32, #tpu.memory_space<vmem>> -> memref<1x32x128xf32, #tpu.memory_space<vmem>>
      %dma_wait3A_1727 = tpu.memref_squeeze %dma_wait3A_1726 : memref<1x32x128xf32, #tpu.memory_space<vmem>> -> memref<32x128xf32, #tpu.memory_space<vmem>>
      %dma_wait3A_1728 = arith.constant 0 : i32
      %dma_wait3A_1729 = arith.constant 0 : i32
      %dma_wait3A_1730 = tpu.memref_slice %arg3[%dma_wait3A_1728, %dma_wait3A_1729] : memref<32x1000001xf32, #tpu.memory_space<hbm>> -> memref<32x128xf32, #tpu.memory_space<hbm>>
      tpu.wait_dma2 semaphore(%arg9 : memref<!tpu.dma_semaphore, #tpu.memory_space<semaphore_mem>>) src(%dma_wait3A_1730 : memref<32x128xf32, #tpu.memory_space<hbm>>) dst(%dma_wait3A_1727 : memref<32x128xf32, #tpu.memory_space<vmem>>)
      %dma_wait3A_1731 = arith.constant 15 : i32
      %dma_wait3A_1732 = arith.constant 0 : i32
      %dma_wait3A_1733 = arith.constant 0 : i32
      %dma_wait3A_1734 = tpu.memref_slice %arg6[%dma_wait3A_1731, %dma_wait3A_1732, %dma_wait3A_1733] : memref<16x32x128xf32, #tpu.memory_space<vmem>> -> memref<1x32x128xf32, #tpu.memory_space<vmem>>
      %dma_wait3A_1735 = tpu.memref_squeeze %dma_wait3A_1734 : memref<1x32x128xf32, #tpu.memory_space<vmem>> -> memref<32x128xf32, #tpu.memory_space<vmem>>
      %dma_wait3A_1736 = arith.constant 0 : i32
      %dma_wait3A_1737 = arith.constant 0 : i32
      %dma_wait3A_1738 = tpu.memref_slice %arg3[%dma_wait3A_1736, %dma_wait3A_1737] : memref<32x1000001xf32, #tpu.memory_space<hbm>> -> memref<32x128xf32, #tpu.memory_space<hbm>>
      %dma_wait3A_1739 = arith.constant 0 : i32
      %dma_wait3A_1740 = arith.constant 0 : i32
      %dma_wait3A_1741 = tpu.memref_slice %arg6[%dma_wait3A_1731, %dma_wait3A_1739, %dma_wait3A_1740] : memref<16x32x128xf32, #tpu.memory_space<vmem>> -> memref<1x32x128xf32, #tpu.memory_space<vmem>>
      %dma_wait3A_1742 = tpu.memref_squeeze %dma_wait3A_1741 : memref<1x32x128xf32, #tpu.memory_space<vmem>> -> memref<32x128xf32, #tpu.memory_space<vmem>>
      %dma_wait3A_1743 = arith.constant 0 : i32
      %dma_wait3A_1744 = arith.constant 0 : i32
      %dma_wait3A_1745 = tpu.memref_slice %arg3[%dma_wait3A_1743, %dma_wait3A_1744] : memref<32x1000001xf32, #tpu.memory_space<hbm>> -> memref<32x128xf32, #tpu.memory_space<hbm>>
      tpu.wait_dma2 semaphore(%arg9 : memref<!tpu.dma_semaphore, #tpu.memory_space<semaphore_mem>>) src(%dma_wait3A_1745 : memref<32x128xf32, #tpu.memory_space<hbm>>) dst(%dma_wait3A_1742 : memref<32x128xf32, #tpu.memory_space<vmem>>)
      %mul3A_1746 = arith.constant 8 : i32
      %mul3A_1747 = arith.muli %add3A_245, %mul3A_1746 : i32
      %add3A_1748 = arith.constant 0 : i32
      %add3A_1749 = arith.addi %mul3A_1747, %add3A_1748 : i32
      %jit3A_1750 = arith.constant 2 : i32
      %div3A_1751 = arith.divsi %add3A_245, %jit3A_1750 : i32
      %sign3A_1752 = arith.constant 0 : i32
      %sign3A_1753 = arith.cmpi sgt, %add3A_245, %sign3A_1752 : i32
      %sign3A_1754 = arith.extui %sign3A_1753 : i1 to i32
      %sign3A_1755 = arith.constant 0 : i32
      %sign3A_1756 = arith.cmpi slt, %add3A_245, %sign3A_1755 : i32
      %sign3A_1757 = arith.extui %sign3A_1756 : i1 to i32
      %sign3A_1758 = arith.subi %sign3A_1754, %sign3A_1757 : i32
      %sign3A_1759 = arith.constant 0 : i32
      %sign3A_1760 = arith.cmpi sgt, %jit3A_1750, %sign3A_1759 : i32
      %sign3A_1761 = arith.extui %sign3A_1760 : i1 to i32
      %sign3A_1762 = arith.constant 0 : i32
      %sign3A_1763 = arith.cmpi slt, %jit3A_1750, %sign3A_1762 : i32
      %sign3A_1764 = arith.extui %sign3A_1763 : i1 to i32
      %sign3A_1765 = arith.subi %sign3A_1761, %sign3A_1764 : i32
      %ne3A_1766 = arith.cmpi ne, %sign3A_1758, %sign3A_1765 : i32
      %rem3A_1767 = arith.remsi %add3A_245, %jit3A_1750 : i32
      %ne3A_1768 = arith.constant 0 : i32
      %ne3A_1769 = arith.cmpi ne, %rem3A_1767, %ne3A_1768 : i32
      %and3A_1770 = arith.andi %ne3A_1766, %ne3A_1769 : i1
      %sub3A_1771 = arith.constant 1 : i32
      %sub3A_1772 = arith.subi %div3A_1751, %sub3A_1771 : i32
      %select_n3A_1773 = arith.select %and3A_1770, %sub3A_1772, %div3A_1751 : i32
      %mul3A_1774 = arith.constant 16 : i32
      %mul3A_1775 = arith.muli %select_n3A_1773, %mul3A_1774 : i32
      %get3A_1776 = arith.index_cast %mul3A_1775 : i32 to index
      %get3A_1777 = tpu.vector_load %arg5[%get3A_1776] {strides = array<i32>} : memref<512xi32, #tpu.memory_space<vmem>>, vector<16xi32>,
      %jit3A_1778 = arith.constant 2 : i32
      %eq3A_1779 = arith.constant 0 : i32
      %eq3A_1780 = arith.cmpi eq, %jit3A_1778, %eq3A_1779 : i32
      %jit3A_1781 = arith.constant 1 : i32
      %select_n3A_1782 = arith.select %eq3A_1780, %jit3A_1781, %jit3A_1778 : i32
      %rem3A_1783 = arith.remsi %add3A_245, %select_n3A_1782 : i32
      %ne3A_1784 = arith.constant 0 : i32
      %ne3A_1785 = arith.cmpi ne, %rem3A_1783, %ne3A_1784 : i32
      %lt3A_1786 = arith.constant 0 : i32
      %lt3A_1787 = arith.cmpi slt, %rem3A_1783, %lt3A_1786 : i32
      %lt3A_1788 = arith.constant 0 : i32
      %lt3A_1789 = arith.cmpi slt, %select_n3A_1782, %lt3A_1788 : i32
      %ne3A_1790 = arith.xori %lt3A_1787, %lt3A_1789 : i1
      %and3A_1791 = arith.andi %ne3A_1790, %ne3A_1785 : i1
      %add3A_1792 = arith.addi %rem3A_1783, %select_n3A_1782 : i32
      %select_n3A_1793 = arith.select %and3A_1791, %add3A_1792, %rem3A_1783 : i32
      %mul3A_1794 = arith.constant 8 : i32
      %mul3A_1795 = arith.muli %select_n3A_1793, %mul3A_1794 : i32
      %add3A_1796 = arith.constant 0 : i32
      %add3A_1797 = arith.addi %mul3A_1795, %add3A_1796 : i32
      %eq3A_1798 = vector.broadcast %add3A_1797 : i32 to vector<16xi32>
      %eq3A_1799 = arith.cmpi eq, %iota3A, %eq3A_1798 : vector<16xi32>
      %jit3A_1800 = arith.constant 0 : i32
      %broadcast_in_dim3A_1801 = vector.broadcast %jit3A_1800 : i32 to vector<16xi32>
      %select_n3A_1802 = arith.select %eq3A_1799, %get3A_1777, %broadcast_in_dim3A_1801 : vector<16xi1>, vector<16xi32>
      %reduce_sum3A_1803 = arith.constant true
      %reduce_sum3A_1804 = vector.broadcast %reduce_sum3A_1803 : i1 to vector<16xi1>
      %reduce_sum3A_1805 = tpu.scan <sum>, %select_n3A_1802 masked %reduce_sum3A_1804 : vector<16xi32>, vector<16xi1> -> vector<16xi32>
      %reduce_sum3A_1806 = vector.extract %reduce_sum3A_1805[15] : i32 from vector<16xi32>
      %broadcast_in_dim3A_1807 = arith.constant 1 : i32
      %broadcast_in_dim3A_1808 = vector.broadcast %broadcast_in_dim3A_1807 : i32 to vector<16xi32>
      %and3A_1809 = arith.constant 127 : i32
      %and3A_1810 = arith.andi %reduce_sum3A_1806, %and3A_1809 : i32
      %mul3A_1811 = vector.broadcast %and3A_1810 : i32 to vector<16xi32>
      %mul3A_1812 = arith.muli %broadcast_in_dim3A_1808, %mul3A_1811 : vector<16xi32>
      %broadcast_in_dim3A_1813 = arith.constant 1 : i32
      %broadcast_in_dim3A_1814 = vector.broadcast %broadcast_in_dim3A_1813 : i32 to vector<16xi32>
      %mul3A_1815 = vector.broadcast %add3A_1749 : i32 to vector<16xi32>
      %mul3A_1816 = arith.muli %broadcast_in_dim3A_1814, %mul3A_1815 : vector<16xi32>
      %gather3A_1817 = arith.constant 8 : i32
      %gather3A_1818 = arith.constant 0 : i32
      %gather3A_1819 = arith.constant 0 : i32
      %gather3A_1820 = tpu.memref_slice %arg6[%gather3A_1817, %gather3A_1818, %gather3A_1819] : memref<16x32x128xf32, #tpu.memory_space<vmem>> -> memref<1x32x128xf32, #tpu.memory_space<vmem>>
      %gather3A_1821 = tpu.memref_squeeze %gather3A_1820 : memref<1x32x128xf32, #tpu.memory_space<vmem>> -> memref<32x128xf32, #tpu.memory_space<vmem>>
      %gather3A_1822 = tpu.vector_load_idx %gather3A_1821[%iota3A, %mul3A_1812] : memref<32x128xf32, #tpu.memory_space<vmem>>[vector<16xi32>, vector<16xi32>], vector<16xf32>,
      %gather3A_1823 = arith.constant 8 : i32
      %gather3A_1824 = arith.constant 0 : i32
      %gather3A_1825 = arith.constant 0 : i32
      %gather3A_1826 = tpu.memref_slice %arg6[%gather3A_1823, %gather3A_1824, %gather3A_1825] : memref<16x32x128xf32, #tpu.memory_space<vmem>> -> memref<1x32x128xf32, #tpu.memory_space<vmem>>
      %gather3A_1827 = tpu.memref_squeeze %gather3A_1826 : memref<1x32x128xf32, #tpu.memory_space<vmem>> -> memref<32x128xf32, #tpu.memory_space<vmem>>
      %gather3A_1828 = tpu.vector_load_idx %gather3A_1827[%add3A_5, %mul3A_1812] : memref<32x128xf32, #tpu.memory_space<vmem>>[vector<16xi32>, vector<16xi32>], vector<16xf32>,
      tpu.vector_store_idx %arg7[%iota3A, %mul3A_1816], %gather3A_1822 : memref<32x512xf32, #tpu.memory_space<vmem>>[vector<16xi32>, vector<16xi32>], vector<16xf32>,
      tpu.vector_store_idx %arg7[%add3A_5, %mul3A_1816], %gather3A_1828 : memref<32x512xf32, #tpu.memory_space<vmem>>[vector<16xi32>, vector<16xi32>], vector<16xf32>,
      %mul3A_1829 = arith.constant 8 : i32
      %mul3A_1830 = arith.muli %add3A_245, %mul3A_1829 : i32
      %add3A_1831 = arith.constant 1 : i32
      %add3A_1832 = arith.addi %mul3A_1830, %add3A_1831 : i32
      %jit3A_1833 = arith.constant 2 : i32
      %div3A_1834 = arith.divsi %add3A_245, %jit3A_1833 : i32
      %sign3A_1835 = arith.constant 0 : i32
      %sign3A_1836 = arith.cmpi sgt, %add3A_245, %sign3A_1835 : i32
      %sign3A_1837 = arith.extui %sign3A_1836 : i1 to i32
      %sign3A_1838 = arith.constant 0 : i32
      %sign3A_1839 = arith.cmpi slt, %add3A_245, %sign3A_1838 : i32
      %sign3A_1840 = arith.extui %sign3A_1839 : i1 to i32
      %sign3A_1841 = arith.subi %sign3A_1837, %sign3A_1840 : i32
      %sign3A_1842 = arith.constant 0 : i32
      %sign3A_1843 = arith.cmpi sgt, %jit3A_1833, %sign3A_1842 : i32
      %sign3A_1844 = arith.extui %sign3A_1843 : i1 to i32
      %sign3A_1845 = arith.constant 0 : i32
      %sign3A_1846 = arith.cmpi slt, %jit3A_1833, %sign3A_1845 : i32
      %sign3A_1847 = arith.extui %sign3A_1846 : i1 to i32
      %sign3A_1848 = arith.subi %sign3A_1844, %sign3A_1847 : i32
      %ne3A_1849 = arith.cmpi ne, %sign3A_1841, %sign3A_1848 : i32
      %rem3A_1850 = arith.remsi %add3A_245, %jit3A_1833 : i32
      %ne3A_1851 = arith.constant 0 : i32
      %ne3A_1852 = arith.cmpi ne, %rem3A_1850, %ne3A_1851 : i32
      %and3A_1853 = arith.andi %ne3A_1849, %ne3A_1852 : i1
      %sub3A_1854 = arith.constant 1 : i32
      %sub3A_1855 = arith.subi %div3A_1834, %sub3A_1854 : i32
      %select_n3A_1856 = arith.select %and3A_1853, %sub3A_1855, %div3A_1834 : i32
      %mul3A_1857 = arith.constant 16 : i32
      %mul3A_1858 = arith.muli %select_n3A_1856, %mul3A_1857 : i32
      %get3A_1859 = arith.index_cast %mul3A_1858 : i32 to index
      %get3A_1860 = tpu.vector_load %arg5[%get3A_1859] {strides = array<i32>} : memref<512xi32, #tpu.memory_space<vmem>>, vector<16xi32>,
      %jit3A_1861 = arith.constant 2 : i32
      %eq3A_1862 = arith.constant 0 : i32
      %eq3A_1863 = arith.cmpi eq, %jit3A_1861, %eq3A_1862 : i32
      %jit3A_1864 = arith.constant 1 : i32
      %select_n3A_1865 = arith.select %eq3A_1863, %jit3A_1864, %jit3A_1861 : i32
      %rem3A_1866 = arith.remsi %add3A_245, %select_n3A_1865 : i32
      %ne3A_1867 = arith.constant 0 : i32
      %ne3A_1868 = arith.cmpi ne, %rem3A_1866, %ne3A_1867 : i32
      %lt3A_1869 = arith.constant 0 : i32
      %lt3A_1870 = arith.cmpi slt, %rem3A_1866, %lt3A_1869 : i32
      %lt3A_1871 = arith.constant 0 : i32
      %lt3A_1872 = arith.cmpi slt, %select_n3A_1865, %lt3A_1871 : i32
      %ne3A_1873 = arith.xori %lt3A_1870, %lt3A_1872 : i1
      %and3A_1874 = arith.andi %ne3A_1873, %ne3A_1868 : i1
      %add3A_1875 = arith.addi %rem3A_1866, %select_n3A_1865 : i32
      %select_n3A_1876 = arith.select %and3A_1874, %add3A_1875, %rem3A_1866 : i32
      %mul3A_1877 = arith.constant 8 : i32
      %mul3A_1878 = arith.muli %select_n3A_1876, %mul3A_1877 : i32
      %add3A_1879 = arith.constant 1 : i32
      %add3A_1880 = arith.addi %mul3A_1878, %add3A_1879 : i32
      %eq3A_1881 = vector.broadcast %add3A_1880 : i32 to vector<16xi32>
      %eq3A_1882 = arith.cmpi eq, %iota3A, %eq3A_1881 : vector<16xi32>
      %jit3A_1883 = arith.constant 0 : i32
      %broadcast_in_dim3A_1884 = vector.broadcast %jit3A_1883 : i32 to vector<16xi32>
      %select_n3A_1885 = arith.select %eq3A_1882, %get3A_1860, %broadcast_in_dim3A_1884 : vector<16xi1>, vector<16xi32>
      %reduce_sum3A_1886 = arith.constant true
      %reduce_sum3A_1887 = vector.broadcast %reduce_sum3A_1886 : i1 to vector<16xi1>
      %reduce_sum3A_1888 = tpu.scan <sum>, %select_n3A_1885 masked %reduce_sum3A_1887 : vector<16xi32>, vector<16xi1> -> vector<16xi32>
      %reduce_sum3A_1889 = vector.extract %reduce_sum3A_1888[15] : i32 from vector<16xi32>
      %broadcast_in_dim3A_1890 = arith.constant 1 : i32
      %broadcast_in_dim3A_1891 = vector.broadcast %broadcast_in_dim3A_1890 : i32 to vector<16xi32>
      %and3A_1892 = arith.constant 127 : i32
      %and3A_1893 = arith.andi %reduce_sum3A_1889, %and3A_1892 : i32
      %mul3A_1894 = vector.broadcast %and3A_1893 : i32 to vector<16xi32>
      %mul3A_1895 = arith.muli %broadcast_in_dim3A_1891, %mul3A_1894 : vector<16xi32>
      %broadcast_in_dim3A_1896 = arith.constant 1 : i32
      %broadcast_in_dim3A_1897 = vector.broadcast %broadcast_in_dim3A_1896 : i32 to vector<16xi32>
      %mul3A_1898 = vector.broadcast %add3A_1832 : i32 to vector<16xi32>
      %mul3A_1899 = arith.muli %broadcast_in_dim3A_1897, %mul3A_1898 : vector<16xi32>
      %gather3A_1900 = arith.constant 9 : i32
      %gather3A_1901 = arith.constant 0 : i32
      %gather3A_1902 = arith.constant 0 : i32
      %gather3A_1903 = tpu.memref_slice %arg6[%gather3A_1900, %gather3A_1901, %gather3A_1902] : memref<16x32x128xf32, #tpu.memory_space<vmem>> -> memref<1x32x128xf32, #tpu.memory_space<vmem>>
      %gather3A_1904 = tpu.memref_squeeze %gather3A_1903 : memref<1x32x128xf32, #tpu.memory_space<vmem>> -> memref<32x128xf32, #tpu.memory_space<vmem>>
      %gather3A_1905 = tpu.vector_load_idx %gather3A_1904[%iota3A, %mul3A_1895] : memref<32x128xf32, #tpu.memory_space<vmem>>[vector<16xi32>, vector<16xi32>], vector<16xf32>,
      %gather3A_1906 = arith.constant 9 : i32
      %gather3A_1907 = arith.constant 0 : i32
      %gather3A_1908 = arith.constant 0 : i32
      %gather3A_1909 = tpu.memref_slice %arg6[%gather3A_1906, %gather3A_1907, %gather3A_1908] : memref<16x32x128xf32, #tpu.memory_space<vmem>> -> memref<1x32x128xf32, #tpu.memory_space<vmem>>
      %gather3A_1910 = tpu.memref_squeeze %gather3A_1909 : memref<1x32x128xf32, #tpu.memory_space<vmem>> -> memref<32x128xf32, #tpu.memory_space<vmem>>
      %gather3A_1911 = tpu.vector_load_idx %gather3A_1910[%add3A_5, %mul3A_1895] : memref<32x128xf32, #tpu.memory_space<vmem>>[vector<16xi32>, vector<16xi32>], vector<16xf32>,
      tpu.vector_store_idx %arg7[%iota3A, %mul3A_1899], %gather3A_1905 : memref<32x512xf32, #tpu.memory_space<vmem>>[vector<16xi32>, vector<16xi32>], vector<16xf32>,
      tpu.vector_store_idx %arg7[%add3A_5, %mul3A_1899], %gather3A_1911 : memref<32x512xf32, #tpu.memory_space<vmem>>[vector<16xi32>, vector<16xi32>], vector<16xf32>,
      %mul3A_1912 = arith.constant 8 : i32
      %mul3A_1913 = arith.muli %add3A_245, %mul3A_1912 : i32
      %add3A_1914 = arith.constant 2 : i32
      %add3A_1915 = arith.addi %mul3A_1913, %add3A_1914 : i32
      %jit3A_1916 = arith.constant 2 : i32
      %div3A_1917 = arith.divsi %add3A_245, %jit3A_1916 : i32
      %sign3A_1918 = arith.constant 0 : i32
      %sign3A_1919 = arith.cmpi sgt, %add3A_245, %sign3A_1918 : i32
      %sign3A_1920 = arith.extui %sign3A_1919 : i1 to i32
      %sign3A_1921 = arith.constant 0 : i32
      %sign3A_1922 = arith.cmpi slt, %add3A_245, %sign3A_1921 : i32
      %sign3A_1923 = arith.extui %sign3A_1922 : i1 to i32
      %sign3A_1924 = arith.subi %sign3A_1920, %sign3A_1923 : i32
      %sign3A_1925 = arith.constant 0 : i32
      %sign3A_1926 = arith.cmpi sgt, %jit3A_1916, %sign3A_1925 : i32
      %sign3A_1927 = arith.extui %sign3A_1926 : i1 to i32
      %sign3A_1928 = arith.constant 0 : i32
      %sign3A_1929 = arith.cmpi slt, %jit3A_1916, %sign3A_1928 : i32
      %sign3A_1930 = arith.extui %sign3A_1929 : i1 to i32
      %sign3A_1931 = arith.subi %sign3A_1927, %sign3A_1930 : i32
      %ne3A_1932 = arith.cmpi ne, %sign3A_1924, %sign3A_1931 : i32
      %rem3A_1933 = arith.remsi %add3A_245, %jit3A_1916 : i32
      %ne3A_1934 = arith.constant 0 : i32
      %ne3A_1935 = arith.cmpi ne, %rem3A_1933, %ne3A_1934 : i32
      %and3A_1936 = arith.andi %ne3A_1932, %ne3A_1935 : i1
      %sub3A_1937 = arith.constant 1 : i32
      %sub3A_1938 = arith.subi %div3A_1917, %sub3A_1937 : i32
      %select_n3A_1939 = arith.select %and3A_1936, %sub3A_1938, %div3A_1917 : i32
      %mul3A_1940 = arith.constant 16 : i32
      %mul3A_1941 = arith.muli %select_n3A_1939, %mul3A_1940 : i32
      %get3A_1942 = arith.index_cast %mul3A_1941 : i32 to index
      %get3A_1943 = tpu.vector_load %arg5[%get3A_1942] {strides = array<i32>} : memref<512xi32, #tpu.memory_space<vmem>>, vector<16xi32>,
      %jit3A_1944 = arith.constant 2 : i32
      %eq3A_1945 = arith.constant 0 : i32
      %eq3A_1946 = arith.cmpi eq, %jit3A_1944, %eq3A_1945 : i32
      %jit3A_1947 = arith.constant 1 : i32
      %select_n3A_1948 = arith.select %eq3A_1946, %jit3A_1947, %jit3A_1944 : i32
      %rem3A_1949 = arith.remsi %add3A_245, %select_n3A_1948 : i32
      %ne3A_1950 = arith.constant 0 : i32
      %ne3A_1951 = arith.cmpi ne, %rem3A_1949, %ne3A_1950 : i32
      %lt3A_1952 = arith.constant 0 : i32
      %lt3A_1953 = arith.cmpi slt, %rem3A_1949, %lt3A_1952 : i32
      %lt3A_1954 = arith.constant 0 : i32
      %lt3A_1955 = arith.cmpi slt, %select_n3A_1948, %lt3A_1954 : i32
      %ne3A_1956 = arith.xori %lt3A_1953, %lt3A_1955 : i1
      %and3A_1957 = arith.andi %ne3A_1956, %ne3A_1951 : i1
      %add3A_1958 = arith.addi %rem3A_1949, %select_n3A_1948 : i32
      %select_n3A_1959 = arith.select %and3A_1957, %add3A_1958, %rem3A_1949 : i32
      %mul3A_1960 = arith.constant 8 : i32
      %mul3A_1961 = arith.muli %select_n3A_1959, %mul3A_1960 : i32
      %add3A_1962 = arith.constant 2 : i32
      %add3A_1963 = arith.addi %mul3A_1961, %add3A_1962 : i32
      %eq3A_1964 = vector.broadcast %add3A_1963 : i32 to vector<16xi32>
      %eq3A_1965 = arith.cmpi eq, %iota3A, %eq3A_1964 : vector<16xi32>
      %jit3A_1966 = arith.constant 0 : i32
      %broadcast_in_dim3A_1967 = vector.broadcast %jit3A_1966 : i32 to vector<16xi32>
      %select_n3A_1968 = arith.select %eq3A_1965, %get3A_1943, %broadcast_in_dim3A_1967 : vector<16xi1>, vector<16xi32>
      %reduce_sum3A_1969 = arith.constant true
      %reduce_sum3A_1970 = vector.broadcast %reduce_sum3A_1969 : i1 to vector<16xi1>
      %reduce_sum3A_1971 = tpu.scan <sum>, %select_n3A_1968 masked %reduce_sum3A_1970 : vector<16xi32>, vector<16xi1> -> vector<16xi32>
      %reduce_sum3A_1972 = vector.extract %reduce_sum3A_1971[15] : i32 from vector<16xi32>
      %broadcast_in_dim3A_1973 = arith.constant 1 : i32
      %broadcast_in_dim3A_1974 = vector.broadcast %broadcast_in_dim3A_1973 : i32 to vector<16xi32>
      %and3A_1975 = arith.constant 127 : i32
      %and3A_1976 = arith.andi %reduce_sum3A_1972, %and3A_1975 : i32
      %mul3A_1977 = vector.broadcast %and3A_1976 : i32 to vector<16xi32>
      %mul3A_1978 = arith.muli %broadcast_in_dim3A_1974, %mul3A_1977 : vector<16xi32>
      %broadcast_in_dim3A_1979 = arith.constant 1 : i32
      %broadcast_in_dim3A_1980 = vector.broadcast %broadcast_in_dim3A_1979 : i32 to vector<16xi32>
      %mul3A_1981 = vector.broadcast %add3A_1915 : i32 to vector<16xi32>
      %mul3A_1982 = arith.muli %broadcast_in_dim3A_1980, %mul3A_1981 : vector<16xi32>
      %gather3A_1983 = arith.constant 10 : i32
      %gather3A_1984 = arith.constant 0 : i32
      %gather3A_1985 = arith.constant 0 : i32
      %gather3A_1986 = tpu.memref_slice %arg6[%gather3A_1983, %gather3A_1984, %gather3A_1985] : memref<16x32x128xf32, #tpu.memory_space<vmem>> -> memref<1x32x128xf32, #tpu.memory_space<vmem>>
      %gather3A_1987 = tpu.memref_squeeze %gather3A_1986 : memref<1x32x128xf32, #tpu.memory_space<vmem>> -> memref<32x128xf32, #tpu.memory_space<vmem>>
      %gather3A_1988 = tpu.vector_load_idx %gather3A_1987[%iota3A, %mul3A_1978] : memref<32x128xf32, #tpu.memory_space<vmem>>[vector<16xi32>, vector<16xi32>], vector<16xf32>,
      %gather3A_1989 = arith.constant 10 : i32
      %gather3A_1990 = arith.constant 0 : i32
      %gather3A_1991 = arith.constant 0 : i32
      %gather3A_1992 = tpu.memref_slice %arg6[%gather3A_1989, %gather3A_1990, %gather3A_1991] : memref<16x32x128xf32, #tpu.memory_space<vmem>> -> memref<1x32x128xf32, #tpu.memory_space<vmem>>
      %gather3A_1993 = tpu.memref_squeeze %gather3A_1992 : memref<1x32x128xf32, #tpu.memory_space<vmem>> -> memref<32x128xf32, #tpu.memory_space<vmem>>
      %gather3A_1994 = tpu.vector_load_idx %gather3A_1993[%add3A_5, %mul3A_1978] : memref<32x128xf32, #tpu.memory_space<vmem>>[vector<16xi32>, vector<16xi32>], vector<16xf32>,
      tpu.vector_store_idx %arg7[%iota3A, %mul3A_1982], %gather3A_1988 : memref<32x512xf32, #tpu.memory_space<vmem>>[vector<16xi32>, vector<16xi32>], vector<16xf32>,
      tpu.vector_store_idx %arg7[%add3A_5, %mul3A_1982], %gather3A_1994 : memref<32x512xf32, #tpu.memory_space<vmem>>[vector<16xi32>, vector<16xi32>], vector<16xf32>,
      %mul3A_1995 = arith.constant 8 : i32
      %mul3A_1996 = arith.muli %add3A_245, %mul3A_1995 : i32
      %add3A_1997 = arith.constant 3 : i32
      %add3A_1998 = arith.addi %mul3A_1996, %add3A_1997 : i32
      %jit3A_1999 = arith.constant 2 : i32
      %div3A_2000 = arith.divsi %add3A_245, %jit3A_1999 : i32
      %sign3A_2001 = arith.constant 0 : i32
      %sign3A_2002 = arith.cmpi sgt, %add3A_245, %sign3A_2001 : i32
      %sign3A_2003 = arith.extui %sign3A_2002 : i1 to i32
      %sign3A_2004 = arith.constant 0 : i32
      %sign3A_2005 = arith.cmpi slt, %add3A_245, %sign3A_2004 : i32
      %sign3A_2006 = arith.extui %sign3A_2005 : i1 to i32
      %sign3A_2007 = arith.subi %sign3A_2003, %sign3A_2006 : i32
      %sign3A_2008 = arith.constant 0 : i32
      %sign3A_2009 = arith.cmpi sgt, %jit3A_1999, %sign3A_2008 : i32
      %sign3A_2010 = arith.extui %sign3A_2009 : i1 to i32
      %sign3A_2011 = arith.constant 0 : i32
      %sign3A_2012 = arith.cmpi slt, %jit3A_1999, %sign3A_2011 : i32
      %sign3A_2013 = arith.extui %sign3A_2012 : i1 to i32
      %sign3A_2014 = arith.subi %sign3A_2010, %sign3A_2013 : i32
      %ne3A_2015 = arith.cmpi ne, %sign3A_2007, %sign3A_2014 : i32
      %rem3A_2016 = arith.remsi %add3A_245, %jit3A_1999 : i32
      %ne3A_2017 = arith.constant 0 : i32
      %ne3A_2018 = arith.cmpi ne, %rem3A_2016, %ne3A_2017 : i32
      %and3A_2019 = arith.andi %ne3A_2015, %ne3A_2018 : i1
      %sub3A_2020 = arith.constant 1 : i32
      %sub3A_2021 = arith.subi %div3A_2000, %sub3A_2020 : i32
      %select_n3A_2022 = arith.select %and3A_2019, %sub3A_2021, %div3A_2000 : i32
      %mul3A_2023 = arith.constant 16 : i32
      %mul3A_2024 = arith.muli %select_n3A_2022, %mul3A_2023 : i32
      %get3A_2025 = arith.index_cast %mul3A_2024 : i32 to index
      %get3A_2026 = tpu.vector_load %arg5[%get3A_2025] {strides = array<i32>} : memref<512xi32, #tpu.memory_space<vmem>>, vector<16xi32>,
      %jit3A_2027 = arith.constant 2 : i32
      %eq3A_2028 = arith.constant 0 : i32
      %eq3A_2029 = arith.cmpi eq, %jit3A_2027, %eq3A_2028 : i32
      %jit3A_2030 = arith.constant 1 : i32
      %select_n3A_2031 = arith.select %eq3A_2029, %jit3A_2030, %jit3A_2027 : i32
      %rem3A_2032 = arith.remsi %add3A_245, %select_n3A_2031 : i32
      %ne3A_2033 = arith.constant 0 : i32
      %ne3A_2034 = arith.cmpi ne, %rem3A_2032, %ne3A_2033 : i32
      %lt3A_2035 = arith.constant 0 : i32
      %lt3A_2036 = arith.cmpi slt, %rem3A_2032, %lt3A_2035 : i32
      %lt3A_2037 = arith.constant 0 : i32
      %lt3A_2038 = arith.cmpi slt, %select_n3A_2031, %lt3A_2037 : i32
      %ne3A_2039 = arith.xori %lt3A_2036, %lt3A_2038 : i1
      %and3A_2040 = arith.andi %ne3A_2039, %ne3A_2034 : i1
      %add3A_2041 = arith.addi %rem3A_2032, %select_n3A_2031 : i32
      %select_n3A_2042 = arith.select %and3A_2040, %add3A_2041, %rem3A_2032 : i32
      %mul3A_2043 = arith.constant 8 : i32
      %mul3A_2044 = arith.muli %select_n3A_2042, %mul3A_2043 : i32
      %add3A_2045 = arith.constant 3 : i32
      %add3A_2046 = arith.addi %mul3A_2044, %add3A_2045 : i32
      %eq3A_2047 = vector.broadcast %add3A_2046 : i32 to vector<16xi32>
      %eq3A_2048 = arith.cmpi eq, %iota3A, %eq3A_2047 : vector<16xi32>
      %jit3A_2049 = arith.constant 0 : i32
      %broadcast_in_dim3A_2050 = vector.broadcast %jit3A_2049 : i32 to vector<16xi32>
      %select_n3A_2051 = arith.select %eq3A_2048, %get3A_2026, %broadcast_in_dim3A_2050 : vector<16xi1>, vector<16xi32>
      %reduce_sum3A_2052 = arith.constant true
      %reduce_sum3A_2053 = vector.broadcast %reduce_sum3A_2052 : i1 to vector<16xi1>
      %reduce_sum3A_2054 = tpu.scan <sum>, %select_n3A_2051 masked %reduce_sum3A_2053 : vector<16xi32>, vector<16xi1> -> vector<16xi32>
      %reduce_sum3A_2055 = vector.extract %reduce_sum3A_2054[15] : i32 from vector<16xi32>
      %broadcast_in_dim3A_2056 = arith.constant 1 : i32
      %broadcast_in_dim3A_2057 = vector.broadcast %broadcast_in_dim3A_2056 : i32 to vector<16xi32>
      %and3A_2058 = arith.constant 127 : i32
      %and3A_2059 = arith.andi %reduce_sum3A_2055, %and3A_2058 : i32
      %mul3A_2060 = vector.broadcast %and3A_2059 : i32 to vector<16xi32>
      %mul3A_2061 = arith.muli %broadcast_in_dim3A_2057, %mul3A_2060 : vector<16xi32>
      %broadcast_in_dim3A_2062 = arith.constant 1 : i32
      %broadcast_in_dim3A_2063 = vector.broadcast %broadcast_in_dim3A_2062 : i32 to vector<16xi32>
      %mul3A_2064 = vector.broadcast %add3A_1998 : i32 to vector<16xi32>
      %mul3A_2065 = arith.muli %broadcast_in_dim3A_2063, %mul3A_2064 : vector<16xi32>
      %gather3A_2066 = arith.constant 11 : i32
      %gather3A_2067 = arith.constant 0 : i32
      %gather3A_2068 = arith.constant 0 : i32
      %gather3A_2069 = tpu.memref_slice %arg6[%gather3A_2066, %gather3A_2067, %gather3A_2068] : memref<16x32x128xf32, #tpu.memory_space<vmem>> -> memref<1x32x128xf32, #tpu.memory_space<vmem>>
      %gather3A_2070 = tpu.memref_squeeze %gather3A_2069 : memref<1x32x128xf32, #tpu.memory_space<vmem>> -> memref<32x128xf32, #tpu.memory_space<vmem>>
      %gather3A_2071 = tpu.vector_load_idx %gather3A_2070[%iota3A, %mul3A_2061] : memref<32x128xf32, #tpu.memory_space<vmem>>[vector<16xi32>, vector<16xi32>], vector<16xf32>,
      %gather3A_2072 = arith.constant 11 : i32
      %gather3A_2073 = arith.constant 0 : i32
      %gather3A_2074 = arith.constant 0 : i32
      %gather3A_2075 = tpu.memref_slice %arg6[%gather3A_2072, %gather3A_2073, %gather3A_2074] : memref<16x32x128xf32, #tpu.memory_space<vmem>> -> memref<1x32x128xf32, #tpu.memory_space<vmem>>
      %gather3A_2076 = tpu.memref_squeeze %gather3A_2075 : memref<1x32x128xf32, #tpu.memory_space<vmem>> -> memref<32x128xf32, #tpu.memory_space<vmem>>
      %gather3A_2077 = tpu.vector_load_idx %gather3A_2076[%add3A_5, %mul3A_2061] : memref<32x128xf32, #tpu.memory_space<vmem>>[vector<16xi32>, vector<16xi32>], vector<16xf32>,
      tpu.vector_store_idx %arg7[%iota3A, %mul3A_2065], %gather3A_2071 : memref<32x512xf32, #tpu.memory_space<vmem>>[vector<16xi32>, vector<16xi32>], vector<16xf32>,
      tpu.vector_store_idx %arg7[%add3A_5, %mul3A_2065], %gather3A_2077 : memref<32x512xf32, #tpu.memory_space<vmem>>[vector<16xi32>, vector<16xi32>], vector<16xf32>,
      %mul3A_2078 = arith.constant 8 : i32
      %mul3A_2079 = arith.muli %add3A_245, %mul3A_2078 : i32
      %add3A_2080 = arith.constant 4 : i32
      %add3A_2081 = arith.addi %mul3A_2079, %add3A_2080 : i32
      %jit3A_2082 = arith.constant 2 : i32
      %div3A_2083 = arith.divsi %add3A_245, %jit3A_2082 : i32
      %sign3A_2084 = arith.constant 0 : i32
      %sign3A_2085 = arith.cmpi sgt, %add3A_245, %sign3A_2084 : i32
      %sign3A_2086 = arith.extui %sign3A_2085 : i1 to i32
      %sign3A_2087 = arith.constant 0 : i32
      %sign3A_2088 = arith.cmpi slt, %add3A_245, %sign3A_2087 : i32
      %sign3A_2089 = arith.extui %sign3A_2088 : i1 to i32
      %sign3A_2090 = arith.subi %sign3A_2086, %sign3A_2089 : i32
      %sign3A_2091 = arith.constant 0 : i32
      %sign3A_2092 = arith.cmpi sgt, %jit3A_2082, %sign3A_2091 : i32
      %sign3A_2093 = arith.extui %sign3A_2092 : i1 to i32
      %sign3A_2094 = arith.constant 0 : i32
      %sign3A_2095 = arith.cmpi slt, %jit3A_2082, %sign3A_2094 : i32
      %sign3A_2096 = arith.extui %sign3A_2095 : i1 to i32
      %sign3A_2097 = arith.subi %sign3A_2093, %sign3A_2096 : i32
      %ne3A_2098 = arith.cmpi ne, %sign3A_2090, %sign3A_2097 : i32
      %rem3A_2099 = arith.remsi %add3A_245, %jit3A_2082 : i32
      %ne3A_2100 = arith.constant 0 : i32
      %ne3A_2101 = arith.cmpi ne, %rem3A_2099, %ne3A_2100 : i32
      %and3A_2102 = arith.andi %ne3A_2098, %ne3A_2101 : i1
      %sub3A_2103 = arith.constant 1 : i32
      %sub3A_2104 = arith.subi %div3A_2083, %sub3A_2103 : i32
      %select_n3A_2105 = arith.select %and3A_2102, %sub3A_2104, %div3A_2083 : i32
      %mul3A_2106 = arith.constant 16 : i32
      %mul3A_2107 = arith.muli %select_n3A_2105, %mul3A_2106 : i32
      %get3A_2108 = arith.index_cast %mul3A_2107 : i32 to index
      %get3A_2109 = tpu.vector_load %arg5[%get3A_2108] {strides = array<i32>} : memref<512xi32, #tpu.memory_space<vmem>>, vector<16xi32>,
      %jit3A_2110 = arith.constant 2 : i32
      %eq3A_2111 = arith.constant 0 : i32
      %eq3A_2112 = arith.cmpi eq, %jit3A_2110, %eq3A_2111 : i32
      %jit3A_2113 = arith.constant 1 : i32
      %select_n3A_2114 = arith.select %eq3A_2112, %jit3A_2113, %jit3A_2110 : i32
      %rem3A_2115 = arith.remsi %add3A_245, %select_n3A_2114 : i32
      %ne3A_2116 = arith.constant 0 : i32
      %ne3A_2117 = arith.cmpi ne, %rem3A_2115, %ne3A_2116 : i32
      %lt3A_2118 = arith.constant 0 : i32
      %lt3A_2119 = arith.cmpi slt, %rem3A_2115, %lt3A_2118 : i32
      %lt3A_2120 = arith.constant 0 : i32
      %lt3A_2121 = arith.cmpi slt, %select_n3A_2114, %lt3A_2120 : i32
      %ne3A_2122 = arith.xori %lt3A_2119, %lt3A_2121 : i1
      %and3A_2123 = arith.andi %ne3A_2122, %ne3A_2117 : i1
      %add3A_2124 = arith.addi %rem3A_2115, %select_n3A_2114 : i32
      %select_n3A_2125 = arith.select %and3A_2123, %add3A_2124, %rem3A_2115 : i32
      %mul3A_2126 = arith.constant 8 : i32
      %mul3A_2127 = arith.muli %select_n3A_2125, %mul3A_2126 : i32
      %add3A_2128 = arith.constant 4 : i32
      %add3A_2129 = arith.addi %mul3A_2127, %add3A_2128 : i32
      %eq3A_2130 = vector.broadcast %add3A_2129 : i32 to vector<16xi32>
      %eq3A_2131 = arith.cmpi eq, %iota3A, %eq3A_2130 : vector<16xi32>
      %jit3A_2132 = arith.constant 0 : i32
      %broadcast_in_dim3A_2133 = vector.broadcast %jit3A_2132 : i32 to vector<16xi32>
      %select_n3A_2134 = arith.select %eq3A_2131, %get3A_2109, %broadcast_in_dim3A_2133 : vector<16xi1>, vector<16xi32>
      %reduce_sum3A_2135 = arith.constant true
      %reduce_sum3A_2136 = vector.broadcast %reduce_sum3A_2135 : i1 to vector<16xi1>
      %reduce_sum3A_2137 = tpu.scan <sum>, %select_n3A_2134 masked %reduce_sum3A_2136 : vector<16xi32>, vector<16xi1> -> vector<16xi32>
      %reduce_sum3A_2138 = vector.extract %reduce_sum3A_2137[15] : i32 from vector<16xi32>
      %broadcast_in_dim3A_2139 = arith.constant 1 : i32
      %broadcast_in_dim3A_2140 = vector.broadcast %broadcast_in_dim3A_2139 : i32 to vector<16xi32>
      %and3A_2141 = arith.constant 127 : i32
      %and3A_2142 = arith.andi %reduce_sum3A_2138, %and3A_2141 : i32
      %mul3A_2143 = vector.broadcast %and3A_2142 : i32 to vector<16xi32>
      %mul3A_2144 = arith.muli %broadcast_in_dim3A_2140, %mul3A_2143 : vector<16xi32>
      %broadcast_in_dim3A_2145 = arith.constant 1 : i32
      %broadcast_in_dim3A_2146 = vector.broadcast %broadcast_in_dim3A_2145 : i32 to vector<16xi32>
      %mul3A_2147 = vector.broadcast %add3A_2081 : i32 to vector<16xi32>
      %mul3A_2148 = arith.muli %broadcast_in_dim3A_2146, %mul3A_2147 : vector<16xi32>
      %gather3A_2149 = arith.constant 12 : i32
      %gather3A_2150 = arith.constant 0 : i32
      %gather3A_2151 = arith.constant 0 : i32
      %gather3A_2152 = tpu.memref_slice %arg6[%gather3A_2149, %gather3A_2150, %gather3A_2151] : memref<16x32x128xf32, #tpu.memory_space<vmem>> -> memref<1x32x128xf32, #tpu.memory_space<vmem>>
      %gather3A_2153 = tpu.memref_squeeze %gather3A_2152 : memref<1x32x128xf32, #tpu.memory_space<vmem>> -> memref<32x128xf32, #tpu.memory_space<vmem>>
      %gather3A_2154 = tpu.vector_load_idx %gather3A_2153[%iota3A, %mul3A_2144] : memref<32x128xf32, #tpu.memory_space<vmem>>[vector<16xi32>, vector<16xi32>], vector<16xf32>,
      %gather3A_2155 = arith.constant 12 : i32
      %gather3A_2156 = arith.constant 0 : i32
      %gather3A_2157 = arith.constant 0 : i32
      %gather3A_2158 = tpu.memref_slice %arg6[%gather3A_2155, %gather3A_2156, %gather3A_2157] : memref<16x32x128xf32, #tpu.memory_space<vmem>> -> memref<1x32x128xf32, #tpu.memory_space<vmem>>
      %gather3A_2159 = tpu.memref_squeeze %gather3A_2158 : memref<1x32x128xf32, #tpu.memory_space<vmem>> -> memref<32x128xf32, #tpu.memory_space<vmem>>
      %gather3A_2160 = tpu.vector_load_idx %gather3A_2159[%add3A_5, %mul3A_2144] : memref<32x128xf32, #tpu.memory_space<vmem>>[vector<16xi32>, vector<16xi32>], vector<16xf32>,
      tpu.vector_store_idx %arg7[%iota3A, %mul3A_2148], %gather3A_2154 : memref<32x512xf32, #tpu.memory_space<vmem>>[vector<16xi32>, vector<16xi32>], vector<16xf32>,
      tpu.vector_store_idx %arg7[%add3A_5, %mul3A_2148], %gather3A_2160 : memref<32x512xf32, #tpu.memory_space<vmem>>[vector<16xi32>, vector<16xi32>], vector<16xf32>,
      %mul3A_2161 = arith.constant 8 : i32
      %mul3A_2162 = arith.muli %add3A_245, %mul3A_2161 : i32
      %add3A_2163 = arith.constant 5 : i32
      %add3A_2164 = arith.addi %mul3A_2162, %add3A_2163 : i32
      %jit3A_2165 = arith.constant 2 : i32
      %div3A_2166 = arith.divsi %add3A_245, %jit3A_2165 : i32
      %sign3A_2167 = arith.constant 0 : i32
      %sign3A_2168 = arith.cmpi sgt, %add3A_245, %sign3A_2167 : i32
      %sign3A_2169 = arith.extui %sign3A_2168 : i1 to i32
      %sign3A_2170 = arith.constant 0 : i32
      %sign3A_2171 = arith.cmpi slt, %add3A_245, %sign3A_2170 : i32
      %sign3A_2172 = arith.extui %sign3A_2171 : i1 to i32
      %sign3A_2173 = arith.subi %sign3A_2169, %sign3A_2172 : i32
      %sign3A_2174 = arith.constant 0 : i32
      %sign3A_2175 = arith.cmpi sgt, %jit3A_2165, %sign3A_2174 : i32
      %sign3A_2176 = arith.extui %sign3A_2175 : i1 to i32
      %sign3A_2177 = arith.constant 0 : i32
      %sign3A_2178 = arith.cmpi slt, %jit3A_2165, %sign3A_2177 : i32
      %sign3A_2179 = arith.extui %sign3A_2178 : i1 to i32
      %sign3A_2180 = arith.subi %sign3A_2176, %sign3A_2179 : i32
      %ne3A_2181 = arith.cmpi ne, %sign3A_2173, %sign3A_2180 : i32
      %rem3A_2182 = arith.remsi %add3A_245, %jit3A_2165 : i32
      %ne3A_2183 = arith.constant 0 : i32
      %ne3A_2184 = arith.cmpi ne, %rem3A_2182, %ne3A_2183 : i32
      %and3A_2185 = arith.andi %ne3A_2181, %ne3A_2184 : i1
      %sub3A_2186 = arith.constant 1 : i32
      %sub3A_2187 = arith.subi %div3A_2166, %sub3A_2186 : i32
      %select_n3A_2188 = arith.select %and3A_2185, %sub3A_2187, %div3A_2166 : i32
      %mul3A_2189 = arith.constant 16 : i32
      %mul3A_2190 = arith.muli %select_n3A_2188, %mul3A_2189 : i32
      %get3A_2191 = arith.index_cast %mul3A_2190 : i32 to index
      %get3A_2192 = tpu.vector_load %arg5[%get3A_2191] {strides = array<i32>} : memref<512xi32, #tpu.memory_space<vmem>>, vector<16xi32>,
      %jit3A_2193 = arith.constant 2 : i32
      %eq3A_2194 = arith.constant 0 : i32
      %eq3A_2195 = arith.cmpi eq, %jit3A_2193, %eq3A_2194 : i32
      %jit3A_2196 = arith.constant 1 : i32
      %select_n3A_2197 = arith.select %eq3A_2195, %jit3A_2196, %jit3A_2193 : i32
      %rem3A_2198 = arith.remsi %add3A_245, %select_n3A_2197 : i32
      %ne3A_2199 = arith.constant 0 : i32
      %ne3A_2200 = arith.cmpi ne, %rem3A_2198, %ne3A_2199 : i32
      %lt3A_2201 = arith.constant 0 : i32
      %lt3A_2202 = arith.cmpi slt, %rem3A_2198, %lt3A_2201 : i32
      %lt3A_2203 = arith.constant 0 : i32
      %lt3A_2204 = arith.cmpi slt, %select_n3A_2197, %lt3A_2203 : i32
      %ne3A_2205 = arith.xori %lt3A_2202, %lt3A_2204 : i1
      %and3A_2206 = arith.andi %ne3A_2205, %ne3A_2200 : i1
      %add3A_2207 = arith.addi %rem3A_2198, %select_n3A_2197 : i32
      %select_n3A_2208 = arith.select %and3A_2206, %add3A_2207, %rem3A_2198 : i32
      %mul3A_2209 = arith.constant 8 : i32
      %mul3A_2210 = arith.muli %select_n3A_2208, %mul3A_2209 : i32
      %add3A_2211 = arith.constant 5 : i32
      %add3A_2212 = arith.addi %mul3A_2210, %add3A_2211 : i32
      %eq3A_2213 = vector.broadcast %add3A_2212 : i32 to vector<16xi32>
      %eq3A_2214 = arith.cmpi eq, %iota3A, %eq3A_2213 : vector<16xi32>
      %jit3A_2215 = arith.constant 0 : i32
      %broadcast_in_dim3A_2216 = vector.broadcast %jit3A_2215 : i32 to vector<16xi32>
      %select_n3A_2217 = arith.select %eq3A_2214, %get3A_2192, %broadcast_in_dim3A_2216 : vector<16xi1>, vector<16xi32>
      %reduce_sum3A_2218 = arith.constant true
      %reduce_sum3A_2219 = vector.broadcast %reduce_sum3A_2218 : i1 to vector<16xi1>
      %reduce_sum3A_2220 = tpu.scan <sum>, %select_n3A_2217 masked %reduce_sum3A_2219 : vector<16xi32>, vector<16xi1> -> vector<16xi32>
      %reduce_sum3A_2221 = vector.extract %reduce_sum3A_2220[15] : i32 from vector<16xi32>
      %broadcast_in_dim3A_2222 = arith.constant 1 : i32
      %broadcast_in_dim3A_2223 = vector.broadcast %broadcast_in_dim3A_2222 : i32 to vector<16xi32>
      %and3A_2224 = arith.constant 127 : i32
      %and3A_2225 = arith.andi %reduce_sum3A_2221, %and3A_2224 : i32
      %mul3A_2226 = vector.broadcast %and3A_2225 : i32 to vector<16xi32>
      %mul3A_2227 = arith.muli %broadcast_in_dim3A_2223, %mul3A_2226 : vector<16xi32>
      %broadcast_in_dim3A_2228 = arith.constant 1 : i32
      %broadcast_in_dim3A_2229 = vector.broadcast %broadcast_in_dim3A_2228 : i32 to vector<16xi32>
      %mul3A_2230 = vector.broadcast %add3A_2164 : i32 to vector<16xi32>
      %mul3A_2231 = arith.muli %broadcast_in_dim3A_2229, %mul3A_2230 : vector<16xi32>
      %gather3A_2232 = arith.constant 13 : i32
      %gather3A_2233 = arith.constant 0 : i32
      %gather3A_2234 = arith.constant 0 : i32
      %gather3A_2235 = tpu.memref_slice %arg6[%gather3A_2232, %gather3A_2233, %gather3A_2234] : memref<16x32x128xf32, #tpu.memory_space<vmem>> -> memref<1x32x128xf32, #tpu.memory_space<vmem>>
      %gather3A_2236 = tpu.memref_squeeze %gather3A_2235 : memref<1x32x128xf32, #tpu.memory_space<vmem>> -> memref<32x128xf32, #tpu.memory_space<vmem>>
      %gather3A_2237 = tpu.vector_load_idx %gather3A_2236[%iota3A, %mul3A_2227] : memref<32x128xf32, #tpu.memory_space<vmem>>[vector<16xi32>, vector<16xi32>], vector<16xf32>,
      %gather3A_2238 = arith.constant 13 : i32
      %gather3A_2239 = arith.constant 0 : i32
      %gather3A_2240 = arith.constant 0 : i32
      %gather3A_2241 = tpu.memref_slice %arg6[%gather3A_2238, %gather3A_2239, %gather3A_2240] : memref<16x32x128xf32, #tpu.memory_space<vmem>> -> memref<1x32x128xf32, #tpu.memory_space<vmem>>
      %gather3A_2242 = tpu.memref_squeeze %gather3A_2241 : memref<1x32x128xf32, #tpu.memory_space<vmem>> -> memref<32x128xf32, #tpu.memory_space<vmem>>
      %gather3A_2243 = tpu.vector_load_idx %gather3A_2242[%add3A_5, %mul3A_2227] : memref<32x128xf32, #tpu.memory_space<vmem>>[vector<16xi32>, vector<16xi32>], vector<16xf32>,
      tpu.vector_store_idx %arg7[%iota3A, %mul3A_2231], %gather3A_2237 : memref<32x512xf32, #tpu.memory_space<vmem>>[vector<16xi32>, vector<16xi32>], vector<16xf32>,
      tpu.vector_store_idx %arg7[%add3A_5, %mul3A_2231], %gather3A_2243 : memref<32x512xf32, #tpu.memory_space<vmem>>[vector<16xi32>, vector<16xi32>], vector<16xf32>,
      %mul3A_2244 = arith.constant 8 : i32
      %mul3A_2245 = arith.muli %add3A_245, %mul3A_2244 : i32
      %add3A_2246 = arith.constant 6 : i32
      %add3A_2247 = arith.addi %mul3A_2245, %add3A_2246 : i32
      %jit3A_2248 = arith.constant 2 : i32
      %div3A_2249 = arith.divsi %add3A_245, %jit3A_2248 : i32
      %sign3A_2250 = arith.constant 0 : i32
      %sign3A_2251 = arith.cmpi sgt, %add3A_245, %sign3A_2250 : i32
      %sign3A_2252 = arith.extui %sign3A_2251 : i1 to i32
      %sign3A_2253 = arith.constant 0 : i32
      %sign3A_2254 = arith.cmpi slt, %add3A_245, %sign3A_2253 : i32
      %sign3A_2255 = arith.extui %sign3A_2254 : i1 to i32
      %sign3A_2256 = arith.subi %sign3A_2252, %sign3A_2255 : i32
      %sign3A_2257 = arith.constant 0 : i32
      %sign3A_2258 = arith.cmpi sgt, %jit3A_2248, %sign3A_2257 : i32
      %sign3A_2259 = arith.extui %sign3A_2258 : i1 to i32
      %sign3A_2260 = arith.constant 0 : i32
      %sign3A_2261 = arith.cmpi slt, %jit3A_2248, %sign3A_2260 : i32
      %sign3A_2262 = arith.extui %sign3A_2261 : i1 to i32
      %sign3A_2263 = arith.subi %sign3A_2259, %sign3A_2262 : i32
      %ne3A_2264 = arith.cmpi ne, %sign3A_2256, %sign3A_2263 : i32
      %rem3A_2265 = arith.remsi %add3A_245, %jit3A_2248 : i32
      %ne3A_2266 = arith.constant 0 : i32
      %ne3A_2267 = arith.cmpi ne, %rem3A_2265, %ne3A_2266 : i32
      %and3A_2268 = arith.andi %ne3A_2264, %ne3A_2267 : i1
      %sub3A_2269 = arith.constant 1 : i32
      %sub3A_2270 = arith.subi %div3A_2249, %sub3A_2269 : i32
      %select_n3A_2271 = arith.select %and3A_2268, %sub3A_2270, %div3A_2249 : i32
      %mul3A_2272 = arith.constant 16 : i32
      %mul3A_2273 = arith.muli %select_n3A_2271, %mul3A_2272 : i32
      %get3A_2274 = arith.index_cast %mul3A_2273 : i32 to index
      %get3A_2275 = tpu.vector_load %arg5[%get3A_2274] {strides = array<i32>} : memref<512xi32, #tpu.memory_space<vmem>>, vector<16xi32>,
      %jit3A_2276 = arith.constant 2 : i32
      %eq3A_2277 = arith.constant 0 : i32
      %eq3A_2278 = arith.cmpi eq, %jit3A_2276, %eq3A_2277 : i32
      %jit3A_2279 = arith.constant 1 : i32
      %select_n3A_2280 = arith.select %eq3A_2278, %jit3A_2279, %jit3A_2276 : i32
      %rem3A_2281 = arith.remsi %add3A_245, %select_n3A_2280 : i32
      %ne3A_2282 = arith.constant 0 : i32
      %ne3A_2283 = arith.cmpi ne, %rem3A_2281, %ne3A_2282 : i32
      %lt3A_2284 = arith.constant 0 : i32
      %lt3A_2285 = arith.cmpi slt, %rem3A_2281, %lt3A_2284 : i32
      %lt3A_2286 = arith.constant 0 : i32
      %lt3A_2287 = arith.cmpi slt, %select_n3A_2280, %lt3A_2286 : i32
      %ne3A_2288 = arith.xori %lt3A_2285, %lt3A_2287 : i1
      %and3A_2289 = arith.andi %ne3A_2288, %ne3A_2283 : i1
      %add3A_2290 = arith.addi %rem3A_2281, %select_n3A_2280 : i32
      %select_n3A_2291 = arith.select %and3A_2289, %add3A_2290, %rem3A_2281 : i32
      %mul3A_2292 = arith.constant 8 : i32
      %mul3A_2293 = arith.muli %select_n3A_2291, %mul3A_2292 : i32
      %add3A_2294 = arith.constant 6 : i32
      %add3A_2295 = arith.addi %mul3A_2293, %add3A_2294 : i32
      %eq3A_2296 = vector.broadcast %add3A_2295 : i32 to vector<16xi32>
      %eq3A_2297 = arith.cmpi eq, %iota3A, %eq3A_2296 : vector<16xi32>
      %jit3A_2298 = arith.constant 0 : i32
      %broadcast_in_dim3A_2299 = vector.broadcast %jit3A_2298 : i32 to vector<16xi32>
      %select_n3A_2300 = arith.select %eq3A_2297, %get3A_2275, %broadcast_in_dim3A_2299 : vector<16xi1>, vector<16xi32>
      %reduce_sum3A_2301 = arith.constant true
      %reduce_sum3A_2302 = vector.broadcast %reduce_sum3A_2301 : i1 to vector<16xi1>
      %reduce_sum3A_2303 = tpu.scan <sum>, %select_n3A_2300 masked %reduce_sum3A_2302 : vector<16xi32>, vector<16xi1> -> vector<16xi32>
      %reduce_sum3A_2304 = vector.extract %reduce_sum3A_2303[15] : i32 from vector<16xi32>
      %broadcast_in_dim3A_2305 = arith.constant 1 : i32
      %broadcast_in_dim3A_2306 = vector.broadcast %broadcast_in_dim3A_2305 : i32 to vector<16xi32>
      %and3A_2307 = arith.constant 127 : i32
      %and3A_2308 = arith.andi %reduce_sum3A_2304, %and3A_2307 : i32
      %mul3A_2309 = vector.broadcast %and3A_2308 : i32 to vector<16xi32>
      %mul3A_2310 = arith.muli %broadcast_in_dim3A_2306, %mul3A_2309 : vector<16xi32>
      %broadcast_in_dim3A_2311 = arith.constant 1 : i32
      %broadcast_in_dim3A_2312 = vector.broadcast %broadcast_in_dim3A_2311 : i32 to vector<16xi32>
      %mul3A_2313 = vector.broadcast %add3A_2247 : i32 to vector<16xi32>
      %mul3A_2314 = arith.muli %broadcast_in_dim3A_2312, %mul3A_2313 : vector<16xi32>
      %gather3A_2315 = arith.constant 14 : i32
      %gather3A_2316 = arith.constant 0 : i32
      %gather3A_2317 = arith.constant 0 : i32
      %gather3A_2318 = tpu.memref_slice %arg6[%gather3A_2315, %gather3A_2316, %gather3A_2317] : memref<16x32x128xf32, #tpu.memory_space<vmem>> -> memref<1x32x128xf32, #tpu.memory_space<vmem>>
      %gather3A_2319 = tpu.memref_squeeze %gather3A_2318 : memref<1x32x128xf32, #tpu.memory_space<vmem>> -> memref<32x128xf32, #tpu.memory_space<vmem>>
      %gather3A_2320 = tpu.vector_load_idx %gather3A_2319[%iota3A, %mul3A_2310] : memref<32x128xf32, #tpu.memory_space<vmem>>[vector<16xi32>, vector<16xi32>], vector<16xf32>,
      %gather3A_2321 = arith.constant 14 : i32
      %gather3A_2322 = arith.constant 0 : i32
      %gather3A_2323 = arith.constant 0 : i32
      %gather3A_2324 = tpu.memref_slice %arg6[%gather3A_2321, %gather3A_2322, %gather3A_2323] : memref<16x32x128xf32, #tpu.memory_space<vmem>> -> memref<1x32x128xf32, #tpu.memory_space<vmem>>
      %gather3A_2325 = tpu.memref_squeeze %gather3A_2324 : memref<1x32x128xf32, #tpu.memory_space<vmem>> -> memref<32x128xf32, #tpu.memory_space<vmem>>
      %gather3A_2326 = tpu.vector_load_idx %gather3A_2325[%add3A_5, %mul3A_2310] : memref<32x128xf32, #tpu.memory_space<vmem>>[vector<16xi32>, vector<16xi32>], vector<16xf32>,
      tpu.vector_store_idx %arg7[%iota3A, %mul3A_2314], %gather3A_2320 : memref<32x512xf32, #tpu.memory_space<vmem>>[vector<16xi32>, vector<16xi32>], vector<16xf32>,
      tpu.vector_store_idx %arg7[%add3A_5, %mul3A_2314], %gather3A_2326 : memref<32x512xf32, #tpu.memory_space<vmem>>[vector<16xi32>, vector<16xi32>], vector<16xf32>,
      %mul3A_2327 = arith.constant 8 : i32
      %mul3A_2328 = arith.muli %add3A_245, %mul3A_2327 : i32
      %add3A_2329 = arith.constant 7 : i32
      %add3A_2330 = arith.addi %mul3A_2328, %add3A_2329 : i32
      %jit3A_2331 = arith.constant 2 : i32
      %div3A_2332 = arith.divsi %add3A_245, %jit3A_2331 : i32
      %sign3A_2333 = arith.constant 0 : i32
      %sign3A_2334 = arith.cmpi sgt, %add3A_245, %sign3A_2333 : i32
      %sign3A_2335 = arith.extui %sign3A_2334 : i1 to i32
      %sign3A_2336 = arith.constant 0 : i32
      %sign3A_2337 = arith.cmpi slt, %add3A_245, %sign3A_2336 : i32
      %sign3A_2338 = arith.extui %sign3A_2337 : i1 to i32
      %sign3A_2339 = arith.subi %sign3A_2335, %sign3A_2338 : i32
      %sign3A_2340 = arith.constant 0 : i32
      %sign3A_2341 = arith.cmpi sgt, %jit3A_2331, %sign3A_2340 : i32
      %sign3A_2342 = arith.extui %sign3A_2341 : i1 to i32
      %sign3A_2343 = arith.constant 0 : i32
      %sign3A_2344 = arith.cmpi slt, %jit3A_2331, %sign3A_2343 : i32
      %sign3A_2345 = arith.extui %sign3A_2344 : i1 to i32
      %sign3A_2346 = arith.subi %sign3A_2342, %sign3A_2345 : i32
      %ne3A_2347 = arith.cmpi ne, %sign3A_2339, %sign3A_2346 : i32
      %rem3A_2348 = arith.remsi %add3A_245, %jit3A_2331 : i32
      %ne3A_2349 = arith.constant 0 : i32
      %ne3A_2350 = arith.cmpi ne, %rem3A_2348, %ne3A_2349 : i32
      %and3A_2351 = arith.andi %ne3A_2347, %ne3A_2350 : i1
      %sub3A_2352 = arith.constant 1 : i32
      %sub3A_2353 = arith.subi %div3A_2332, %sub3A_2352 : i32
      %select_n3A_2354 = arith.select %and3A_2351, %sub3A_2353, %div3A_2332 : i32
      %mul3A_2355 = arith.constant 16 : i32
      %mul3A_2356 = arith.muli %select_n3A_2354, %mul3A_2355 : i32
      %get3A_2357 = arith.index_cast %mul3A_2356 : i32 to index
      %get3A_2358 = tpu.vector_load %arg5[%get3A_2357] {strides = array<i32>} : memref<512xi32, #tpu.memory_space<vmem>>, vector<16xi32>,
      %jit3A_2359 = arith.constant 2 : i32
      %eq3A_2360 = arith.constant 0 : i32
      %eq3A_2361 = arith.cmpi eq, %jit3A_2359, %eq3A_2360 : i32
      %jit3A_2362 = arith.constant 1 : i32
      %select_n3A_2363 = arith.select %eq3A_2361, %jit3A_2362, %jit3A_2359 : i32
      %rem3A_2364 = arith.remsi %add3A_245, %select_n3A_2363 : i32
      %ne3A_2365 = arith.constant 0 : i32
      %ne3A_2366 = arith.cmpi ne, %rem3A_2364, %ne3A_2365 : i32
      %lt3A_2367 = arith.constant 0 : i32
      %lt3A_2368 = arith.cmpi slt, %rem3A_2364, %lt3A_2367 : i32
      %lt3A_2369 = arith.constant 0 : i32
      %lt3A_2370 = arith.cmpi slt, %select_n3A_2363, %lt3A_2369 : i32
      %ne3A_2371 = arith.xori %lt3A_2368, %lt3A_2370 : i1
      %and3A_2372 = arith.andi %ne3A_2371, %ne3A_2366 : i1
      %add3A_2373 = arith.addi %rem3A_2364, %select_n3A_2363 : i32
      %select_n3A_2374 = arith.select %and3A_2372, %add3A_2373, %rem3A_2364 : i32
      %mul3A_2375 = arith.constant 8 : i32
      %mul3A_2376 = arith.muli %select_n3A_2374, %mul3A_2375 : i32
      %add3A_2377 = arith.constant 7 : i32
      %add3A_2378 = arith.addi %mul3A_2376, %add3A_2377 : i32
      %eq3A_2379 = vector.broadcast %add3A_2378 : i32 to vector<16xi32>
      %eq3A_2380 = arith.cmpi eq, %iota3A, %eq3A_2379 : vector<16xi32>
      %jit3A_2381 = arith.constant 0 : i32
      %broadcast_in_dim3A_2382 = vector.broadcast %jit3A_2381 : i32 to vector<16xi32>
      %select_n3A_2383 = arith.select %eq3A_2380, %get3A_2358, %broadcast_in_dim3A_2382 : vector<16xi1>, vector<16xi32>
      %reduce_sum3A_2384 = arith.constant true
      %reduce_sum3A_2385 = vector.broadcast %reduce_sum3A_2384 : i1 to vector<16xi1>
      %reduce_sum3A_2386 = tpu.scan <sum>, %select_n3A_2383 masked %reduce_sum3A_2385 : vector<16xi32>, vector<16xi1> -> vector<16xi32>
      %reduce_sum3A_2387 = vector.extract %reduce_sum3A_2386[15] : i32 from vector<16xi32>
      %broadcast_in_dim3A_2388 = arith.constant 1 : i32
      %broadcast_in_dim3A_2389 = vector.broadcast %broadcast_in_dim3A_2388 : i32 to vector<16xi32>
      %and3A_2390 = arith.constant 127 : i32
      %and3A_2391 = arith.andi %reduce_sum3A_2387, %and3A_2390 : i32
      %mul3A_2392 = vector.broadcast %and3A_2391 : i32 to vector<16xi32>
      %mul3A_2393 = arith.muli %broadcast_in_dim3A_2389, %mul3A_2392 : vector<16xi32>
      %broadcast_in_dim3A_2394 = arith.constant 1 : i32
      %broadcast_in_dim3A_2395 = vector.broadcast %broadcast_in_dim3A_2394 : i32 to vector<16xi32>
      %mul3A_2396 = vector.broadcast %add3A_2330 : i32 to vector<16xi32>
      %mul3A_2397 = arith.muli %broadcast_in_dim3A_2395, %mul3A_2396 : vector<16xi32>
      %gather3A_2398 = arith.constant 15 : i32
      %gather3A_2399 = arith.constant 0 : i32
      %gather3A_2400 = arith.constant 0 : i32
      %gather3A_2401 = tpu.memref_slice %arg6[%gather3A_2398, %gather3A_2399, %gather3A_2400] : memref<16x32x128xf32, #tpu.memory_space<vmem>> -> memref<1x32x128xf32, #tpu.memory_space<vmem>>
      %gather3A_2402 = tpu.memref_squeeze %gather3A_2401 : memref<1x32x128xf32, #tpu.memory_space<vmem>> -> memref<32x128xf32, #tpu.memory_space<vmem>>
      %gather3A_2403 = tpu.vector_load_idx %gather3A_2402[%iota3A, %mul3A_2393] : memref<32x128xf32, #tpu.memory_space<vmem>>[vector<16xi32>, vector<16xi32>], vector<16xf32>,
      %gather3A_2404 = arith.constant 15 : i32
      %gather3A_2405 = arith.constant 0 : i32
      %gather3A_2406 = arith.constant 0 : i32
      %gather3A_2407 = tpu.memref_slice %arg6[%gather3A_2404, %gather3A_2405, %gather3A_2406] : memref<16x32x128xf32, #tpu.memory_space<vmem>> -> memref<1x32x128xf32, #tpu.memory_space<vmem>>
      %gather3A_2408 = tpu.memref_squeeze %gather3A_2407 : memref<1x32x128xf32, #tpu.memory_space<vmem>> -> memref<32x128xf32, #tpu.memory_space<vmem>>
      %gather3A_2409 = tpu.vector_load_idx %gather3A_2408[%add3A_5, %mul3A_2393] : memref<32x128xf32, #tpu.memory_space<vmem>>[vector<16xi32>, vector<16xi32>], vector<16xf32>,
      tpu.vector_store_idx %arg7[%iota3A, %mul3A_2397], %gather3A_2403 : memref<32x512xf32, #tpu.memory_space<vmem>>[vector<16xi32>, vector<16xi32>], vector<16xf32>,
      tpu.vector_store_idx %arg7[%add3A_5, %mul3A_2397], %gather3A_2409 : memref<32x512xf32, #tpu.memory_space<vmem>>[vector<16xi32>, vector<16xi32>], vector<16xf32>,
    }
    %scan3A_240 = arith.constant 32 : i32
    "tpu.region"() ({
      %run_scoped3A = tpu.sem_alloc : memref<!tpu.dma_semaphore, #tpu.memory_space<semaphore_mem>>
      %dma_start3A_241 = arith.constant 0 : i32
      %dma_start3A_242 = tpu.memref_slice %arg4[%dma_start3A_241, %mul3A_2] : memref<32x16384xf32, #tpu.memory_space<hbm>> -> memref<32x512xf32, #tpu.memory_space<hbm>>
      %dma_start3A_243 = arith.constant 0 : i32
      %dma_start3A_244 = tpu.memref_slice %arg4[%dma_start3A_243, %mul3A_2] : memref<32x16384xf32, #tpu.memory_space<hbm>> -> memref<32x512xf32, #tpu.memory_space<hbm>>
      tpu.enqueue_dma source(%arg7 : memref<32x512xf32, #tpu.memory_space<vmem>>) target(%dma_start3A_244 : memref<32x512xf32, #tpu.memory_space<hbm>>) target_semaphore(%run_scoped3A : memref<!tpu.dma_semaphore, #tpu.memory_space<semaphore_mem>>)
      %dma_wait3A = arith.constant 0 : i32
      %dma_wait3A_245 = tpu.memref_slice %arg4[%dma_wait3A, %mul3A_2] : memref<32x16384xf32, #tpu.memory_space<hbm>> -> memref<32x512xf32, #tpu.memory_space<hbm>>
      %dma_wait3A_246 = arith.constant 0 : i32
      %dma_wait3A_247 = tpu.memref_slice %arg4[%dma_wait3A_246, %mul3A_2] : memref<32x16384xf32, #tpu.memory_space<hbm>> -> memref<32x512xf32, #tpu.memory_space<hbm>>
      tpu.wait_dma2 semaphore(%run_scoped3A : memref<!tpu.dma_semaphore, #tpu.memory_space<semaphore_mem>>) src(%arg7 : memref<32x512xf32, #tpu.memory_space<vmem>>) dst(%dma_wait3A_247 : memref<32x512xf32, #tpu.memory_space<hbm>>)
      tpu.yield
    }) : () -> ()
    return
  }
}

</mosaic_0001>

<sc_bundles>
// kernel: kernel.3.cloned.1.call-start
scs
__scs_entry_jumppad:
0x0: {  	(pc) =	sbr.rel $0x88, $3  }
0x1: {  	(tag) =	ssettag $0x0;
	lr =	simm.s32 $0x1  }
0x2: {  	[smem:$0x3F9F] =	sst lr;
	_ =	strace $0xD0000000  }
0x3: {  	_ = 	snop  }
0x4: {  	_ = 	snop  }
0x5: {  	_ = 	snop  }
0x6: {  	_ = 	snop  }
0x7: {  	_ = 	snop  }
__scs_overlays_trampoline_lowered:
0x8: {  	[smem:$0x3FAE] =	sst s0  }
0x9: {  	[smem:$0x3FAF] =	sst s1  }
0xa: {  	[smem:$0x3FB0] =	sst s2  }
0xb: {  	[smem:$0x3FB1] =	sst s3  }
0xc: {  	[smem:$0x3FB2] =	sst s4  }
0xd: {  	[smem:$0x3FB3] =	sst s5  }
0xe: {  	[smem:$0x3FB4] =	sst s6  }
0xf: {  	[smem:$0x3FB5] =	sst s7  }
0x10: {  	[smem:$0x3FB6] =	sst s8  }
0x11: {  	[smem:$0x3FB7] =	sst s9;
	s0 =	simm.s32 @!p0 $0x0  }
0x12: {  	s1 =	sld [smem:$0x3F9D];
	s0 =	simm.s32 @p0 $0x1  }
0x13: {  	[smem:$0x3FB8] =	sst s0;
	s0 =	simm.s32 @!p1 $0x0  }
0x14: {  	s2 =	sld [smem:$0x3F9C];
	s0 =	simm.s32 @p1 $0x1  }
0x15: {  	[smem:$0x3FB9] =	sst s0;
	s0 =	simm.s32 @!p2 $0x0  }
0x16: {  	s3 =	sld [smem:$0x3FDB];
	s0 =	simm.s32 @p2 $0x1  }
0x17: {  	s4 =	simm.s32 $0x1BF5;
	[smem:$0x3FBB] =	sst s0  }
0x18: {  	s0 =	sld [smem:$0x3F9E];
	_ =	swait.ge [sflag:s4], $0x0  }
0x19: {  	s7 =	sld [smem:$0x3F9F]  }
0x1a: {  	s8 =	sadd.s32 $0xFFFFE003, lr  }
0x1b: {  	s9 =	sadd.s32 $0xFFFFFEF7, lr;
	s5 =	simm.s32 $0xFFFFFFFF;
	p2 =	slt.u32 s8, $0xFFFFF086  }
0x1c: {  	p1 =	slt.u32 s9, $0xF7A;
	s5 =	simm.s32 @!p2 $0x0  }
0x1d: {  	s5 =	simm.s32 @p1 $0x1;
	p0 =	seq.s32 s7, s2  }
0x1e: {  	s7 =	smul.u32 @!p0 $0xF7A, s2;
	p2 =	seq.s32 @!p0 s5, $0x0  }
0x1f: {  	s9 =	smul.u32 $0xF7A, s1;
	s8 =	simm.s32 @!p0 $0x1BF5;
	p2 =	por !p2, p0  }
0x20: {  	[sflag:s8] =	ssyncset.s32 @!p0 $0xFFFFF086;
	s6 =	sadd.s32 @!p0 s3, s7;
	s7 =	simm.s32 @!p0 $0x108  }
0x21: {  	s3 =	sadd.s32 s3, s9;
	s6 =	sadd.s32 @!p0 $0x88, s6;
	s7 =	simm.s32 @p2 $0x1082  }
0x22: {  	[simem:s7], [sflag:s8] =	dma.local @!p0 [hbm:s6], $0xF7A  }
0x23: {  	s9 =	sor.u32 $0xD0000000, s2;
	s6 =	simm.s32 $0x108;
	_ =	swait.ge @!p0 [sflag:s8], $0x0  }
0x24: {  	s3 =	sadd.s32 $0x88, s3;
	s6 =	simm.s32 @!p1 $0x1082;
	[sflag:s4] =	ssyncset.s32 $0xFFFFF086  }
0x25: {  	[simem:s6], [sflag:s4] =	dma.local [hbm:s3], $0xF7A  }
0x26: {  	[smem:$0x3F9F] =	sst s1;
	(tag) =	ssettag s2;
	_ =	strace s9  }
0x27: {  	s1 =	sld [smem:$0x3FAF]  }
0x28: {  	s2 =	sld [smem:$0x3FB0]  }
0x29: {  	s4 =	sld [smem:$0x3FB2]  }
0x2a: {  	p0 =	seq.s32 s5, $0x0;
	s5 =	sld [smem:$0x3FB3]  }
0x2b: {  	s6 =	sld [smem:$0x3FB4]  }
0x2c: {  	s7 =	sld [smem:$0x3FB5]  }
0x2d: {  	s3 =	simm.s32 $0x108;
	s8 =	sld [smem:$0x3FB6]  }
0x2e: {  	s3 =	simm.s32 @!p0 $0x1082;
	s9 =	sld [smem:$0x3FB7]  }
0x2f: {  	lr =	sadd.s32 s0, s3;
	s0 =	sld [smem:$0x3FAE]  }
0x30: {  	s3 =	sld [smem:$0x3FB1]  }
0x31: {  	[smem:$0x3FBA] =	sst s10  }
0x32: {  	s10 =	sld [smem:$0x3FB8];
	_ =	sdelay $0x3  }
0x33: {  	p0 =	seq.s32 s10, $0x1;
	s10 =	sld [smem:$0x3FBA];
	_ =	sdelay $0x3  }
0x34: {  	[smem:$0x3FBA] =	sst s10  }
0x35: {  	s10 =	sld [smem:$0x3FB9];
	_ =	sdelay $0x3  }
0x36: {  	p1 =	seq.s32 s10, $0x1;
	s10 =	sld [smem:$0x3FBA];
	_ =	sdelay $0x3  }
0x37: {  	[smem:$0x3FBA] =	sst s10  }
0x38: {  	s10 =	sld [smem:$0x3FBB]  }
0x39: {  	_ = 	snop;
	(pc) =	sbr.ind lr, $3  }
0x3a: {  	_ = 	snop  }
0x3b: {  	_ = 	snop  }
0x3c: {  	p2 =	seq.s32 s10, $0x1;
	s10 =	sld [smem:$0x3FBA]  }
0x3d: {  	_ =	shalt  }
0x3e: {  	_ =	shalt  }
0x3f: {  	_ =	shalt  }
0x40: {  	_ =	shalt  }
0x41: {  	_ =	shalt  }
0x42: {  	_ =	shalt  }
0x43: {  	_ =	shalt  }
0x44: {  	_ =	shalt  }
0x45: {  	_ =	shalt  }
0x46: {  	_ =	shalt  }
0x47: {  	_ =	shalt  }
0x48: {  	_ =	shalt  }
0x49: {  	_ =	shalt  }
0x4a: {  	_ =	shalt  }
0x4b: {  	_ =	shalt  }
0x4c: {  	_ =	shalt  }
0x4d: {  	_ =	shalt  }
0x4e: {  	_ =	shalt  }
0x4f: {  	_ =	shalt  }
0x50: {  	_ =	shalt  }
0x51: {  	_ =	shalt  }
0x52: {  	_ =	shalt  }
0x53: {  	_ =	shalt  }
0x54: {  	_ =	shalt  }
0x55: {  	_ =	shalt  }
0x56: {  	_ =	shalt  }
0x57: {  	_ =	shalt  }
0x58: {  	_ =	shalt  }
0x59: {  	_ =	shalt  }
0x5a: {  	_ =	shalt  }
0x5b: {  	_ =	shalt  }
0x5c: {  	_ =	shalt  }
0x5d: {  	_ =	shalt  }
0x5e: {  	_ =	shalt  }
0x5f: {  	_ =	shalt  }
0x60: {  	_ =	shalt  }
0x61: {  	_ =	shalt  }
0x62: {  	_ =	shalt  }
0x63: {  	_ =	shalt  }
0x64: {  	_ =	shalt  }
0x65: {  	_ =	shalt  }
0x66: {  	_ =	shalt  }
0x67: {  	_ =	shalt  }
0x68: {  	_ =	shalt  }
0x69: {  	_ =	shalt  }
0x6a: {  	_ =	shalt  }
0x6b: {  	_ =	shalt  }
0x6c: {  	_ =	shalt  }
0x6d: {  	_ =	shalt  }
0x6e: {  	_ =	shalt  }
0x6f: {  	_ =	shalt  }
0x70: {  	_ =	shalt  }
0x71: {  	_ =	shalt  }
0x72: {  	_ =	shalt  }
0x73: {  	_ =	shalt  }
0x74: {  	_ =	shalt  }
0x75: {  	_ =	shalt  }
0x76: {  	_ =	shalt  }
0x77: {  	_ =	shalt  }
0x78: {  	_ =	shalt  }
0x79: {  	_ =	shalt  }
0x7a: {  	_ =	shalt  }
0x7b: {  	_ =	shalt  }
0x7c: {  	_ =	shalt  }
0x7d: {  	_ =	shalt  }
0x7e: {  	_ =	shalt  }
0x7f: {  	_ =	shalt  }
0x80: {  	_ =	shalt  }
0x81: {  	_ =	shalt  }
0x82: {  	_ =	shalt  }
0x83: {  	_ =	shalt  }
0x84: {  	_ =	shalt  }
0x85: {  	_ =	shalt  }
0x86: {  	_ =	shalt  }
0x87: {  	_ =	shalt  }
.Lfunc_end0:
.L_simem_size_0:
called_computation_lowered:
.L_overlay_start_0:
0x88: {  	s2 =	sld [smem:$0x3FD9]  }
0x89: {  	s3 =	sld [smem:$0x3FFE];
	_ =	sdelay $0x1  }
0x8a: {  	s1 =	srdreg.scid  }
0x8b: {  	s0 =	sand.u32 $0x1, s1  }
0x8c: {  	s18 =	sshll.u32 s0, $0xA;
	s2 =	sadd.s32 s3, s2  }
0x8d: {  	s2 =	sadd.s32 s2, s18  }
0x8e: {  	[smem:$0x3FC6] =	sst s2  }
0x8f: {  	_ = 	snop  }
0x90: {  	s2 =	sld [smem:$0x3FC9]  }
0x91: {  	s19 =	sld [smem:$0x3FC8]  }
0x92: {  	s4 =	sld [smem:$0x3FD0];
	(tm) =	ssettm $0x1  }
0x93: {  	s5 =	sld [smem:$0x3FFB];
	_ =	sdelay $0x3  }
0x94: {  	_ =	strace s5  }
0x95: {  	s5 =	sld [smem:$0x3FFC];
	_ =	sdelay $0x3  }
0x96: {  	_ =	strace s5  }
0x97: {  	s5 =	sld [smem:$0x3FFD];
	_ =	sdelay $0x3  }
0x98: {  	_ =	strace s5  }
0x99: {  	_ =	strace $0x8FFFFFFF  }
0x9a: {  	s20 =	sld [smem:$0x3FDB];
	_ =	sdelay $0x1  }
0x9b: {  	s6 =	simm.s32 $_scs_section_size  }
0x9c: {  	s7 =	simm.s32 $_size__tile_overlayer_lowered;
	s8 =	simm.s32 $_tile_overlayer_lowered  }
0x9d: {  	s23 =	simm.s32 $0x1BFF;
	s22 =	sshll.u32 s8, $0x1;
	s5 =	sadd.s32 s6, s20  }
0x9e: {  	s9 =	simm.s32 $0x0;
	s21 =	sshll.u32 s7, $0x1;
	s7 =	sadd.s32 s22, s5  }
0x9f: {  	[timem:s9], [sflag:s23] =	dma.local [hbm:s7], s21  }
0xa0: {  	_ =	swait.ge [sflag:s23], s21  }
0xa1: {  	s6 =	ssub.s32 $0x0, s21;
	[sflag:s23] =	ssyncset.done $0x0  }
0xa2: {  	[sflag:s23] =	ssyncadd.s32 s6;
	_ =	sdelay $0x1  }
0xa3: {  	s24 =	simm.s32 $0x1B8B  }
0xa4: {  	_ =	swait.ge [sflag:s24], $0x1  }
0xa5: {  	[sflag:s24] =	ssyncset.done $0x0  }
0xa6: {  	s25 =	simm.s32 $0x1B8E;
	[sflag:s24] =	ssyncadd.s32 $0xFFFFFFFF  }
0xa7: {  	s26 =	simm.s32 $execute0_lowered;
	[smem:$0x3FD2] =	sst s25  }
0xa8: {  	s6 =	sshll.u32 s26, $0x1;
	_ =	strace $0x80000046;
	[dreg:$0x1] =	wrdreg $0xFFFFFFFF  }
0xa9: {  	s28 =	simm.s32 $_size_execute0_lowered;
	s5 =	sadd.s32 s5, s6;
	[dreg:$0x0] =	wrdreg $0x0  }
0xaa: {  	s6 =	sshll.u32 s28, $0x1;
	[dreg:$0x2] =	wrdreg s5  }
0xab: {  	[dreg:$0x3] =	wrdreg s6  }
0xac: {  	[dreg:$0x4] =	wrdreg $0xC0  }
0xad: {  	_ =	task [dreg:s9], $0x5FFFF  }
0xae: {  	[dreg:$0x1] =	wrdreg $0xFFFFFFFF  }
0xaf: {  	[dreg:$0x0] =	wrdreg $0x60  }
0xb0: {  	[dreg:$0x2] =	wrdreg s2  }
0xb1: {  	[dreg:$0x3] =	wrdreg s19  }
0xb2: {  	[dreg:$0x4] =	wrdreg s4  }
0xb3: {  	[dreg:$0x5] =	wrdreg $0x9  }
0xb4: {  	_ =	task.clear_ibuf [dreg:s9], $0x6FFFF;
	_ =	strace $0x90000046  }
0xb5: {  	s29 =	simm.s32 $0x9;
	_ =	strace $0x80000048  }
0xb6: {  	_ =	swait.ge [sflag:s29], $0x1  }
0xb7: {  	[sflag:s29] =	ssyncadd.s32 $0xFFFFFFFF  }
0xb8: {  	_ =	strace $0x90000048  }
0xb9: {  	_ =	sfence  }
0xba: {  	s30 =	sld [smem:$0x0];
	_ =	sdelay $0x2  }
0xbb: {  	s31 =	sshll.u32 s1, $0xD;
	s1 =	sshrl.u32 s1, $0x2  }
0xbc: {  	s3 =	sand.u32 $0x4000, s31;
	s1 =	sadd.s32 s1, s30  }
0xbd: {  	s0 =	sor.u32 s3, s0;
	s1 =	sshll.u32 s1, $0x11  }
0xbe: {  	s0 =	sor.u32 s1, s0  }
0xbf: {  	s0 =	sadd.s32 $0x8F2B, s0  }
0xc0: {  	[sflag:s0] =	ssyncadd.remote.s32 $0x1  }
0xc1: {  	_ =	sfence.sel $0xFFFF  }
0xc2: {  	[dreg:$0x0] =	wrdreg $0xFFFFFFFF;
	(pc) =	sbr.abs _section_cstart, $3  }
0xc3: {  	[dreg:$0x1] =	wrdreg $0xFFFFFFFF  }
0xc4: {  	_ =	task.clear_ibuf [dreg:s9], $0x2FFFF;
	_ =	strace $0x9FFFFFFF  }
0xc5: {  	(tm) =	ssettm $0x7FFFFFFF  }
tec
execute0_lowered:
.L_overlay_start_1:
0x0: {  	(tag) =	ssettag $0x1  }
0x1: {  	vm0 =	vmmov $0x1  }
0x2: {  	vm1 =	vcmask $0x308;
	vm2 =	vcmask $0x70C;
	vm3 =	vcmask $0xB10  }
0x3: {  	vm4 =	vcmask $0xF14;
	vm5 =	vcmask $0x1318;
	vm6 =	vcmask $0x171C  }
0x4: {  	vm7 =	vcmask $0x1B20;
	vm8 =	vcmask $0x1F24;
	vm9 =	vcmask $0x2328  }
0x5: {  	vm10 =	vcmask $0x272C;
	vm11 =	vcmask $0x2B30;
	vm12 =	vcmask $0x2F34  }
0x6: {  	vm13 =	vcmask $0x3338;
	v0 =	vlaneseq.u32;
	v1 =	vimm.s32 $0x1380  }
0x7: {  	vm14 =	vcmask $0x300;
	vm15 =	vcmask $0x704;
	v2 =	vimm.s32 $0x3380  }
0x8: {  	s1 =	rddreg [dreg:$0x0];
	v0 =	vmul.u32 $0x80, v0;
	v1 =	vsel vm14, $0x0, v1;
	v2 =	vsel vm14, $0x2000, v2  }
0x9: {  	s0 =	rddreg [dreg:$0x1];
	vm14 =	vcmask $0xB08;
	v1 =	vsel vm15, $0x80, v1;
	v2 =	vsel vm15, $0x2080, v2  }
0xa: {  	s2 =	srdreg.scid;
	s3 =	rddreg [dreg:$0x2];
	vm15 =	vcmask $0xF0C;
	v1 =	vsel vm14, $0x100, v1;
	v2 =	vsel vm14, $0x2100, v2  }
0xb: {  	s4 =	stileid.u32;
	s6 =	simm.s32 $0x0;
	s7 =	simm.s32 $0x400;
	vm14 =	vcmask $0x1310;
	v3 =	vor.u32 $0x800, v0;
	v1 =	vsel vm15, $0x180, v1  }
0xc: {  	s8 =	simm.s32 $0x3;
	s9 =	simm.s32 $0x7A1400;
	s10 =	simm.s32 $0x200;
	v2 =	vsel vm15, $0x2180, v2;
	vm15 =	vcmask $0x1714;
	v1 =	vsel vm14, $0x200, v1  }
0xd: {  	s11 =	simm.s32 $0x1200;
	s12 =	simm.s32 $0x2200;
	s13 =	simm.s32 $0x3200;
	v2 =	vsel vm14, $0x2200, v2;
	vm14 =	vcmask $0x1B18;
	v1 =	vsel vm15, $0x280, v1  }
0xe: {  	s14 =	simm.s32 $0x4200;
	s15 =	simm.s32 $0x5200;
	s16 =	simm.s32 $0x6200;
	v2 =	vsel vm15, $0x2280, v2;
	vm15 =	vcmask $0x1F1C;
	v1 =	vsel vm14, $0x300, v1  }
0xf: {  	s17 =	simm.s32 $0x7200;
	s18 =	simm.s32 $0x8200;
	s19 =	simm.s32 $0x9200;
	v2 =	vsel vm14, $0x2300, v2;
	vm14 =	vcmask $0x2320;
	v1 =	vsel vm15, $0x380, v1  }
0x10: {  	s20 =	simm.s32 $0xA200;
	s21 =	simm.s32 $0xB200;
	s22 =	simm.s32 $0xC200;
	v2 =	vsel vm15, $0x2380, v2;
	vm15 =	vcmask $0x2724;
	v1 =	vsel vm14, $0x1000, v1  }
0x11: {  	s23 =	simm.s32 $0xD200;
	s24 =	simm.s32 $0xE200;
	s25 =	simm.s32 $0xF200;
	v2 =	vsel vm14, $0x3000, v2;
	vm14 =	vcmask $0x2B28;
	v1 =	vsel vm15, $0x1080, v1  }
0x12: {  	s26 =	simm.s32 $0x1;
	s28 =	simm.s32 $0x10200;
	s29 =	simm.s32 $0x2;
	v2 =	vsel vm15, $0x3080, v2;
	vm15 =	vcmask $0x2F2C;
	v1 =	vsel vm14, $0x1100, v1  }
.Ltmp0:
0x13: {  	s2 =	sand.u32 $0x1, s2;
	s4 =	sshll.u32 s4, $0xA;
	v2 =	vsel vm14, $0x3100, v2;
	vm14 =	vcmask $0x3330;
	v1 =	vsel vm15, $0x1180, v1;
	(pc) =	sbr.rel .LBB2_1-.Ltmp0, $4  }
0x14: {  	[smem:$0x7FF] =	sst s6;
	s5 =	sshll.u32 s2, $0x9;
	s2 =	ssub.s32 $0x2, s2;
	v2 =	vsel vm15, $0x3180, v2;
	vm15 =	vcmask $0x3330;
	v1 =	vsel vm14, $0x1200, v1  }
0x15: {  	_ =	strace $0x80000047;
	s5 =	sor.u32 s5, s4;
	s30 =	sshrl.u32 s2, $0x1;
	vm14 =	vcmask $0x3734;
	v2 =	vsel vm15, $0x3200, v2;
	vm15 =	vcmask $0x3B38  }
0x16: {  	s31 =	sshrl.u32 s5, $0x3;
	s2 =	ssub.s32 s2, s30;
	s5 =	sadd.s32 s3, s5;
	v1 =	vsel vm14, $0x1280, v1;
	v2 =	vsel vm14, $0x3280, v2;
	vm14 =	vcmask $0x373C  }
0x17: {  	s4 =	sadd.s32 s1, s31;
	s6 =	smax.u32 s2, $0x1;
	s2 =	simm.s32 $0x0;
	v1 =	vsel vm15, $0x1300, v1;
	v2 =	vsel vm15, $0x3300, v2;
	vm15 =	vmmov $0x7fff  }
.LBB2_5:
0x18: {  	s2 =	sadd.s32 $0x1, s2  }
0x19: {  	p0 =	sne.s32 s2, s6  }
.Ltmp1:
0x1a: {  	s1 =	simm.s32 $0x1000;
	s3 =	simm.s32 $0x20000;
	(pc) =	sbr.rel @!p0 .LBB2_6-.Ltmp1, $4  }
0x1b: {  	[hbm4b:s5+s1] =	stream.strided.scatter [tilespmem:s28], [sflag:$0x3], $0x4000, s3, s1, $0x38;
	[tilespmem:$0x14200] =	vst v63  }
0x1c: {  	_ =	swait.ge [sflag:s8], $0x4000  }
0x1d: {  	[sflag:s8] =	ssyncset.done $0x0  }
0x1e: {  	[sflag:s8] =	ssyncadd.s32 $0xFFFFC000  }
.LBB2_1:
0x1f: {  	s1 =	simm.s32 $0x0  }
0x20: {  	[tilespmem:s1], [sflag:$0x3] =	stream.linear.gather [hbm4b:s4+s1], $0x200, $0x38;
	[tilespmem:$0x14200] =	vst v63  }
0x21: {  	_ =	swait.ge [sflag:s8], $0x200  }
0x22: {  	[sflag:s8] =	ssyncset.done $0x0  }
0x23: {  	[sflag:s8] =	ssyncadd.s32 $0xFFFFFE00  }
0x24: {  	v4 =	vld [tilespmem:$0x0];
	_ =	sdelay $0x4  }
0x25: {  	v4 =	vnsel vm0, $0x0, v4  }
0x26: {  	(xrf0) =	vadd.scan.msk.s32 $0xffff, v4;
	_ =	sdelay $0x5  }
0x27: {  	v4, _, _ =	vpop (xrf0)  }
0x28: {  	(v2sf) =	vpush v4, $0xF;
	_ =	sdelay $0xe  }
0x29: {  	s30 =	spop (v2sf)  }
0x2a: {  	s1 =	sand.u32 $0xFFFFF80, s30  }
0x2b: {  	s1 =	sadd.s32 s0, s1  }
0x2c: {  	[tilespmem:s10], [sflag:$0x1] =	stream.strided.gather [hbm4b:s1+s7], $0x1000, s9, s7, $0x38;
	[tilespmem:$0x14200] =	vst v63  }
0x2d: {  	v4 =	vld [tilespmem:$0x0];
	_ =	sdelay $0x4  }
0x2e: {  	v4 =	vsel vm1, $0x0, v4  }
0x2f: {  	(xrf0) =	vadd.scan.msk.s32 $0xffff, v4;
	_ =	sdelay $0x5  }
0x30: {  	v4, _, _ =	vpop (xrf0)  }
0x31: {  	(v2sf) =	vpush v4, $0xF;
	_ =	sdelay $0xe  }
0x32: {  	s31 =	spop (v2sf)  }
0x33: {  	s1 =	sand.u32 $0xFFFFF80, s31  }
0x34: {  	s1 =	sadd.s32 s0, s1  }
0x35: {  	[tilespmem:s11], [sflag:$0x1] =	stream.strided.gather [hbm4b:s1+s7], $0x1000, s9, s7, $0x38;
	[tilespmem:$0x14200] =	vst v63  }
0x36: {  	v4 =	vld [tilespmem:$0x0];
	_ =	sdelay $0x4  }
0x37: {  	v4 =	vsel vm2, $0x0, v4  }
0x38: {  	(xrf0) =	vadd.scan.msk.s32 $0xffff, v4;
	_ =	sdelay $0x5  }
0x39: {  	v4, _, _ =	vpop (xrf0)  }
0x3a: {  	(v2sf) =	vpush v4, $0xF;
	_ =	sdelay $0xe  }
0x3b: {  	s3 =	spop (v2sf)  }
0x3c: {  	s1 =	sand.u32 $0xFFFFF80, s3  }
0x3d: {  	s1 =	sadd.s32 s0, s1  }
0x3e: {  	[tilespmem:s12], [sflag:$0x1] =	stream.strided.gather [hbm4b:s1+s7], $0x1000, s9, s7, $0x38;
	[tilespmem:$0x14200] =	vst v63  }
0x3f: {  	v4 =	vld [tilespmem:$0x0];
	_ =	sdelay $0x4  }
0x40: {  	v4 =	vsel vm3, $0x0, v4  }
0x41: {  	(xrf0) =	vadd.scan.msk.s32 $0xffff, v4;
	_ =	sdelay $0x5  }
0x42: {  	v4, _, _ =	vpop (xrf0)  }
0x43: {  	(v2sf) =	vpush v4, $0xF;
	_ =	sdelay $0xe  }
0x44: {  	s30 =	spop (v2sf)  }
0x45: {  	s1 =	sand.u32 $0xFFFFF80, s30  }
0x46: {  	s1 =	sadd.s32 s0, s1  }
0x47: {  	[tilespmem:s13], [sflag:$0x1] =	stream.strided.gather [hbm4b:s1+s7], $0x1000, s9, s7, $0x38;
	[tilespmem:$0x14200] =	vst v63  }
0x48: {  	v4 =	vld [tilespmem:$0x0];
	_ =	sdelay $0x4  }
0x49: {  	v4 =	vsel vm4, $0x0, v4  }
0x4a: {  	(xrf0) =	vadd.scan.msk.s32 $0xffff, v4;
	_ =	sdelay $0x5  }
0x4b: {  	v4, _, _ =	vpop (xrf0)  }
0x4c: {  	(v2sf) =	vpush v4, $0xF;
	_ =	sdelay $0xe  }
0x4d: {  	s31 =	spop (v2sf)  }
0x4e: {  	s1 =	sand.u32 $0xFFFFF80, s31  }
0x4f: {  	s1 =	sadd.s32 s0, s1  }
0x50: {  	[tilespmem:s14], [sflag:$0x1] =	stream.strided.gather [hbm4b:s1+s7], $0x1000, s9, s7, $0x38;
	[tilespmem:$0x14200] =	vst v63  }
0x51: {  	v4 =	vld [tilespmem:$0x0];
	_ =	sdelay $0x4  }
0x52: {  	v4 =	vsel vm5, $0x0, v4  }
0x53: {  	(xrf0) =	vadd.scan.msk.s32 $0xffff, v4;
	_ =	sdelay $0x5  }
0x54: {  	v4, _, _ =	vpop (xrf0)  }
0x55: {  	(v2sf) =	vpush v4, $0xF;
	_ =	sdelay $0xe  }
0x56: {  	s3 =	spop (v2sf)  }
0x57: {  	s1 =	sand.u32 $0xFFFFF80, s3  }
0x58: {  	s1 =	sadd.s32 s0, s1  }
0x59: {  	[tilespmem:s15], [sflag:$0x1] =	stream.strided.gather [hbm4b:s1+s7], $0x1000, s9, s7, $0x38;
	[tilespmem:$0x14200] =	vst v63  }
0x5a: {  	v4 =	vld [tilespmem:$0x0];
	_ =	sdelay $0x4  }
0x5b: {  	v4 =	vsel vm6, $0x0, v4  }
0x5c: {  	(xrf0) =	vadd.scan.msk.s32 $0xffff, v4;
	_ =	sdelay $0x5  }
0x5d: {  	v4, _, _ =	vpop (xrf0)  }
0x5e: {  	(v2sf) =	vpush v4, $0xF;
	_ =	sdelay $0xe  }
0x5f: {  	s30 =	spop (v2sf)  }
0x60: {  	s1 =	sand.u32 $0xFFFFF80, s30  }
0x61: {  	s1 =	sadd.s32 s0, s1  }
0x62: {  	[tilespmem:s16], [sflag:$0x1] =	stream.strided.gather [hbm4b:s1+s7], $0x1000, s9, s7, $0x38;
	[tilespmem:$0x14200] =	vst v63  }
0x63: {  	v4 =	vld [tilespmem:$0x0];
	_ =	sdelay $0x4  }
0x64: {  	v4 =	vsel vm7, $0x0, v4  }
0x65: {  	(xrf0) =	vadd.scan.msk.s32 $0xffff, v4;
	_ =	sdelay $0x5  }
0x66: {  	v4, _, _ =	vpop (xrf0)  }
0x67: {  	(v2sf) =	vpush v4, $0xF;
	_ =	sdelay $0xe  }
.Ltmp2:
0x68: {  	s31 =	spop (v2sf);
	(pc) =	sbr.rel .LBB2_2-.Ltmp2, $4  }
0x69: {  	s1 =	sand.u32 $0xFFFFF80, s31  }
0x6a: {  	s1 =	sadd.s32 s0, s1  }
0x6b: {  	[tilespmem:s17], [sflag:$0x1] =	stream.strided.gather [hbm4b:s1+s7], $0x1000, s9, s7, $0x38;
	[tilespmem:$0x14200] =	vst v63  }
0x6c: {  	s3 =	simm.s32 $0x0;
	s1 =	simm.s32 $0x0  }
.LBB2_4:
0x6d: {  	_ =	swait.ge [sflag:s29], $0x1000  }
0x6e: {  	[sflag:s29] =	ssyncset.done $0x0  }
0x6f: {  	[sflag:s29] =	ssyncadd.s32 $0xFFFFF000  }
0x70: {  	_ =	swait.ge [sflag:s29], $0x1000  }
0x71: {  	[sflag:s29] =	ssyncset.done $0x0  }
0x72: {  	[sflag:s29] =	ssyncadd.s32 $0xFFFFF000  }
0x73: {  	_ =	swait.ge [sflag:s29], $0x1000  }
0x74: {  	[sflag:s29] =	ssyncset.done $0x0  }
0x75: {  	[sflag:s29] =	ssyncadd.s32 $0xFFFFF000  }
0x76: {  	_ =	swait.ge [sflag:s29], $0x1000  }
0x77: {  	[sflag:s29] =	ssyncset.done $0x0  }
0x78: {  	[sflag:s29] =	ssyncadd.s32 $0xFFFFF000  }
0x79: {  	_ =	swait.ge [sflag:s29], $0x1000  }
0x7a: {  	[sflag:s29] =	ssyncset.done $0x0  }
0x7b: {  	[sflag:s29] =	ssyncadd.s32 $0xFFFFF000  }
0x7c: {  	_ =	swait.ge [sflag:s29], $0x1000  }
0x7d: {  	[sflag:s29] =	ssyncset.done $0x0  }
0x7e: {  	[sflag:s29] =	ssyncadd.s32 $0xFFFFF000  }
0x7f: {  	_ =	swait.ge [sflag:s29], $0x1000  }
0x80: {  	[sflag:s29] =	ssyncset.done $0x0  }
0x81: {  	[sflag:s29] =	ssyncadd.s32 $0xFFFFF000  }
0x82: {  	_ =	swait.ge [sflag:s29], $0x1000  }
0x83: {  	[sflag:s29] =	ssyncset.done $0x0  }
0x84: {  	[sflag:s29] =	ssyncadd.s32 $0xFFFFF000  }
0x85: {  	v4 =	vld [tilespmem:s1+$0x0];
	_ =	sdelay $0x4  }
0x86: {  	v4 =	vsel vm8, $0x0, v4  }
0x87: {  	(xrf0) =	vadd.scan.msk.s32 $0xffff, v4;
	_ =	sdelay $0x5  }
0x88: {  	v4, _, _ =	vpop (xrf0)  }
0x89: {  	(v2sf) =	vpush v4, $0xF;
	_ =	sdelay $0xe  }
0x8a: {  	s30 =	spop (v2sf)  }
0x8b: {  	s30 =	sand.u32 $0x7F, s30  }
0x8c: {  	s31 =	sadd.s32 $0x8, s3;
	v4 =	vor.u32 s30, v0  }
0x8d: {  	v5 =	vmov s31;
	v6 =	vor.u32 s30, v3  }
0x8e: {  	v7 =	vshll.u32 v5, $0x3  }
0x8f: {  	v5 =	vand.u32 $0x78, v5;
	v7 =	vand.u32 $0xC00, v7  }
0x90: {  	v5 =	vor.u32 v5, v7  }
0x91: {  	v7 =	vor.u32 v1, v5;
	v4 =	vld.idx.msk [tilespmem:v4+s18+$0x0], $0xffff  }
0x92: {  	v5 =	vor.u32 v2, v5;
	v6 =	vld.idx.msk [tilespmem:v6+s18+$0x0], $0xffff;
	_ =	sdelay $0x3  }
0x93: {  	[tilespmem:v7+s28+$0x0] =	vst.idx.msk $0xffff, v4  }
0x94: {  	[tilespmem:v5+s28+$0x0] =	vst.idx.msk $0xffff, v6  }
0x95: {  	v4 =	vld [tilespmem:s1+$0x0];
	_ =	sdelay $0x4  }
0x96: {  	v4 =	vsel vm9, $0x0, v4  }
0x97: {  	(xrf0) =	vadd.scan.msk.s32 $0xffff, v4;
	_ =	sdelay $0x5  }
0x98: {  	v4, _, _ =	vpop (xrf0)  }
0x99: {  	(v2sf) =	vpush v4, $0xF;
	_ =	sdelay $0xe  }
0x9a: {  	s31 =	spop (v2sf)  }
0x9b: {  	s30 =	sand.u32 $0x7F, s31  }
0x9c: {  	s31 =	sadd.s32 $0x9, s3;
	v4 =	vor.u32 s30, v0  }
0x9d: {  	v5 =	vmov s31;
	v50 =	vor.u32 s30, v3  }
0x9e: {  	v51 =	vshll.u32 v5, $0x3  }
0x9f: {  	v5 =	vand.u32 $0x79, v5;
	v7 =	vand.u32 $0xC00, v51  }
0xa0: {  	v5 =	vor.u32 v5, v7  }
0xa1: {  	v7 =	vor.u32 v1, v5;
	v4 =	vld.idx.msk [tilespmem:v4+s19+$0x0], $0xffff  }
0xa2: {  	v5 =	vor.u32 v2, v5;
	v6 =	vld.idx.msk [tilespmem:v50+s19+$0x0], $0xffff;
	_ =	sdelay $0x3  }
0xa3: {  	[tilespmem:v7+s28+$0x0] =	vst.idx.msk $0xffff, v4  }
0xa4: {  	[tilespmem:v5+s28+$0x0] =	vst.idx.msk $0xffff, v6  }
0xa5: {  	v4 =	vld [tilespmem:s1+$0x0];
	_ =	sdelay $0x4  }
0xa6: {  	v4 =	vsel vm10, $0x0, v4  }
0xa7: {  	(xrf0) =	vadd.scan.msk.s32 $0xffff, v4;
	_ =	sdelay $0x5  }
0xa8: {  	v4, _, _ =	vpop (xrf0)  }
0xa9: {  	(v2sf) =	vpush v4, $0xF;
	_ =	sdelay $0xe  }
0xaa: {  	s31 =	spop (v2sf)  }
0xab: {  	s30 =	sand.u32 $0x7F, s31  }
0xac: {  	s31 =	sadd.s32 $0xA, s3;
	v4 =	vor.u32 s30, v0  }
0xad: {  	v5 =	vmov s31;
	v52 =	vor.u32 s30, v3  }
0xae: {  	v53 =	vshll.u32 v5, $0x3  }
0xaf: {  	v5 =	vand.u32 $0x7A, v5;
	v7 =	vand.u32 $0xC00, v53  }
0xb0: {  	v5 =	vor.u32 v5, v7  }
0xb1: {  	v7 =	vor.u32 v1, v5;
	v4 =	vld.idx.msk [tilespmem:v4+s20+$0x0], $0xffff  }
0xb2: {  	v5 =	vor.u32 v2, v5;
	v6 =	vld.idx.msk [tilespmem:v52+s20+$0x0], $0xffff;
	_ =	sdelay $0x3  }
0xb3: {  	[tilespmem:v7+s28+$0x0] =	vst.idx.msk $0xffff, v4  }
0xb4: {  	[tilespmem:v5+s28+$0x0] =	vst.idx.msk $0xffff, v6  }
0xb5: {  	v4 =	vld [tilespmem:s1+$0x0];
	_ =	sdelay $0x4  }
0xb6: {  	v4 =	vsel vm11, $0x0, v4  }
0xb7: {  	(xrf0) =	vadd.scan.msk.s32 $0xffff, v4;
	_ =	sdelay $0x5  }
0xb8: {  	v4, _, _ =	vpop (xrf0)  }
0xb9: {  	(v2sf) =	vpush v4, $0xF;
	_ =	sdelay $0xe  }
0xba: {  	s31 =	spop (v2sf)  }
0xbb: {  	s30 =	sand.u32 $0x7F, s31  }
0xbc: {  	s31 =	sadd.s32 $0xB, s3;
	v4 =	vor.u32 s30, v0  }
0xbd: {  	v5 =	vmov s31;
	v54 =	vor.u32 s30, v3  }
0xbe: {  	v55 =	vshll.u32 v5, $0x3  }
0xbf: {  	v5 =	vand.u32 $0x7B, v5;
	v7 =	vand.u32 $0xC00, v55  }
0xc0: {  	v5 =	vor.u32 v5, v7  }
0xc1: {  	v7 =	vor.u32 v1, v5;
	v4 =	vld.idx.msk [tilespmem:v4+s21+$0x0], $0xffff  }
0xc2: {  	v5 =	vor.u32 v2, v5;
	v6 =	vld.idx.msk [tilespmem:v54+s21+$0x0], $0xffff;
	_ =	sdelay $0x3  }
0xc3: {  	[tilespmem:v7+s28+$0x0] =	vst.idx.msk $0xffff, v4  }
0xc4: {  	[tilespmem:v5+s28+$0x0] =	vst.idx.msk $0xffff, v6  }
0xc5: {  	v4 =	vld [tilespmem:s1+$0x0];
	_ =	sdelay $0x4  }
0xc6: {  	v4 =	vsel vm12, $0x0, v4  }
0xc7: {  	(xrf0) =	vadd.scan.msk.s32 $0xffff, v4;
	_ =	sdelay $0x5  }
0xc8: {  	v4, _, _ =	vpop (xrf0)  }
0xc9: {  	(v2sf) =	vpush v4, $0xF;
	_ =	sdelay $0xe  }
0xca: {  	s31 =	spop (v2sf)  }
0xcb: {  	s30 =	sand.u32 $0x7F, s31  }
0xcc: {  	s31 =	sadd.s32 $0xC, s3;
	v4 =	vor.u32 s30, v0  }
0xcd: {  	v5 =	vmov s31;
	v56 =	vor.u32 s30, v3  }
0xce: {  	v57 =	vshll.u32 v5, $0x3  }
0xcf: {  	v5 =	vand.u32 $0x7C, v5;
	v7 =	vand.u32 $0xC00, v57  }
0xd0: {  	v5 =	vor.u32 v5, v7  }
0xd1: {  	v7 =	vor.u32 v1, v5;
	v4 =	vld.idx.msk [tilespmem:v4+s22+$0x0], $0xffff  }
0xd2: {  	v5 =	vor.u32 v2, v5;
	v6 =	vld.idx.msk [tilespmem:v56+s22+$0x0], $0xffff;
	_ =	sdelay $0x3  }
0xd3: {  	[tilespmem:v7+s28+$0x0] =	vst.idx.msk $0xffff, v4  }
0xd4: {  	[tilespmem:v5+s28+$0x0] =	vst.idx.msk $0xffff, v6  }
0xd5: {  	v4 =	vld [tilespmem:s1+$0x0];
	_ =	sdelay $0x4  }
0xd6: {  	v4 =	vsel vm13, $0x0, v4  }
0xd7: {  	(xrf0) =	vadd.scan.msk.s32 $0xffff, v4;
	_ =	sdelay $0x5  }
0xd8: {  	v4, _, _ =	vpop (xrf0)  }
0xd9: {  	(v2sf) =	vpush v4, $0xF;
	_ =	sdelay $0xe  }
0xda: {  	s31 =	spop (v2sf)  }
0xdb: {  	s30 =	sand.u32 $0x7F, s31  }
0xdc: {  	s31 =	sadd.s32 $0xD, s3;
	v4 =	vor.u32 s30, v0  }
0xdd: {  	v5 =	vmov s31;
	v58 =	vor.u32 s30, v3  }
0xde: {  	v59 =	vshll.u32 v5, $0x3  }
0xdf: {  	v5 =	vand.u32 $0x7D, v5;
	v7 =	vand.u32 $0xC00, v59  }
0xe0: {  	v5 =	vor.u32 v5, v7  }
0xe1: {  	v7 =	vor.u32 v1, v5;
	v4 =	vld.idx.msk [tilespmem:v4+s23+$0x0], $0xffff  }
0xe2: {  	v5 =	vor.u32 v2, v5;
	v6 =	vld.idx.msk [tilespmem:v58+s23+$0x0], $0xffff;
	_ =	sdelay $0x3  }
0xe3: {  	[tilespmem:v7+s28+$0x0] =	vst.idx.msk $0xffff, v4  }
0xe4: {  	[tilespmem:v5+s28+$0x0] =	vst.idx.msk $0xffff, v6  }
0xe5: {  	v4 =	vld [tilespmem:s1+$0x0];
	_ =	sdelay $0x4  }
0xe6: {  	v4 =	vsel vm14, $0x0, v4  }
0xe7: {  	(xrf0) =	vadd.scan.msk.s32 $0xffff, v4;
	_ =	sdelay $0x5  }
0xe8: {  	v4, _, _ =	vpop (xrf0)  }
0xe9: {  	(v2sf) =	vpush v4, $0xF;
	_ =	sdelay $0xe  }
0xea: {  	s31 =	spop (v2sf)  }
0xeb: {  	s30 =	sand.u32 $0x7F, s31  }
0xec: {  	s31 =	sadd.s32 $0xE, s3;
	v4 =	vor.u32 s30, v0  }
0xed: {  	v5 =	vmov s31;
	v60 =	vor.u32 s30, v3  }
0xee: {  	v61 =	vshll.u32 v5, $0x3  }
0xef: {  	v5 =	vand.u32 $0x7E, v5;
	v7 =	vand.u32 $0xC00, v61  }
0xf0: {  	v5 =	vor.u32 v5, v7  }
0xf1: {  	v7 =	vor.u32 v1, v5;
	v4 =	vld.idx.msk [tilespmem:v4+s24+$0x0], $0xffff  }
0xf2: {  	v5 =	vor.u32 v2, v5;
	v6 =	vld.idx.msk [tilespmem:v60+s24+$0x0], $0xffff;
	_ =	sdelay $0x3  }
0xf3: {  	[tilespmem:v7+s28+$0x0] =	vst.idx.msk $0xffff, v4  }
0xf4: {  	[tilespmem:v5+s28+$0x0] =	vst.idx.msk $0xffff, v6  }
0xf5: {  	v4 =	vld [tilespmem:s1+$0x0];
	_ =	sdelay $0x4  }
0xf6: {  	v4 =	vsel vm15, $0x0, v4  }
0xf7: {  	(xrf0) =	vadd.scan.msk.s32 $0xffff, v4;
	_ =	sdelay $0x5  }
0xf8: {  	v4, _, _ =	vpop (xrf0)  }
0xf9: {  	(v2sf) =	vpush v4, $0xF;
	_ =	sdelay $0xe  }
0xfa: {  	s31 =	spop (v2sf)  }
0xfb: {  	s30 =	sand.u32 $0x7F, s31  }
0xfc: {  	s31 =	sadd.s32 $0xF, s3;
	v4 =	vor.u32 s30, v0  }
0xfd: {  	v5 =	vmov s31;
	v62 =	vor.u32 s30, v3  }
0xfe: {  	v63 =	vshll.u32 v5, $0x3  }
0xff: {  	v5 =	vand.u32 $0x7F, v5;
	v7 =	vand.u32 $0xC00, v63  }
0x100: {  	v5 =	vor.u32 v5, v7  }
0x101: {  	s3 =	sadd.s32 $0x10, s3;
	v7 =	vor.u32 v1, v5;
	v4 =	vld.idx.msk [tilespmem:v4+s25+$0x0], $0xffff  }
0x102: {  	p0 =	sne.s32 s3, $0x200;
	v5 =	vor.u32 v2, v5;
	v6 =	vld.idx.msk [tilespmem:v62+s25+$0x0], $0xffff  }
.Ltmp3:
0x103: {  	_ = 	snop;
	(pc) =	sbr.rel @!p0 .LBB2_5-.Ltmp3, $3  }
0x104: {  	_ =	sdelay $0x1  }
0x105: {  	[tilespmem:v7+s28+$0x0] =	vst.idx.msk $0xffff, v4  }
0x106: {  	s1 =	sadd.s32 $0x10, s1;
	[tilespmem:v5+s28+$0x0] =	vst.idx.msk $0xffff, v6  }
.LBB2_2:
0x107: {  	v4 =	vld [tilespmem:s1+$0x0];
	_ =	sdelay $0x4  }
0x108: {  	v4 =	vsel vm8, $0x0, v4  }
0x109: {  	(xrf0) =	vadd.scan.msk.s32 $0xffff, v4;
	_ =	sdelay $0x5  }
0x10a: {  	v4, _, _ =	vpop (xrf0)  }
0x10b: {  	(v2sf) =	vpush v4, $0xF;
	_ =	sdelay $0xe  }
0x10c: {  	s30 =	spop (v2sf)  }
0x10d: {  	s30 =	sand.u32 $0xFFFFF80, s30  }
0x10e: {  	s30 =	sadd.s32 s0, s30  }
0x10f: {  	[tilespmem:s18], [sflag:$0x2] =	stream.strided.gather [hbm4b:s30+s7], $0x1000, s9, s7, $0x38;
	[tilespmem:$0x14200] =	vst v63  }
0x110: {  	v4 =	vld [tilespmem:s1+$0x0];
	_ =	sdelay $0x4  }
0x111: {  	v4 =	vsel vm9, $0x0, v4  }
0x112: {  	(xrf0) =	vadd.scan.msk.s32 $0xffff, v4;
	_ =	sdelay $0x5  }
0x113: {  	v4, _, _ =	vpop (xrf0)  }
0x114: {  	(v2sf) =	vpush v4, $0xF;
	_ =	sdelay $0xe  }
0x115: {  	s31 =	spop (v2sf)  }
0x116: {  	s30 =	sand.u32 $0xFFFFF80, s31  }
0x117: {  	s30 =	sadd.s32 s0, s30  }
0x118: {  	[tilespmem:s19], [sflag:$0x2] =	stream.strided.gather [hbm4b:s30+s7], $0x1000, s9, s7, $0x38;
	[tilespmem:$0x14200] =	vst v63  }
0x119: {  	v4 =	vld [tilespmem:s1+$0x0];
	_ =	sdelay $0x4  }
0x11a: {  	v4 =	vsel vm10, $0x0, v4  }
0x11b: {  	(xrf0) =	vadd.scan.msk.s32 $0xffff, v4;
	_ =	sdelay $0x5  }
0x11c: {  	v4, _, _ =	vpop (xrf0)  }
0x11d: {  	(v2sf) =	vpush v4, $0xF;
	_ =	sdelay $0xe  }
0x11e: {  	s31 =	spop (v2sf)  }
0x11f: {  	s30 =	sand.u32 $0xFFFFF80, s31  }
0x120: {  	s30 =	sadd.s32 s0, s30  }
0x121: {  	[tilespmem:s20], [sflag:$0x2] =	stream.strided.gather [hbm4b:s30+s7], $0x1000, s9, s7, $0x38;
	[tilespmem:$0x14200] =	vst v63  }
0x122: {  	v4 =	vld [tilespmem:s1+$0x0];
	_ =	sdelay $0x4  }
0x123: {  	v4 =	vsel vm11, $0x0, v4  }
0x124: {  	(xrf0) =	vadd.scan.msk.s32 $0xffff, v4;
	_ =	sdelay $0x5  }
0x125: {  	v4, _, _ =	vpop (xrf0)  }
0x126: {  	(v2sf) =	vpush v4, $0xF;
	_ =	sdelay $0xe  }
0x127: {  	s31 =	spop (v2sf)  }
0x128: {  	s30 =	sand.u32 $0xFFFFF80, s31  }
0x129: {  	s30 =	sadd.s32 s0, s30  }
0x12a: {  	[tilespmem:s21], [sflag:$0x2] =	stream.strided.gather [hbm4b:s30+s7], $0x1000, s9, s7, $0x38;
	[tilespmem:$0x14200] =	vst v63  }
0x12b: {  	v4 =	vld [tilespmem:s1+$0x0];
	_ =	sdelay $0x4  }
0x12c: {  	v4 =	vsel vm12, $0x0, v4  }
0x12d: {  	(xrf0) =	vadd.scan.msk.s32 $0xffff, v4;
	_ =	sdelay $0x5  }
0x12e: {  	v4, _, _ =	vpop (xrf0)  }
0x12f: {  	(v2sf) =	vpush v4, $0xF;
	_ =	sdelay $0xe  }
0x130: {  	s31 =	spop (v2sf)  }
0x131: {  	s30 =	sand.u32 $0xFFFFF80, s31  }
0x132: {  	s30 =	sadd.s32 s0, s30  }
0x133: {  	[tilespmem:s22], [sflag:$0x2] =	stream.strided.gather [hbm4b:s30+s7], $0x1000, s9, s7, $0x38;
	[tilespmem:$0x14200] =	vst v63  }
0x134: {  	v4 =	vld [tilespmem:s1+$0x0];
	_ =	sdelay $0x4  }
0x135: {  	v4 =	vsel vm13, $0x0, v4  }
0x136: {  	(xrf0) =	vadd.scan.msk.s32 $0xffff, v4;
	_ =	sdelay $0x5  }
0x137: {  	v4, _, _ =	vpop (xrf0)  }
0x138: {  	(v2sf) =	vpush v4, $0xF;
	_ =	sdelay $0xe  }
0x139: {  	s31 =	spop (v2sf)  }
0x13a: {  	s30 =	sand.u32 $0xFFFFF80, s31  }
0x13b: {  	s30 =	sadd.s32 s0, s30  }
0x13c: {  	[tilespmem:s23], [sflag:$0x2] =	stream.strided.gather [hbm4b:s30+s7], $0x1000, s9, s7, $0x38;
	[tilespmem:$0x14200] =	vst v63  }
0x13d: {  	v4 =	vld [tilespmem:s1+$0x0];
	_ =	sdelay $0x4  }
0x13e: {  	v4 =	vsel vm14, $0x0, v4  }
0x13f: {  	(xrf0) =	vadd.scan.msk.s32 $0xffff, v4;
	_ =	sdelay $0x5  }
0x140: {  	v4, _, _ =	vpop (xrf0)  }
0x141: {  	(v2sf) =	vpush v4, $0xF;
	_ =	sdelay $0xe  }
0x142: {  	s31 =	spop (v2sf)  }
0x143: {  	s30 =	sand.u32 $0xFFFFF80, s31  }
0x144: {  	s30 =	sadd.s32 s0, s30  }
0x145: {  	[tilespmem:s24], [sflag:$0x2] =	stream.strided.gather [hbm4b:s30+s7], $0x1000, s9, s7, $0x38;
	[tilespmem:$0x14200] =	vst v63  }
0x146: {  	v4 =	vld [tilespmem:s1+$0x0];
	_ =	sdelay $0x4  }
0x147: {  	v4 =	vsel vm15, $0x0, v4  }
0x148: {  	(xrf0) =	vadd.scan.msk.s32 $0xffff, v4;
	_ =	sdelay $0x5  }
0x149: {  	v4, _, _ =	vpop (xrf0)  }
0x14a: {  	(v2sf) =	vpush v4, $0xF;
	_ =	sdelay $0xe  }
0x14b: {  	s31 =	spop (v2sf)  }
0x14c: {  	s30 =	sand.u32 $0xFFFFF80, s31  }
0x14d: {  	s30 =	sadd.s32 s0, s30  }
0x14e: {  	[tilespmem:s25], [sflag:$0x2] =	stream.strided.gather [hbm4b:s30+s7], $0x1000, s9, s7, $0x38;
	[tilespmem:$0x14200] =	vst v63  }
0x14f: {  	_ =	swait.ge [sflag:s26], $0x1000  }
0x150: {  	[sflag:s26] =	ssyncset.done $0x0  }
0x151: {  	[sflag:s26] =	ssyncadd.s32 $0xFFFFF000  }
0x152: {  	_ =	swait.ge [sflag:s26], $0x1000  }
0x153: {  	[sflag:s26] =	ssyncset.done $0x0  }
0x154: {  	[sflag:s26] =	ssyncadd.s32 $0xFFFFF000  }
0x155: {  	_ =	swait.ge [sflag:s26], $0x1000  }
0x156: {  	[sflag:s26] =	ssyncset.done $0x0  }
0x157: {  	[sflag:s26] =	ssyncadd.s32 $0xFFFFF000  }
0x158: {  	_ =	swait.ge [sflag:s26], $0x1000  }
0x159: {  	[sflag:s26] =	ssyncset.done $0x0  }
0x15a: {  	[sflag:s26] =	ssyncadd.s32 $0xFFFFF000  }
0x15b: {  	_ =	swait.ge [sflag:s26], $0x1000  }
0x15c: {  	[sflag:s26] =	ssyncset.done $0x0  }
0x15d: {  	[sflag:s26] =	ssyncadd.s32 $0xFFFFF000  }
0x15e: {  	_ =	swait.ge [sflag:s26], $0x1000  }
0x15f: {  	[sflag:s26] =	ssyncset.done $0x0  }
0x160: {  	[sflag:s26] =	ssyncadd.s32 $0xFFFFF000  }
0x161: {  	_ =	swait.ge [sflag:s26], $0x1000  }
0x162: {  	[sflag:s26] =	ssyncset.done $0x0  }
0x163: {  	[sflag:s26] =	ssyncadd.s32 $0xFFFFF000  }
0x164: {  	_ =	swait.ge [sflag:s26], $0x1000  }
0x165: {  	[sflag:s26] =	ssyncset.done $0x0  }
0x166: {  	[sflag:s26] =	ssyncadd.s32 $0xFFFFF000  }
0x167: {  	v4 =	vld [tilespmem:s1+$0x0];
	_ =	sdelay $0x4  }
0x168: {  	v4 =	vnsel vm0, $0x0, v4  }
0x169: {  	(xrf0) =	vadd.scan.msk.s32 $0xffff, v4;
	_ =	sdelay $0x5  }
0x16a: {  	v4, _, _ =	vpop (xrf0)  }
0x16b: {  	(v2sf) =	vpush v4, $0xF;
	_ =	sdelay $0xe  }
0x16c: {  	s31 =	spop (v2sf)  }
0x16d: {  	s30 =	sand.u32 $0x7F, s31  }
0x16e: {  	v4 =	vor.u32 s30, v0  }
0x16f: {  	v5 =	vmov s3;
	v6 =	vor.u32 s30, v3  }
0x170: {  	v7 =	vshll.u32 v5, $0x3  }
0x171: {  	v5 =	vand.u32 $0x70, v5;
	v7 =	vand.u32 $0xC00, v7  }
0x172: {  	v5 =	vor.u32 v5, v7  }
0x173: {  	v7 =	vor.u32 v1, v5;
	v4 =	vld.idx.msk [tilespmem:v4+s10+$0x0], $0xffff  }
0x174: {  	v5 =	vor.u32 v2, v5;
	v6 =	vld.idx.msk [tilespmem:v6+s10+$0x0], $0xffff;
	_ =	sdelay $0x3  }
0x175: {  	[tilespmem:v7+s28+$0x0] =	vst.idx.msk $0xffff, v4  }
0x176: {  	[tilespmem:v5+s28+$0x0] =	vst.idx.msk $0xffff, v6  }
0x177: {  	v4 =	vld [tilespmem:s1+$0x0];
	_ =	sdelay $0x4  }
0x178: {  	v4 =	vsel vm1, $0x0, v4  }
0x179: {  	(xrf0) =	vadd.scan.msk.s32 $0xffff, v4;
	_ =	sdelay $0x5  }
0x17a: {  	v4, _, _ =	vpop (xrf0)  }
0x17b: {  	(v2sf) =	vpush v4, $0xF;
	_ =	sdelay $0xe  }
0x17c: {  	s31 =	spop (v2sf)  }
0x17d: {  	s30 =	sand.u32 $0x7F, s31  }
0x17e: {  	s31 =	sadd.s32 $0x1, s3;
	v4 =	vor.u32 s30, v0  }
0x17f: {  	v5 =	vmov s31;
	v50 =	vor.u32 s30, v3  }
0x180: {  	v51 =	vshll.u32 v5, $0x3  }
0x181: {  	v5 =	vand.u32 $0x71, v5;
	v7 =	vand.u32 $0xC00, v51  }
0x182: {  	v5 =	vor.u32 v5, v7  }
0x183: {  	v7 =	vor.u32 v1, v5;
	v4 =	vld.idx.msk [tilespmem:v4+s11+$0x0], $0xffff  }
0x184: {  	v5 =	vor.u32 v2, v5;
	v6 =	vld.idx.msk [tilespmem:v50+s11+$0x0], $0xffff;
	_ =	sdelay $0x3  }
0x185: {  	[tilespmem:v7+s28+$0x0] =	vst.idx.msk $0xffff, v4  }
0x186: {  	[tilespmem:v5+s28+$0x0] =	vst.idx.msk $0xffff, v6  }
0x187: {  	v4 =	vld [tilespmem:s1+$0x0];
	_ =	sdelay $0x4  }
0x188: {  	v4 =	vsel vm2, $0x0, v4  }
0x189: {  	(xrf0) =	vadd.scan.msk.s32 $0xffff, v4;
	_ =	sdelay $0x5  }
0x18a: {  	v4, _, _ =	vpop (xrf0)  }
0x18b: {  	(v2sf) =	vpush v4, $0xF;
	_ =	sdelay $0xe  }
0x18c: {  	s31 =	spop (v2sf)  }
0x18d: {  	s30 =	sand.u32 $0x7F, s31  }
0x18e: {  	s31 =	sadd.s32 $0x2, s3;
	v4 =	vor.u32 s30, v0  }
0x18f: {  	v5 =	vmov s31;
	v52 =	vor.u32 s30, v3  }
0x190: {  	v53 =	vshll.u32 v5, $0x3  }
0x191: {  	v5 =	vand.u32 $0x72, v5;
	v7 =	vand.u32 $0xC00, v53  }
0x192: {  	v5 =	vor.u32 v5, v7  }
0x193: {  	v7 =	vor.u32 v1, v5;
	v4 =	vld.idx.msk [tilespmem:v4+s12+$0x0], $0xffff  }
0x194: {  	v5 =	vor.u32 v2, v5;
	v6 =	vld.idx.msk [tilespmem:v52+s12+$0x0], $0xffff;
	_ =	sdelay $0x3  }
0x195: {  	[tilespmem:v7+s28+$0x0] =	vst.idx.msk $0xffff, v4  }
0x196: {  	[tilespmem:v5+s28+$0x0] =	vst.idx.msk $0xffff, v6  }
0x197: {  	v4 =	vld [tilespmem:s1+$0x0];
	_ =	sdelay $0x4  }
0x198: {  	v4 =	vsel vm3, $0x0, v4  }
0x199: {  	(xrf0) =	vadd.scan.msk.s32 $0xffff, v4;
	_ =	sdelay $0x5  }
0x19a: {  	v4, _, _ =	vpop (xrf0)  }
0x19b: {  	(v2sf) =	vpush v4, $0xF;
	_ =	sdelay $0xe  }
0x19c: {  	s31 =	spop (v2sf)  }
0x19d: {  	s30 =	sand.u32 $0x7F, s31  }
0x19e: {  	s31 =	sadd.s32 $0x3, s3;
	v4 =	vor.u32 s30, v0  }
0x19f: {  	v5 =	vmov s31;
	v54 =	vor.u32 s30, v3  }
0x1a0: {  	v55 =	vshll.u32 v5, $0x3  }
0x1a1: {  	v5 =	vand.u32 $0x73, v5;
	v7 =	vand.u32 $0xC00, v55  }
0x1a2: {  	v5 =	vor.u32 v5, v7  }
0x1a3: {  	v7 =	vor.u32 v1, v5;
	v4 =	vld.idx.msk [tilespmem:v4+s13+$0x0], $0xffff  }
0x1a4: {  	v5 =	vor.u32 v2, v5;
	v6 =	vld.idx.msk [tilespmem:v54+s13+$0x0], $0xffff;
	_ =	sdelay $0x3  }
0x1a5: {  	[tilespmem:v7+s28+$0x0] =	vst.idx.msk $0xffff, v4  }
0x1a6: {  	[tilespmem:v5+s28+$0x0] =	vst.idx.msk $0xffff, v6  }
0x1a7: {  	v4 =	vld [tilespmem:s1+$0x0];
	_ =	sdelay $0x4  }
0x1a8: {  	v4 =	vsel vm4, $0x0, v4  }
0x1a9: {  	(xrf0) =	vadd.scan.msk.s32 $0xffff, v4;
	_ =	sdelay $0x5  }
0x1aa: {  	v4, _, _ =	vpop (xrf0)  }
0x1ab: {  	(v2sf) =	vpush v4, $0xF;
	_ =	sdelay $0xe  }
0x1ac: {  	s31 =	spop (v2sf)  }
0x1ad: {  	s30 =	sand.u32 $0x7F, s31  }
0x1ae: {  	s31 =	sadd.s32 $0x4, s3;
	v4 =	vor.u32 s30, v0  }
0x1af: {  	v5 =	vmov s31;
	v56 =	vor.u32 s30, v3  }
0x1b0: {  	v57 =	vshll.u32 v5, $0x3  }
0x1b1: {  	v5 =	vand.u32 $0x74, v5;
	v7 =	vand.u32 $0xC00, v57  }
0x1b2: {  	v5 =	vor.u32 v5, v7  }
0x1b3: {  	v7 =	vor.u32 v1, v5;
	v4 =	vld.idx.msk [tilespmem:v4+s14+$0x0], $0xffff  }
0x1b4: {  	v5 =	vor.u32 v2, v5;
	v6 =	vld.idx.msk [tilespmem:v56+s14+$0x0], $0xffff;
	_ =	sdelay $0x3  }
0x1b5: {  	[tilespmem:v7+s28+$0x0] =	vst.idx.msk $0xffff, v4  }
0x1b6: {  	[tilespmem:v5+s28+$0x0] =	vst.idx.msk $0xffff, v6  }
0x1b7: {  	v4 =	vld [tilespmem:s1+$0x0];
	_ =	sdelay $0x4  }
0x1b8: {  	v4 =	vsel vm5, $0x0, v4  }
0x1b9: {  	(xrf0) =	vadd.scan.msk.s32 $0xffff, v4;
	_ =	sdelay $0x5  }
0x1ba: {  	v4, _, _ =	vpop (xrf0)  }
0x1bb: {  	(v2sf) =	vpush v4, $0xF;
	_ =	sdelay $0xe  }
0x1bc: {  	s31 =	spop (v2sf)  }
0x1bd: {  	s30 =	sand.u32 $0x7F, s31  }
0x1be: {  	s31 =	sadd.s32 $0x5, s3;
	v4 =	vor.u32 s30, v0  }
0x1bf: {  	v5 =	vmov s31;
	v58 =	vor.u32 s30, v3  }
0x1c0: {  	v59 =	vshll.u32 v5, $0x3  }
0x1c1: {  	v5 =	vand.u32 $0x75, v5;
	v7 =	vand.u32 $0xC00, v59  }
0x1c2: {  	v5 =	vor.u32 v5, v7  }
0x1c3: {  	v7 =	vor.u32 v1, v5;
	v4 =	vld.idx.msk [tilespmem:v4+s15+$0x0], $0xffff  }
0x1c4: {  	v5 =	vor.u32 v2, v5;
	v6 =	vld.idx.msk [tilespmem:v58+s15+$0x0], $0xffff;
	_ =	sdelay $0x3  }
0x1c5: {  	[tilespmem:v7+s28+$0x0] =	vst.idx.msk $0xffff, v4  }
0x1c6: {  	[tilespmem:v5+s28+$0x0] =	vst.idx.msk $0xffff, v6  }
0x1c7: {  	v4 =	vld [tilespmem:s1+$0x0];
	_ =	sdelay $0x4  }
0x1c8: {  	v4 =	vsel vm6, $0x0, v4  }
0x1c9: {  	(xrf0) =	vadd.scan.msk.s32 $0xffff, v4;
	_ =	sdelay $0x5  }
0x1ca: {  	v4, _, _ =	vpop (xrf0)  }
0x1cb: {  	(v2sf) =	vpush v4, $0xF;
	_ =	sdelay $0xe  }
0x1cc: {  	s31 =	spop (v2sf)  }
0x1cd: {  	s30 =	sand.u32 $0x7F, s31  }
0x1ce: {  	s31 =	sadd.s32 $0x6, s3;
	v4 =	vor.u32 s30, v0  }
0x1cf: {  	v5 =	vmov s31;
	v60 =	vor.u32 s30, v3  }
0x1d0: {  	v61 =	vshll.u32 v5, $0x3  }
0x1d1: {  	v5 =	vand.u32 $0x76, v5;
	v7 =	vand.u32 $0xC00, v61  }
0x1d2: {  	v5 =	vor.u32 v5, v7  }
0x1d3: {  	v7 =	vor.u32 v1, v5;
	v4 =	vld.idx.msk [tilespmem:v4+s16+$0x0], $0xffff  }
0x1d4: {  	v5 =	vor.u32 v2, v5;
	v6 =	vld.idx.msk [tilespmem:v60+s16+$0x0], $0xffff;
	_ =	sdelay $0x3  }
0x1d5: {  	[tilespmem:v7+s28+$0x0] =	vst.idx.msk $0xffff, v4  }
0x1d6: {  	[tilespmem:v5+s28+$0x0] =	vst.idx.msk $0xffff, v6  }
0x1d7: {  	v4 =	vld [tilespmem:s1+$0x0];
	_ =	sdelay $0x4  }
0x1d8: {  	v4 =	vsel vm7, $0x0, v4  }
0x1d9: {  	(xrf0) =	vadd.scan.msk.s32 $0xffff, v4;
	_ =	sdelay $0x5  }
0x1da: {  	v4, _, _ =	vpop (xrf0)  }
0x1db: {  	(v2sf) =	vpush v4, $0xF;
	_ =	sdelay $0xe  }
0x1dc: {  	s31 =	spop (v2sf)  }
0x1dd: {  	s30 =	sand.u32 $0x7F, s31  }
0x1de: {  	s31 =	sadd.s32 $0x7, s3;
	v4 =	vor.u32 s30, v0  }
0x1df: {  	v5 =	vmov s31;
	v62 =	vor.u32 s30, v3  }
0x1e0: {  	v63 =	vshll.u32 v5, $0x3  }
0x1e1: {  	v5 =	vand.u32 $0x77, v5;
	v7 =	vand.u32 $0xC00, v63  }
0x1e2: {  	v5 =	vor.u32 v5, v7  }
0x1e3: {  	v7 =	vor.u32 v1, v5;
	v4 =	vld.idx.msk [tilespmem:v4+s17+$0x0], $0xffff  }
0x1e4: {  	p0 =	seq.s32 s3, $0x1F0;
	v5 =	vor.u32 v2, v5;
	v6 =	vld.idx.msk [tilespmem:v62+s17+$0x0], $0xffff  }
.Ltmp4:
0x1e5: {  	_ = 	snop;
	(pc) =	sbr.rel @p0 .LBB2_4-.Ltmp4, $3  }
0x1e6: {  	_ =	sdelay $0x1  }
0x1e7: {  	[tilespmem:v7+s28+$0x0] =	vst.idx.msk $0xffff, v4  }
0x1e8: {  	[tilespmem:v5+s28+$0x0] =	vst.idx.msk $0xffff, v6  }
0x1e9: {  	v4 =	vld [tilespmem:s1+$0x10];
	_ =	sdelay $0x4  }
0x1ea: {  	v4 =	vnsel vm0, $0x0, v4  }
0x1eb: {  	(xrf0) =	vadd.scan.msk.s32 $0xffff, v4;
	_ =	sdelay $0x5  }
0x1ec: {  	v4, _, _ =	vpop (xrf0)  }
0x1ed: {  	(v2sf) =	vpush v4, $0xF;
	_ =	sdelay $0xe  }
0x1ee: {  	s30 =	spop (v2sf)  }
0x1ef: {  	s30 =	sand.u32 $0xFFFFF80, s30  }
0x1f0: {  	s30 =	sadd.s32 s0, s30  }
0x1f1: {  	[tilespmem:s10], [sflag:$0x1] =	stream.strided.gather [hbm4b:s30+s7], $0x1000, s9, s7, $0x38;
	[tilespmem:$0x14200] =	vst v63  }
0x1f2: {  	v4 =	vld [tilespmem:s1+$0x10];
	_ =	sdelay $0x4  }
0x1f3: {  	v4 =	vsel vm1, $0x0, v4  }
0x1f4: {  	(xrf0) =	vadd.scan.msk.s32 $0xffff, v4;
	_ =	sdelay $0x5  }
0x1f5: {  	v4, _, _ =	vpop (xrf0)  }
0x1f6: {  	(v2sf) =	vpush v4, $0xF;
	_ =	sdelay $0xe  }
0x1f7: {  	s31 =	spop (v2sf)  }
0x1f8: {  	s30 =	sand.u32 $0xFFFFF80, s31  }
0x1f9: {  	s30 =	sadd.s32 s0, s30  }
0x1fa: {  	[tilespmem:s11], [sflag:$0x1] =	stream.strided.gather [hbm4b:s30+s7], $0x1000, s9, s7, $0x38;
	[tilespmem:$0x14200] =	vst v63  }
0x1fb: {  	v4 =	vld [tilespmem:s1+$0x10];
	_ =	sdelay $0x4  }
0x1fc: {  	v4 =	vsel vm2, $0x0, v4  }
0x1fd: {  	(xrf0) =	vadd.scan.msk.s32 $0xffff, v4;
	_ =	sdelay $0x5  }
0x1fe: {  	v4, _, _ =	vpop (xrf0)  }
0x1ff: {  	(v2sf) =	vpush v4, $0xF;
	_ =	sdelay $0xe  }
0x200: {  	s31 =	spop (v2sf)  }
0x201: {  	s30 =	sand.u32 $0xFFFFF80, s31  }
0x202: {  	s30 =	sadd.s32 s0, s30  }
0x203: {  	[tilespmem:s12], [sflag:$0x1] =	stream.strided.gather [hbm4b:s30+s7], $0x1000, s9, s7, $0x38;
	[tilespmem:$0x14200] =	vst v63  }
0x204: {  	v4 =	vld [tilespmem:s1+$0x10];
	_ =	sdelay $0x4  }
0x205: {  	v4 =	vsel vm3, $0x0, v4  }
0x206: {  	(xrf0) =	vadd.scan.msk.s32 $0xffff, v4;
	_ =	sdelay $0x5  }
0x207: {  	v4, _, _ =	vpop (xrf0)  }
0x208: {  	(v2sf) =	vpush v4, $0xF;
	_ =	sdelay $0xe  }
0x209: {  	s31 =	spop (v2sf)  }
0x20a: {  	s30 =	sand.u32 $0xFFFFF80, s31  }
0x20b: {  	s30 =	sadd.s32 s0, s30  }
0x20c: {  	[tilespmem:s13], [sflag:$0x1] =	stream.strided.gather [hbm4b:s30+s7], $0x1000, s9, s7, $0x38;
	[tilespmem:$0x14200] =	vst v63  }
0x20d: {  	v4 =	vld [tilespmem:s1+$0x10];
	_ =	sdelay $0x4  }
0x20e: {  	v4 =	vsel vm4, $0x0, v4  }
0x20f: {  	(xrf0) =	vadd.scan.msk.s32 $0xffff, v4;
	_ =	sdelay $0x5  }
0x210: {  	v4, _, _ =	vpop (xrf0)  }
0x211: {  	(v2sf) =	vpush v4, $0xF;
	_ =	sdelay $0xe  }
0x212: {  	s31 =	spop (v2sf)  }
0x213: {  	s30 =	sand.u32 $0xFFFFF80, s31  }
0x214: {  	s30 =	sadd.s32 s0, s30  }
0x215: {  	[tilespmem:s14], [sflag:$0x1] =	stream.strided.gather [hbm4b:s30+s7], $0x1000, s9, s7, $0x38;
	[tilespmem:$0x14200] =	vst v63  }
0x216: {  	v4 =	vld [tilespmem:s1+$0x10];
	_ =	sdelay $0x4  }
0x217: {  	v4 =	vsel vm5, $0x0, v4  }
0x218: {  	(xrf0) =	vadd.scan.msk.s32 $0xffff, v4;
	_ =	sdelay $0x5  }
0x219: {  	v4, _, _ =	vpop (xrf0)  }
0x21a: {  	(v2sf) =	vpush v4, $0xF;
	_ =	sdelay $0xe  }
0x21b: {  	s31 =	spop (v2sf)  }
0x21c: {  	s30 =	sand.u32 $0xFFFFF80, s31  }
0x21d: {  	s30 =	sadd.s32 s0, s30  }
0x21e: {  	[tilespmem:s15], [sflag:$0x1] =	stream.strided.gather [hbm4b:s30+s7], $0x1000, s9, s7, $0x38;
	[tilespmem:$0x14200] =	vst v63  }
0x21f: {  	v4 =	vld [tilespmem:s1+$0x10];
	_ =	sdelay $0x4  }
0x220: {  	v4 =	vsel vm6, $0x0, v4  }
0x221: {  	(xrf0) =	vadd.scan.msk.s32 $0xffff, v4;
	_ =	sdelay $0x5  }
0x222: {  	v4, _, _ =	vpop (xrf0)  }
0x223: {  	(v2sf) =	vpush v4, $0xF;
	_ =	sdelay $0xe  }
0x224: {  	s31 =	spop (v2sf)  }
0x225: {  	s30 =	sand.u32 $0xFFFFF80, s31  }
0x226: {  	s30 =	sadd.s32 s0, s30  }
0x227: {  	[tilespmem:s16], [sflag:$0x1] =	stream.strided.gather [hbm4b:s30+s7], $0x1000, s9, s7, $0x38;
	[tilespmem:$0x14200] =	vst v63  }
0x228: {  	v4 =	vld [tilespmem:s1+$0x10];
	_ =	sdelay $0x4  }
0x229: {  	v4 =	vsel vm7, $0x0, v4  }
0x22a: {  	(xrf0) =	vadd.scan.msk.s32 $0xffff, v4;
	_ =	sdelay $0x5  }
0x22b: {  	v4, _, _ =	vpop (xrf0)  }
0x22c: {  	(v2sf) =	vpush v4, $0xF;
	_ =	sdelay $0xd  }
.Ltmp5:
0x22d: {  	_ = 	snop;
	(pc) =	sbr.rel .LBB2_4-.Ltmp5, $4  }
0x22e: {  	s31 =	spop (v2sf)  }
0x22f: {  	s30 =	sand.u32 $0xFFFFF80, s31  }
0x230: {  	s30 =	sadd.s32 s0, s30  }
0x231: {  	[tilespmem:s17], [sflag:$0x1] =	stream.strided.gather [hbm4b:s30+s7], $0x1000, s9, s7, $0x38;
	[tilespmem:$0x14200] =	vst v63  }
.LBB2_6:
0x232: {  	_ =	sfence.sel $0x180000  }
0x233: {  	[bflag:$0x0] =	sbarrier.arrive $0xFFFF  }
0x234: {  	_ =	strace $0x90000047  }
0x235: {  	s0 =	stileid.u32;
	[bflag:$0x2] =	sbarrier.arrive $0xFFFF  }
0x236: {  	p0 =	sne.s32 s0, $0x0;
	s0 =	rddreg [dreg:$0x3]  }
0x237: {  	s0 =	sadd.s32 @!p0 $0x100000, s0  }
0x238: {  	[sflag:s0] =	ssyncadd.tile.s32 @!p0 $0x1;
	_ =	shalt  }
.Lfunc_end2:
_tile_overlayer_lowered:
.L_overlay_start_2:
0x239: {  	(tag) =	ssettag $0x2  }
0x23a: {  	s0 =	rddreg [dreg:$0x0];
	s2 =	stileid.u32  }
0x23b: {  	s1 =	rddreg [dreg:$0x1];
	p0 =	sne.s32 s2, $0x0  }
0x23c: {  	s3 =	rddreg [dreg:$0x2];
	[bflag:$0x3] =	sbarrier.arrive $0xFFFF;
	s2 =	simm.s32 @!p0 $0x1C03  }
0x23d: {  	[timem:s3], [sflag:s2] =	dma.local @!p0 [hbm:s0], s1  }
0x23e: {  	s0 =	simm.s32 @!p0 $0x3  }
0x23f: {  	_ =	swait.ge @!p0 [sflag:s0], s1  }
0x240: {  	s1 =	ssub.s32 @!p0 $0x0, s1;
	[sflag:s0] =	ssyncset.done @!p0 $0x0  }
0x241: {  	[sflag:s0] =	ssyncadd.s32 @!p0 s1  }
0x242: {  	[bflag:$0x3] =	sbarrier.arrive $0xFFFF  }
0x243: {  	_ =	shalt  }

</sc_bundles>
